<compile_context>
chip_gen: v7x
topology: tpu7x:2x2x1
jax: 0.10.2.dev20260603
libtpu: 0.0.44.dev20260713+nightly
codegen_flags: <defaults>
</compile_context>

<pallas_src>
import functools

import jax
import jax.numpy as jnp
from jax import lax
from jax.experimental import pallas as pl
from jax.experimental.pallas import tpu as pltpu
from jax.experimental.pallas import tpu_sc as plsc

N = 10000
E = 320000
D = 128
G = 64

NC = 2
NS = 16
NW = NC * NS
C = 128
EPT = -(-E // NW)
NPHASE = 2
NCHUNK = 4 * (-(-EPT // (4 * C)))
CH_P = NCHUNK // NPHASE
NHALF_P = CH_P // 2
EPT_PAD = NCHUNK * C
E_PAD = EPT_PAD * NW
NDUMMY = 112
NPAD = N + NDUMMY
ROWS_PT = NPAD // NS

_mesh = plsc.VectorSubcoreMesh(core_axis_name="c", subcore_axis_name="s")


@functools.partial(
    pl.kernel,
    out_type=jax.ShapeDtypeStruct((NC, NPAD, D), jnp.float32),
    mesh=_mesh,
    scratch_types=[
        pltpu.VMEM((NCHUNK, C), jnp.int32),
        pltpu.VMEM((C, D), jnp.float32),
        pltpu.VMEM_SHARED((NPAD, D), jnp.float32),
    ],
)
def _sc_degree(dst_hbm, ones_hbm, zeros_hbm, out_hbm, dst_v, ones_v, deg_sh):
    cid = lax.axis_index("c")
    sid = lax.axis_index("s")
    tid = cid * NS + sid
    r0 = sid * ROWS_PT
    pltpu.sync_copy(zeros_hbm.at[pl.ds(r0, ROWS_PT)], deg_sh.at[pl.ds(r0, ROWS_PT)])
    pltpu.sync_copy(ones_hbm, ones_v)
    pltpu.sync_copy(dst_hbm.at[tid], dst_v)
    plsc.subcore_barrier()

    def body(j, carry):
        pltpu.sync_copy(ones_v, deg_sh.at[dst_v.at[j]], add=True)
        return carry

    lax.fori_loop(0, NCHUNK, body, 0)
    plsc.subcore_barrier()
    pltpu.sync_copy(deg_sh.at[pl.ds(r0, ROWS_PT)], out_hbm.at[cid, pl.ds(r0, ROWS_PT)])


@functools.partial(
    pl.kernel,
    out_type=jax.ShapeDtypeStruct((NC, NPAD, D), jnp.float32),
    mesh=_mesh,
    scratch_types=[
        pltpu.VMEM((CH_P, C), jnp.int32),
        pltpu.VMEM((CH_P, C), jnp.int32),
        pltpu.VMEM((C, D), jnp.float32),
        pltpu.VMEM((C, D), jnp.float32),
        pltpu.VMEM_SHARED((NPAD, D), jnp.float32),
        pltpu.SemaphoreType.DMA,
        pltpu.SemaphoreType.DMA,
    ],
)
def _sc_edge_agg(hn_hbm, zeros_hbm, src_hbm, dst_hbm, out_hbm,
                 src_v, dst_v, rows_a, rows_b, acc_sh, sem_a, sem_b):
    cid = lax.axis_index("c")
    sid = lax.axis_index("s")
    tid = cid * NS + sid
    r0 = sid * ROWS_PT

    @pl.when(cid == 0)
    def _():
        pltpu.sync_copy(hn_hbm.at[pl.ds(r0, ROWS_PT)], acc_sh.at[pl.ds(r0, ROWS_PT)])

    @pl.when(cid != 0)
    def _():
        pltpu.sync_copy(zeros_hbm.at[pl.ds(r0, ROWS_PT)], acc_sh.at[pl.ds(r0, ROWS_PT)])

    plsc.subcore_barrier()

    def body(i, carry):
        j0 = 2 * i
        j1 = j0 + 1
        pltpu.async_copy(hn_hbm.at[src_v.at[j1]], rows_b, sem_b)
        pltpu.make_async_copy(hn_hbm.at[src_v.at[j0]], rows_a, sem_a).wait()
        pltpu.sync_copy(rows_a, acc_sh.at[dst_v.at[j0]], add=True)

        @pl.when(i < NHALF_P - 1)
        def _():
            pltpu.async_copy(hn_hbm.at[src_v.at[j0 + 2]], rows_a, sem_a)

        pltpu.make_async_copy(hn_hbm.at[src_v.at[j1]], rows_b, sem_b).wait()
        pltpu.sync_copy(rows_b, acc_sh.at[dst_v.at[j1]], add=True)
        return carry

    for p in range(NPHASE):
        pltpu.sync_copy(src_hbm.at[tid, pl.ds(p * CH_P, CH_P)], src_v)
        pltpu.sync_copy(dst_hbm.at[tid, pl.ds(p * CH_P, CH_P)], dst_v)
        pltpu.async_copy(hn_hbm.at[src_v.at[0]], rows_a, sem_a)
        lax.fori_loop(0, NHALF_P, body, 0)
    plsc.subcore_barrier()
    pltpu.sync_copy(acc_sh.at[pl.ds(r0, ROWS_PT)], out_hbm.at[cid, pl.ds(r0, ROWS_PT)])


def _dotbf(a, b):
    return lax.dot_general(a.astype(jnp.bfloat16), b.astype(jnp.bfloat16),
                           (((1,), (1,)), ((), ())),
                           preferred_element_type=jnp.float32)


def _dis8(dsum):
    deg = dsum[0, :, 0:8] + dsum[1, :, 0:8] + 1.0
    return lax.rsqrt(jnp.maximum(deg, 1e-12))


def _tc_h0_body(x_ref, w0_ref, b0_ref, out_ref):
    out_ref[...] = jnp.maximum(
        lax.dot_general(x_ref[...], w0_ref[...], (((1,), (1,)), ((), ())))
        + b0_ref[...], 0.0)


_tc_h0 = pl.pallas_call(
    _tc_h0_body,
    out_shape=jax.ShapeDtypeStruct((N, D), jnp.float32),
)


def _tc_in_body(x_ref, w0_ref, b0_ref, wc1_ref, dsum_ref, out_ref, dis_ref):
    dis8 = _dis8(dsum_ref[...])
    dis_ref[...] = dis8
    h0 = jnp.maximum(_dotbf(x_ref[...], w0_ref[...]) + b0_ref[...], 0.0)
    t = _dotbf(h0, wc1_ref[...])
    out_ref[0:N, :] = t * dis8[:N, 0:1]
    out_ref[N:NPAD, :] = jnp.zeros((NDUMMY, D), jnp.float32)


_tc_in = pl.pallas_call(
    _tc_in_body,
    out_shape=[jax.ShapeDtypeStruct((NPAD, D), jnp.float32),
               jax.ShapeDtypeStruct((NPAD, 8), jnp.float32)],
)


def _tc_mid_body(agg_ref, dis_ref, b_ref, w_ref, out_ref):
    disc = dis_ref[0:N, 0:1]
    s = agg_ref[0, 0:N, :] + agg_ref[1, 0:N, :]
    y = jnp.maximum(s * disc + b_ref[...], 0.0)
    t = _dotbf(y, w_ref[...])
    out_ref[0:N, :] = t * disc
    out_ref[N:NPAD, :] = jnp.zeros((NDUMMY, D), jnp.float32)


_tc_mid = pl.pallas_call(
    _tc_mid_body,
    out_shape=jax.ShapeDtypeStruct((NPAD, D), jnp.float32),
)


def _tc_out_body(agg_ref, dis_ref, b_ref, batch_ref, wl1_ref, bl1_ref,
                 wl2_ref, bl2_ref, out_ref):
    disc = dis_ref[0:N, 0:1]
    s = agg_ref[0, 0:N, :] + agg_ref[1, 0:N, :]
    y = jnp.maximum(s * disc + b_ref[...], 0.0)
    seg = lax.broadcasted_iota(jnp.int32, (1, G), 1)
    onehot = (batch_ref[...] == seg).astype(jnp.float32)
    g = lax.dot_general(onehot, y, (((0,), (0,)), ((), ())),
                        precision=lax.Precision.HIGHEST)
    g2 = jnp.maximum(_dotbf(g, wl1_ref[...]) + bl1_ref[...], 0.0)
    o = _dotbf(g2, wl2_ref[...]) + bl2_ref[...]
    out_ref[...] = o


_tc_out = pl.pallas_call(
    _tc_out_body,
    out_shape=jax.ShapeDtypeStruct((G, 8), jnp.float32),
)


def kernel(x, edge_index, batch, W0, b0, Wc1, bc1, Wc2, bc2, Wc3, bc3,
           Wl1, bl1, Wl2, bl2):
    src = edge_index[0]
    dst = edge_index[1]
    pad_n = E_PAD - E
    padv = (N + (jnp.arange(pad_n, dtype=jnp.int32) % NDUMMY)).astype(jnp.int32)
    src_r = jnp.concatenate([src, padv]).reshape(NW, NCHUNK, C)
    dst_r = jnp.concatenate([dst, padv]).reshape(NW, NCHUNK, C)
    onesD = jnp.ones((C, D), jnp.float32)
    zerosD = jnp.zeros((NPAD, D), jnp.float32)

    dsum = _sc_degree(dst_r, onesD, zerosD)

    hn1, dis8 = _tc_in(x, W0, b0.reshape(1, D), Wc1, dsum)
    agg1 = _sc_edge_agg(hn1, zerosD, src_r, dst_r)
    hn2 = _tc_mid(agg1, dis8, bc1.reshape(1, D), Wc2)
    agg2 = _sc_edge_agg(hn2, zerosD, src_r, dst_r)
    hn3 = _tc_mid(agg2, dis8, bc2.reshape(1, D), Wc3)
    agg3 = _sc_edge_agg(hn3, zerosD, src_r, dst_r)

    wl2_pad = jnp.concatenate([Wl2, jnp.zeros((7, D), jnp.float32)], axis=0)
    bl2_pad = jnp.concatenate([bl2, jnp.zeros((7,), jnp.float32)]).reshape(1, 8)
    o = _tc_out(agg3, dis8, bc3.reshape(1, D), batch.reshape(N, 1),
                Wl1, bl1.reshape(1, D), wl2_pad, bl2_pad)
    return o[:, 0]

# --- scband reference (transcript-rebuilt; emitter-appended) ---
"""Pipeline reference for scband-gcn-69990787056182 (READ-ONLY COPY).

The authoritative reference and input builder live on the scoring server;
editing this copy changes nothing except your own understanding.
"""

import jax, jax.numpy as jnp
import numpy as np

N = 10000
E = 320000
D = 128
G = 64


def _gcn_conv(x, edge_index, W, b):
    n = x.shape[0]
    loop = jnp.arange(n, dtype=edge_index.dtype)
    src = jnp.concatenate([edge_index[0], loop])
    dst = jnp.concatenate([edge_index[1], loop])
    h = x @ W.T
    deg = jnp.zeros((n,), dtype=x.dtype).at[dst].add(jnp.ones_like(dst, dtype=x.dtype))
    dis = jax.lax.rsqrt(jnp.maximum(deg, 1e-12))
    norm = dis[src] * dis[dst]
    msg = h[src] * norm[:, None]
    out = jnp.zeros_like(h).at[dst].add(msg)
    return out + b


def setup_inputs(seed: int = 0):
    key = jax.random.key(seed)
    ks = jax.random.split(key, 16)
    s = 1.0 / np.sqrt(D)
    inp = {
        'x': jax.random.normal(ks[0], (N, D), dtype=jnp.float32),
        'edge_index': jax.random.randint(ks[1], (2, E), 0, N, dtype=jnp.int32),
        'batch': jnp.sort(jax.random.randint(ks[2], (N,), 0, G, dtype=jnp.int32)),
        'W0': jax.random.normal(ks[3], (D, D), dtype=jnp.float32) * s,
        'b0': jnp.zeros((D,), dtype=jnp.float32),
        'Wc1': jax.random.normal(ks[4], (D, D), dtype=jnp.float32) * s,
        'bc1': jnp.zeros((D,), dtype=jnp.float32),
        'Wc2': jax.random.normal(ks[5], (D, D), dtype=jnp.float32) * s,
        'bc2': jnp.zeros((D,), dtype=jnp.float32),
        'Wc3': jax.random.normal(ks[6], (D, D), dtype=jnp.float32) * s,
        'bc3': jnp.zeros((D,), dtype=jnp.float32),
        'Wl1': jax.random.normal(ks[7], (D, D), dtype=jnp.float32) * s,
        'bl1': jnp.zeros((D,), dtype=jnp.float32),
        'Wl2': jax.random.normal(ks[8], (1, D), dtype=jnp.float32) * s,
        'bl2': jnp.zeros((1,), dtype=jnp.float32),
    }
    return inp


def reference(x, edge_index, batch, W0, b0, Wc1, bc1, Wc2, bc2, Wc3, bc3, Wl1, bl1, Wl2, bl2):
    h = jax.nn.relu(x @ W0.T + b0)
    h = jax.nn.relu(_gcn_conv(h, edge_index, Wc1, bc1))
    h = jax.nn.relu(_gcn_conv(h, edge_index, Wc2, bc2))
    h = jax.nn.relu(_gcn_conv(h, edge_index, Wc3, bc3))
    g = jax.ops.segment_sum(h, batch, num_segments=G)
    g = jax.nn.relu(g @ Wl1.T + bl1)
    out = g @ Wl2.T + bl2
    return out.reshape(-1)

if __name__ == "__main__":
    import jax
    _d = setup_inputs()
    print(jax.jit(kernel)(*tuple(_d.values())))

</pallas_src>

<mosaic_0001>
#map = affine_map<(d0, d1) -> (0, 0)>
#map1 = affine_map<(d0, d1) -> (0, 0, 0)>
module attributes {stable_mosaic.version = 14 : i64} {
  func.func @_sc_edge_agg(%arg0: i32, %arg1: i32, %arg2: memref<10112x128xf32, #tpu.memory_space<hbm>>, %arg3: memref<10112x128xf32, #tpu.memory_space<hbm>>, %arg4: memref<32x80x128xi32, #tpu.memory_space<hbm>>, %arg5: memref<32x80x128xi32, #tpu.memory_space<hbm>>, %arg6: memref<2x10112x128xf32, #tpu.memory_space<hbm>>, %arg7: memref<40x128xi32, #tpu.memory_space<vmem>>, %arg8: memref<40x128xi32, #tpu.memory_space<vmem>>, %arg9: memref<128x128xf32, #tpu.memory_space<vmem>>, %arg10: memref<128x128xf32, #tpu.memory_space<vmem>>, %arg11: memref<10112x128xf32, #tpu.memory_space<vmem_shared>>, %arg12: memref<!tpu.dma_semaphore, #tpu.memory_space<semaphore_mem>>, %arg13: memref<!tpu.dma_semaphore, #tpu.memory_space<semaphore_mem>>) attributes {dimension_semantics = [#tpu.dimension_semantics<core_parallel>, #tpu.dimension_semantics<subcore_parallel>], iteration_bounds = array<i64: 2, 16>, scalar_prefetch = 0 : i64, scratch_operands = 7 : i64, tpu.core_type = #tpu.core_type<sc_vector_subcore>, window_params = [{transform_indices = #map}, {transform_indices = #map}, {transform_indices = #map1}, {transform_indices = #map1}, {transform_indices = #map1}]} {
    %mul3A = arith.constant 16 : i32
    %mul3A_0 = arith.muli %arg0, %mul3A : i32
    %add3A = arith.addi %mul3A_0, %arg1 : i32
    %mul3A_1 = arith.constant 632 : i32
    %mul3A_2 = arith.muli %arg1, %mul3A_1 : i32
    %eq3A = arith.constant 0 : i32
    %eq3A_3 = arith.cmpi eq, %arg0, %eq3A : i32
    %convert_element_type3A = arith.extui %eq3A_3 : i1 to i32
    %cond3A = arith.constant 0 : i32
    %cond3A_4 = arith.cmpi ne, %convert_element_type3A, %cond3A : i32
    scf.if %cond3A_4 {
      "tpu.region"() ({
        %run_scoped3A = tpu.sem_alloc : memref<!tpu.dma_semaphore, #tpu.memory_space<semaphore_mem>>
        %dma_start3A_34 = arith.constant 0 : i32
        %dma_start3A_35 = tpu.memref_slice %arg11[%mul3A_2, %dma_start3A_34] : memref<10112x128xf32, #tpu.memory_space<vmem_shared>> -> memref<632x128xf32, #tpu.memory_space<vmem_shared>>
        %dma_start3A_36 = arith.constant 0 : i32
        %dma_start3A_37 = tpu.memref_slice %arg2[%mul3A_2, %dma_start3A_36] : memref<10112x128xf32, #tpu.memory_space<hbm>> -> memref<632x128xf32, #tpu.memory_space<hbm>>
        tpu.enqueue_dma source(%dma_start3A_37 : memref<632x128xf32, #tpu.memory_space<hbm>>) target(%dma_start3A_35 : memref<632x128xf32, #tpu.memory_space<vmem_shared>>) target_semaphore(%run_scoped3A : memref<!tpu.dma_semaphore, #tpu.memory_space<semaphore_mem>>)
        %dma_wait3A = arith.constant 0 : i32
        %dma_wait3A_38 = tpu.memref_slice %arg11[%mul3A_2, %dma_wait3A] : memref<10112x128xf32, #tpu.memory_space<vmem_shared>> -> memref<632x128xf32, #tpu.memory_space<vmem_shared>>
        %dma_wait3A_39 = arith.constant 0 : i32
        %dma_wait3A_40 = tpu.memref_slice %arg2[%mul3A_2, %dma_wait3A_39] : memref<10112x128xf32, #tpu.memory_space<hbm>> -> memref<632x128xf32, #tpu.memory_space<hbm>>
        tpu.wait_dma2 semaphore(%run_scoped3A : memref<!tpu.dma_semaphore, #tpu.memory_space<semaphore_mem>>) src(%dma_wait3A_40 : memref<632x128xf32, #tpu.memory_space<hbm>>) dst(%dma_wait3A_38 : memref<632x128xf32, #tpu.memory_space<vmem_shared>>)
        tpu.yield
      }) : () -> ()
    } else {
    }
    %ne3A = arith.constant 0 : i32
    %ne3A_5 = arith.cmpi ne, %arg0, %ne3A : i32
    %convert_element_type3A_6 = arith.extui %ne3A_5 : i1 to i32
    %cond3A_7 = arith.constant 0 : i32
    %cond3A_8 = arith.cmpi ne, %convert_element_type3A_6, %cond3A_7 : i32
    scf.if %cond3A_8 {
      "tpu.region"() ({
        %run_scoped3A = tpu.sem_alloc : memref<!tpu.dma_semaphore, #tpu.memory_space<semaphore_mem>>
        %dma_start3A_34 = arith.constant 0 : i32
        %dma_start3A_35 = tpu.memref_slice %arg11[%mul3A_2, %dma_start3A_34] : memref<10112x128xf32, #tpu.memory_space<vmem_shared>> -> memref<632x128xf32, #tpu.memory_space<vmem_shared>>
        %dma_start3A_36 = arith.constant 0 : i32
        %dma_start3A_37 = tpu.memref_slice %arg3[%mul3A_2, %dma_start3A_36] : memref<10112x128xf32, #tpu.memory_space<hbm>> -> memref<632x128xf32, #tpu.memory_space<hbm>>
        tpu.enqueue_dma source(%dma_start3A_37 : memref<632x128xf32, #tpu.memory_space<hbm>>) target(%dma_start3A_35 : memref<632x128xf32, #tpu.memory_space<vmem_shared>>) target_semaphore(%run_scoped3A : memref<!tpu.dma_semaphore, #tpu.memory_space<semaphore_mem>>)
        %dma_wait3A = arith.constant 0 : i32
        %dma_wait3A_38 = tpu.memref_slice %arg11[%mul3A_2, %dma_wait3A] : memref<10112x128xf32, #tpu.memory_space<vmem_shared>> -> memref<632x128xf32, #tpu.memory_space<vmem_shared>>
        %dma_wait3A_39 = arith.constant 0 : i32
        %dma_wait3A_40 = tpu.memref_slice %arg3[%mul3A_2, %dma_wait3A_39] : memref<10112x128xf32, #tpu.memory_space<hbm>> -> memref<632x128xf32, #tpu.memory_space<hbm>>
        tpu.wait_dma2 semaphore(%run_scoped3A : memref<!tpu.dma_semaphore, #tpu.memory_space<semaphore_mem>>) src(%dma_wait3A_40 : memref<632x128xf32, #tpu.memory_space<hbm>>) dst(%dma_wait3A_38 : memref<632x128xf32, #tpu.memory_space<vmem_shared>>)
        tpu.yield
      }) : () -> ()
    } else {
    }
    %barrier3A = arith.constant 0 : index
    tpu.barrier barrier_id(%barrier3A)
    "tpu.region"() ({
      %run_scoped3A = tpu.sem_alloc : memref<!tpu.dma_semaphore, #tpu.memory_space<semaphore_mem>>
      %dma_start3A_34 = arith.constant 0 : i32
      %dma_start3A_35 = arith.constant 0 : i32
      %dma_start3A_36 = tpu.memref_slice %arg4[%add3A, %dma_start3A_34, %dma_start3A_35] : memref<32x80x128xi32, #tpu.memory_space<hbm>> -> memref<1x40x128xi32, #tpu.memory_space<hbm>>
      %dma_start3A_37 = tpu.memref_squeeze %dma_start3A_36 : memref<1x40x128xi32, #tpu.memory_space<hbm>> -> memref<40x128xi32, #tpu.memory_space<hbm>>
      %dma_start3A_38 = arith.constant 0 : i32
      %dma_start3A_39 = arith.constant 0 : i32
      %dma_start3A_40 = tpu.memref_slice %arg4[%add3A, %dma_start3A_38, %dma_start3A_39] : memref<32x80x128xi32, #tpu.memory_space<hbm>> -> memref<1x40x128xi32, #tpu.memory_space<hbm>>
      %dma_start3A_41 = tpu.memref_squeeze %dma_start3A_40 : memref<1x40x128xi32, #tpu.memory_space<hbm>> -> memref<40x128xi32, #tpu.memory_space<hbm>>
      tpu.enqueue_dma source(%dma_start3A_41 : memref<40x128xi32, #tpu.memory_space<hbm>>) target(%arg7 : memref<40x128xi32, #tpu.memory_space<vmem>>) target_semaphore(%run_scoped3A : memref<!tpu.dma_semaphore, #tpu.memory_space<semaphore_mem>>)
      %dma_wait3A = arith.constant 0 : i32
      %dma_wait3A_42 = arith.constant 0 : i32
      %dma_wait3A_43 = tpu.memref_slice %arg4[%add3A, %dma_wait3A, %dma_wait3A_42] : memref<32x80x128xi32, #tpu.memory_space<hbm>> -> memref<1x40x128xi32, #tpu.memory_space<hbm>>
      %dma_wait3A_44 = tpu.memref_squeeze %dma_wait3A_43 : memref<1x40x128xi32, #tpu.memory_space<hbm>> -> memref<40x128xi32, #tpu.memory_space<hbm>>
      %dma_wait3A_45 = arith.constant 0 : i32
      %dma_wait3A_46 = arith.constant 0 : i32
      %dma_wait3A_47 = tpu.memref_slice %arg4[%add3A, %dma_wait3A_45, %dma_wait3A_46] : memref<32x80x128xi32, #tpu.memory_space<hbm>> -> memref<1x40x128xi32, #tpu.memory_space<hbm>>
      %dma_wait3A_48 = tpu.memref_squeeze %dma_wait3A_47 : memref<1x40x128xi32, #tpu.memory_space<hbm>> -> memref<40x128xi32, #tpu.memory_space<hbm>>
      tpu.wait_dma2 semaphore(%run_scoped3A : memref<!tpu.dma_semaphore, #tpu.memory_space<semaphore_mem>>) src(%dma_wait3A_48 : memref<40x128xi32, #tpu.memory_space<hbm>>) dst(%arg7 : memref<40x128xi32, #tpu.memory_space<vmem>>)
      tpu.yield
    }) : () -> ()
    "tpu.region"() ({
      %run_scoped3A = tpu.sem_alloc : memref<!tpu.dma_semaphore, #tpu.memory_space<semaphore_mem>>
      %dma_start3A_34 = arith.constant 0 : i32
      %dma_start3A_35 = arith.constant 0 : i32
      %dma_start3A_36 = tpu.memref_slice %arg5[%add3A, %dma_start3A_34, %dma_start3A_35] : memref<32x80x128xi32, #tpu.memory_space<hbm>> -> memref<1x40x128xi32, #tpu.memory_space<hbm>>
      %dma_start3A_37 = tpu.memref_squeeze %dma_start3A_36 : memref<1x40x128xi32, #tpu.memory_space<hbm>> -> memref<40x128xi32, #tpu.memory_space<hbm>>
      %dma_start3A_38 = arith.constant 0 : i32
      %dma_start3A_39 = arith.constant 0 : i32
      %dma_start3A_40 = tpu.memref_slice %arg5[%add3A, %dma_start3A_38, %dma_start3A_39] : memref<32x80x128xi32, #tpu.memory_space<hbm>> -> memref<1x40x128xi32, #tpu.memory_space<hbm>>
      %dma_start3A_41 = tpu.memref_squeeze %dma_start3A_40 : memref<1x40x128xi32, #tpu.memory_space<hbm>> -> memref<40x128xi32, #tpu.memory_space<hbm>>
      tpu.enqueue_dma source(%dma_start3A_41 : memref<40x128xi32, #tpu.memory_space<hbm>>) target(%arg8 : memref<40x128xi32, #tpu.memory_space<vmem>>) target_semaphore(%run_scoped3A : memref<!tpu.dma_semaphore, #tpu.memory_space<semaphore_mem>>)
      %dma_wait3A = arith.constant 0 : i32
      %dma_wait3A_42 = arith.constant 0 : i32
      %dma_wait3A_43 = tpu.memref_slice %arg5[%add3A, %dma_wait3A, %dma_wait3A_42] : memref<32x80x128xi32, #tpu.memory_space<hbm>> -> memref<1x40x128xi32, #tpu.memory_space<hbm>>
      %dma_wait3A_44 = tpu.memref_squeeze %dma_wait3A_43 : memref<1x40x128xi32, #tpu.memory_space<hbm>> -> memref<40x128xi32, #tpu.memory_space<hbm>>
      %dma_wait3A_45 = arith.constant 0 : i32
      %dma_wait3A_46 = arith.constant 0 : i32
      %dma_wait3A_47 = tpu.memref_slice %arg5[%add3A, %dma_wait3A_45, %dma_wait3A_46] : memref<32x80x128xi32, #tpu.memory_space<hbm>> -> memref<1x40x128xi32, #tpu.memory_space<hbm>>
      %dma_wait3A_48 = tpu.memref_squeeze %dma_wait3A_47 : memref<1x40x128xi32, #tpu.memory_space<hbm>> -> memref<40x128xi32, #tpu.memory_space<hbm>>
      tpu.wait_dma2 semaphore(%run_scoped3A : memref<!tpu.dma_semaphore, #tpu.memory_space<semaphore_mem>>) src(%dma_wait3A_48 : memref<40x128xi32, #tpu.memory_space<hbm>>) dst(%arg8 : memref<40x128xi32, #tpu.memory_space<vmem>>)
      tpu.yield
    }) : () -> ()
    %dma_start3A = arith.constant 0 : i32
    %dma_start3A_9 = arith.constant 0 : i32
    %dma_start3A_10 = tpu.memref_slice %arg7[%dma_start3A, %dma_start3A_9] : memref<40x128xi32, #tpu.memory_space<vmem>> -> memref<1x128xi32, #tpu.memory_space<vmem>>
    %dma_start3A_11 = tpu.memref_squeeze %dma_start3A_10 : memref<1x128xi32, #tpu.memory_space<vmem>> -> memref<128xi32, #tpu.memory_space<vmem>>
    %dma_start3A_12 = arith.constant 0 : i32
    %dma_start3A_13 = arith.constant 0 : i32
    %dma_start3A_14 = tpu.memref_slice %arg2[%dma_start3A_12, %dma_start3A_13] : memref<10112x128xf32, #tpu.memory_space<hbm>> -> memref<10112x128xf32, #tpu.memory_space<hbm>>
    tpu.enqueue_indirect_dma source(%dma_start3A_14 : memref<10112x128xf32, #tpu.memory_space<hbm>>) target(%arg9 : memref<128x128xf32, #tpu.memory_space<vmem>>) offsets(%dma_start3A_11 : memref<128xi32, #tpu.memory_space<vmem>>) semaphore(%arg12 : memref<!tpu.dma_semaphore, #tpu.memory_space<semaphore_mem>>)
    %scan3A = arith.constant 0 : i32
    %scan3A_15 = arith.constant 0 : i32
    %scan3A_16 = arith.constant 20 : i32
    %scan3A_17 = arith.addi %scan3A_15, %scan3A_16 : i32
    %scan3A_18 = arith.constant 1 : i32
    scf.for %scan3A_34 = %scan3A_15 to %scan3A_17 step %scan3A_18  : i32 {
      %mul3A_35 = arith.constant 2 : i32
      %mul3A_36 = arith.muli %mul3A_35, %scan3A_34 : i32
      %add3A_37 = arith.constant 1 : i32
      %add3A_38 = arith.addi %mul3A_36, %add3A_37 : i32
      %dma_start3A_39 = arith.constant 0 : i32
      %dma_start3A_40 = tpu.memref_slice %arg7[%add3A_38, %dma_start3A_39] : memref<40x128xi32, #tpu.memory_space<vmem>> -> memref<1x128xi32, #tpu.memory_space<vmem>>
      %dma_start3A_41 = tpu.memref_squeeze %dma_start3A_40 : memref<1x128xi32, #tpu.memory_space<vmem>> -> memref<128xi32, #tpu.memory_space<vmem>>
      %dma_start3A_42 = arith.constant 0 : i32
      %dma_start3A_43 = arith.constant 0 : i32
      %dma_start3A_44 = tpu.memref_slice %arg2[%dma_start3A_42, %dma_start3A_43] : memref<10112x128xf32, #tpu.memory_space<hbm>> -> memref<10112x128xf32, #tpu.memory_space<hbm>>
      tpu.enqueue_indirect_dma source(%dma_start3A_44 : memref<10112x128xf32, #tpu.memory_space<hbm>>) target(%arg10 : memref<128x128xf32, #tpu.memory_space<vmem>>) offsets(%dma_start3A_41 : memref<128xi32, #tpu.memory_space<vmem>>) semaphore(%arg13 : memref<!tpu.dma_semaphore, #tpu.memory_space<semaphore_mem>>)
      %dma_wait3A = arith.constant 0 : i32
      %dma_wait3A_45 = tpu.memref_slice %arg7[%mul3A_36, %dma_wait3A] : memref<40x128xi32, #tpu.memory_space<vmem>> -> memref<1x128xi32, #tpu.memory_space<vmem>>
      %dma_wait3A_46 = tpu.memref_squeeze %dma_wait3A_45 : memref<1x128xi32, #tpu.memory_space<vmem>> -> memref<128xi32, #tpu.memory_space<vmem>>
      %dma_wait3A_47 = arith.constant 0 : i32
      %dma_wait3A_48 = arith.constant 0 : i32
      %dma_wait3A_49 = tpu.memref_slice %arg2[%dma_wait3A_47, %dma_wait3A_48] : memref<10112x128xf32, #tpu.memory_space<hbm>> -> memref<10112x128xf32, #tpu.memory_space<hbm>>
      tpu.wait_indirect_dma semaphore(%arg12 : memref<!tpu.dma_semaphore, #tpu.memory_space<semaphore_mem>>) src(%dma_wait3A_49 : memref<10112x128xf32, #tpu.memory_space<hbm>>) dst(%arg9 : memref<128x128xf32, #tpu.memory_space<vmem>>)
      "tpu.region"() ({
        %run_scoped3A = tpu.sem_alloc : memref<!tpu.dma_semaphore, #tpu.memory_space<semaphore_mem>>
        %dma_start3A_60 = arith.constant 0 : i32
        %dma_start3A_61 = tpu.memref_slice %arg8[%mul3A_36, %dma_start3A_60] : memref<40x128xi32, #tpu.memory_space<vmem>> -> memref<1x128xi32, #tpu.memory_space<vmem>>
        %dma_start3A_62 = tpu.memref_squeeze %dma_start3A_61 : memref<1x128xi32, #tpu.memory_space<vmem>> -> memref<128xi32, #tpu.memory_space<vmem>>
        %dma_start3A_63 = arith.constant 0 : i32
        %dma_start3A_64 = arith.constant 0 : i32
        %dma_start3A_65 = tpu.memref_slice %arg11[%dma_start3A_63, %dma_start3A_64] : memref<10112x128xf32, #tpu.memory_space<vmem_shared>> -> memref<10112x128xf32, #tpu.memory_space<vmem_shared>>
        tpu.enqueue_indirect_dma source(%arg9 : memref<128x128xf32, #tpu.memory_space<vmem>>) target(%dma_start3A_65 : memref<10112x128xf32, #tpu.memory_space<vmem_shared>>) offsets(%dma_start3A_62 : memref<128xi32, #tpu.memory_space<vmem>>) semaphore(%run_scoped3A : memref<!tpu.dma_semaphore, #tpu.memory_space<semaphore_mem>>) {add = true}
        %dma_wait3A_66 = arith.constant 0 : i32
        %dma_wait3A_67 = tpu.memref_slice %arg8[%mul3A_36, %dma_wait3A_66] : memref<40x128xi32, #tpu.memory_space<vmem>> -> memref<1x128xi32, #tpu.memory_space<vmem>>
        %dma_wait3A_68 = tpu.memref_squeeze %dma_wait3A_67 : memref<1x128xi32, #tpu.memory_space<vmem>> -> memref<128xi32, #tpu.memory_space<vmem>>
        %dma_wait3A_69 = arith.constant 0 : i32
        %dma_wait3A_70 = arith.constant 0 : i32
        %dma_wait3A_71 = tpu.memref_slice %arg11[%dma_wait3A_69, %dma_wait3A_70] : memref<10112x128xf32, #tpu.memory_space<vmem_shared>> -> memref<10112x128xf32, #tpu.memory_space<vmem_shared>>
        tpu.wait_indirect_dma semaphore(%run_scoped3A : memref<!tpu.dma_semaphore, #tpu.memory_space<semaphore_mem>>) src(%arg9 : memref<128x128xf32, #tpu.memory_space<vmem>>) dst(%dma_wait3A_71 : memref<10112x128xf32, #tpu.memory_space<vmem_shared>>)
        tpu.yield
      }) : () -> ()
      %lt3A = arith.constant 19 : i32
      %lt3A_50 = arith.cmpi slt, %scan3A_34, %lt3A : i32
      %convert_element_type3A_51 = arith.extui %lt3A_50 : i1 to i32
      %cond3A_52 = arith.constant 0 : i32
      %cond3A_53 = arith.cmpi ne, %convert_element_type3A_51, %cond3A_52 : i32
      scf.if %cond3A_53 {
        %add3A_60 = arith.constant 2 : i32
        %add3A_61 = arith.addi %mul3A_36, %add3A_60 : i32
        %dma_start3A_62 = arith.constant 0 : i32
        %dma_start3A_63 = tpu.memref_slice %arg7[%add3A_61, %dma_start3A_62] : memref<40x128xi32, #tpu.memory_space<vmem>> -> memref<1x128xi32, #tpu.memory_space<vmem>>
        %dma_start3A_64 = tpu.memref_squeeze %dma_start3A_63 : memref<1x128xi32, #tpu.memory_space<vmem>> -> memref<128xi32, #tpu.memory_space<vmem>>
        %dma_start3A_65 = arith.constant 0 : i32
        %dma_start3A_66 = arith.constant 0 : i32
        %dma_start3A_67 = tpu.memref_slice %arg2[%dma_start3A_65, %dma_start3A_66] : memref<10112x128xf32, #tpu.memory_space<hbm>> -> memref<10112x128xf32, #tpu.memory_space<hbm>>
        tpu.enqueue_indirect_dma source(%dma_start3A_67 : memref<10112x128xf32, #tpu.memory_space<hbm>>) target(%arg9 : memref<128x128xf32, #tpu.memory_space<vmem>>) offsets(%dma_start3A_64 : memref<128xi32, #tpu.memory_space<vmem>>) semaphore(%arg12 : memref<!tpu.dma_semaphore, #tpu.memory_space<semaphore_mem>>)
      } else {
      }
      %dma_wait3A_54 = arith.constant 0 : i32
      %dma_wait3A_55 = tpu.memref_slice %arg7[%add3A_38, %dma_wait3A_54] : memref<40x128xi32, #tpu.memory_space<vmem>> -> memref<1x128xi32, #tpu.memory_space<vmem>>
      %dma_wait3A_56 = tpu.memref_squeeze %dma_wait3A_55 : memref<1x128xi32, #tpu.memory_space<vmem>> -> memref<128xi32, #tpu.memory_space<vmem>>
      %dma_wait3A_57 = arith.constant 0 : i32
      %dma_wait3A_58 = arith.constant 0 : i32
      %dma_wait3A_59 = tpu.memref_slice %arg2[%dma_wait3A_57, %dma_wait3A_58] : memref<10112x128xf32, #tpu.memory_space<hbm>> -> memref<10112x128xf32, #tpu.memory_space<hbm>>
      tpu.wait_indirect_dma semaphore(%arg13 : memref<!tpu.dma_semaphore, #tpu.memory_space<semaphore_mem>>) src(%dma_wait3A_59 : memref<10112x128xf32, #tpu.memory_space<hbm>>) dst(%arg10 : memref<128x128xf32, #tpu.memory_space<vmem>>)
      "tpu.region"() ({
        %run_scoped3A = tpu.sem_alloc : memref<!tpu.dma_semaphore, #tpu.memory_space<semaphore_mem>>
        %dma_start3A_60 = arith.constant 0 : i32
        %dma_start3A_61 = tpu.memref_slice %arg8[%add3A_38, %dma_start3A_60] : memref<40x128xi32, #tpu.memory_space<vmem>> -> memref<1x128xi32, #tpu.memory_space<vmem>>
        %dma_start3A_62 = tpu.memref_squeeze %dma_start3A_61 : memref<1x128xi32, #tpu.memory_space<vmem>> -> memref<128xi32, #tpu.memory_space<vmem>>
        %dma_start3A_63 = arith.constant 0 : i32
        %dma_start3A_64 = arith.constant 0 : i32
        %dma_start3A_65 = tpu.memref_slice %arg11[%dma_start3A_63, %dma_start3A_64] : memref<10112x128xf32, #tpu.memory_space<vmem_shared>> -> memref<10112x128xf32, #tpu.memory_space<vmem_shared>>
        tpu.enqueue_indirect_dma source(%arg10 : memref<128x128xf32, #tpu.memory_space<vmem>>) target(%dma_start3A_65 : memref<10112x128xf32, #tpu.memory_space<vmem_shared>>) offsets(%dma_start3A_62 : memref<128xi32, #tpu.memory_space<vmem>>) semaphore(%run_scoped3A : memref<!tpu.dma_semaphore, #tpu.memory_space<semaphore_mem>>) {add = true}
        %dma_wait3A_66 = arith.constant 0 : i32
        %dma_wait3A_67 = tpu.memref_slice %arg8[%add3A_38, %dma_wait3A_66] : memref<40x128xi32, #tpu.memory_space<vmem>> -> memref<1x128xi32, #tpu.memory_space<vmem>>
        %dma_wait3A_68 = tpu.memref_squeeze %dma_wait3A_67 : memref<1x128xi32, #tpu.memory_space<vmem>> -> memref<128xi32, #tpu.memory_space<vmem>>
        %dma_wait3A_69 = arith.constant 0 : i32
        %dma_wait3A_70 = arith.constant 0 : i32
        %dma_wait3A_71 = tpu.memref_slice %arg11[%dma_wait3A_69, %dma_wait3A_70] : memref<10112x128xf32, #tpu.memory_space<vmem_shared>> -> memref<10112x128xf32, #tpu.memory_space<vmem_shared>>
        tpu.wait_indirect_dma semaphore(%run_scoped3A : memref<!tpu.dma_semaphore, #tpu.memory_space<semaphore_mem>>) src(%arg10 : memref<128x128xf32, #tpu.memory_space<vmem>>) dst(%dma_wait3A_71 : memref<10112x128xf32, #tpu.memory_space<vmem_shared>>)
        tpu.yield
      }) : () -> ()
    }
    %scan3A_19 = arith.constant 20 : i32
    "tpu.region"() ({
      %run_scoped3A = tpu.sem_alloc : memref<!tpu.dma_semaphore, #tpu.memory_space<semaphore_mem>>
      %dma_start3A_34 = arith.constant 40 : i32
      %dma_start3A_35 = arith.constant 0 : i32
      %dma_start3A_36 = tpu.memref_slice %arg4[%add3A, %dma_start3A_34, %dma_start3A_35] : memref<32x80x128xi32, #tpu.memory_space<hbm>> -> memref<1x40x128xi32, #tpu.memory_space<hbm>>
      %dma_start3A_37 = tpu.memref_squeeze %dma_start3A_36 : memref<1x40x128xi32, #tpu.memory_space<hbm>> -> memref<40x128xi32, #tpu.memory_space<hbm>>
      %dma_start3A_38 = arith.constant 40 : i32
      %dma_start3A_39 = arith.constant 0 : i32
      %dma_start3A_40 = tpu.memref_slice %arg4[%add3A, %dma_start3A_38, %dma_start3A_39] : memref<32x80x128xi32, #tpu.memory_space<hbm>> -> memref<1x40x128xi32, #tpu.memory_space<hbm>>
      %dma_start3A_41 = tpu.memref_squeeze %dma_start3A_40 : memref<1x40x128xi32, #tpu.memory_space<hbm>> -> memref<40x128xi32, #tpu.memory_space<hbm>>
      tpu.enqueue_dma source(%dma_start3A_41 : memref<40x128xi32, #tpu.memory_space<hbm>>) target(%arg7 : memref<40x128xi32, #tpu.memory_space<vmem>>) target_semaphore(%run_scoped3A : memref<!tpu.dma_semaphore, #tpu.memory_space<semaphore_mem>>)
      %dma_wait3A = arith.constant 40 : i32
      %dma_wait3A_42 = arith.constant 0 : i32
      %dma_wait3A_43 = tpu.memref_slice %arg4[%add3A, %dma_wait3A, %dma_wait3A_42] : memref<32x80x128xi32, #tpu.memory_space<hbm>> -> memref<1x40x128xi32, #tpu.memory_space<hbm>>
      %dma_wait3A_44 = tpu.memref_squeeze %dma_wait3A_43 : memref<1x40x128xi32, #tpu.memory_space<hbm>> -> memref<40x128xi32, #tpu.memory_space<hbm>>
      %dma_wait3A_45 = arith.constant 40 : i32
      %dma_wait3A_46 = arith.constant 0 : i32
      %dma_wait3A_47 = tpu.memref_slice %arg4[%add3A, %dma_wait3A_45, %dma_wait3A_46] : memref<32x80x128xi32, #tpu.memory_space<hbm>> -> memref<1x40x128xi32, #tpu.memory_space<hbm>>
      %dma_wait3A_48 = tpu.memref_squeeze %dma_wait3A_47 : memref<1x40x128xi32, #tpu.memory_space<hbm>> -> memref<40x128xi32, #tpu.memory_space<hbm>>
      tpu.wait_dma2 semaphore(%run_scoped3A : memref<!tpu.dma_semaphore, #tpu.memory_space<semaphore_mem>>) src(%dma_wait3A_48 : memref<40x128xi32, #tpu.memory_space<hbm>>) dst(%arg7 : memref<40x128xi32, #tpu.memory_space<vmem>>)
      tpu.yield
    }) : () -> ()
    "tpu.region"() ({
      %run_scoped3A = tpu.sem_alloc : memref<!tpu.dma_semaphore, #tpu.memory_space<semaphore_mem>>
      %dma_start3A_34 = arith.constant 40 : i32
      %dma_start3A_35 = arith.constant 0 : i32
      %dma_start3A_36 = tpu.memref_slice %arg5[%add3A, %dma_start3A_34, %dma_start3A_35] : memref<32x80x128xi32, #tpu.memory_space<hbm>> -> memref<1x40x128xi32, #tpu.memory_space<hbm>>
      %dma_start3A_37 = tpu.memref_squeeze %dma_start3A_36 : memref<1x40x128xi32, #tpu.memory_space<hbm>> -> memref<40x128xi32, #tpu.memory_space<hbm>>
      %dma_start3A_38 = arith.constant 40 : i32
      %dma_start3A_39 = arith.constant 0 : i32
      %dma_start3A_40 = tpu.memref_slice %arg5[%add3A, %dma_start3A_38, %dma_start3A_39] : memref<32x80x128xi32, #tpu.memory_space<hbm>> -> memref<1x40x128xi32, #tpu.memory_space<hbm>>
      %dma_start3A_41 = tpu.memref_squeeze %dma_start3A_40 : memref<1x40x128xi32, #tpu.memory_space<hbm>> -> memref<40x128xi32, #tpu.memory_space<hbm>>
      tpu.enqueue_dma source(%dma_start3A_41 : memref<40x128xi32, #tpu.memory_space<hbm>>) target(%arg8 : memref<40x128xi32, #tpu.memory_space<vmem>>) target_semaphore(%run_scoped3A : memref<!tpu.dma_semaphore, #tpu.memory_space<semaphore_mem>>)
      %dma_wait3A = arith.constant 40 : i32
      %dma_wait3A_42 = arith.constant 0 : i32
      %dma_wait3A_43 = tpu.memref_slice %arg5[%add3A, %dma_wait3A, %dma_wait3A_42] : memref<32x80x128xi32, #tpu.memory_space<hbm>> -> memref<1x40x128xi32, #tpu.memory_space<hbm>>
      %dma_wait3A_44 = tpu.memref_squeeze %dma_wait3A_43 : memref<1x40x128xi32, #tpu.memory_space<hbm>> -> memref<40x128xi32, #tpu.memory_space<hbm>>
      %dma_wait3A_45 = arith.constant 40 : i32
      %dma_wait3A_46 = arith.constant 0 : i32
      %dma_wait3A_47 = tpu.memref_slice %arg5[%add3A, %dma_wait3A_45, %dma_wait3A_46] : memref<32x80x128xi32, #tpu.memory_space<hbm>> -> memref<1x40x128xi32, #tpu.memory_space<hbm>>
      %dma_wait3A_48 = tpu.memref_squeeze %dma_wait3A_47 : memref<1x40x128xi32, #tpu.memory_space<hbm>> -> memref<40x128xi32, #tpu.memory_space<hbm>>
      tpu.wait_dma2 semaphore(%run_scoped3A : memref<!tpu.dma_semaphore, #tpu.memory_space<semaphore_mem>>) src(%dma_wait3A_48 : memref<40x128xi32, #tpu.memory_space<hbm>>) dst(%arg8 : memref<40x128xi32, #tpu.memory_space<vmem>>)
      tpu.yield
    }) : () -> ()
    %dma_start3A_20 = arith.constant 0 : i32
    %dma_start3A_21 = arith.constant 0 : i32
    %dma_start3A_22 = tpu.memref_slice %arg7[%dma_start3A_20, %dma_start3A_21] : memref<40x128xi32, #tpu.memory_space<vmem>> -> memref<1x128xi32, #tpu.memory_space<vmem>>
    %dma_start3A_23 = tpu.memref_squeeze %dma_start3A_22 : memref<1x128xi32, #tpu.memory_space<vmem>> -> memref<128xi32, #tpu.memory_space<vmem>>
    %dma_start3A_24 = arith.constant 0 : i32
    %dma_start3A_25 = arith.constant 0 : i32
    %dma_start3A_26 = tpu.memref_slice %arg2[%dma_start3A_24, %dma_start3A_25] : memref<10112x128xf32, #tpu.memory_space<hbm>> -> memref<10112x128xf32, #tpu.memory_space<hbm>>
    tpu.enqueue_indirect_dma source(%dma_start3A_26 : memref<10112x128xf32, #tpu.memory_space<hbm>>) target(%arg9 : memref<128x128xf32, #tpu.memory_space<vmem>>) offsets(%dma_start3A_23 : memref<128xi32, #tpu.memory_space<vmem>>) semaphore(%arg12 : memref<!tpu.dma_semaphore, #tpu.memory_space<semaphore_mem>>)
    %scan3A_27 = arith.constant 0 : i32
    %scan3A_28 = arith.constant 0 : i32
    %scan3A_29 = arith.constant 20 : i32
    %scan3A_30 = arith.addi %scan3A_28, %scan3A_29 : i32
    %scan3A_31 = arith.constant 1 : i32
    scf.for %scan3A_34 = %scan3A_28 to %scan3A_30 step %scan3A_31  : i32 {
      %mul3A_35 = arith.constant 2 : i32
      %mul3A_36 = arith.muli %mul3A_35, %scan3A_34 : i32
      %add3A_37 = arith.constant 1 : i32
      %add3A_38 = arith.addi %mul3A_36, %add3A_37 : i32
      %dma_start3A_39 = arith.constant 0 : i32
      %dma_start3A_40 = tpu.memref_slice %arg7[%add3A_38, %dma_start3A_39] : memref<40x128xi32, #tpu.memory_space<vmem>> -> memref<1x128xi32, #tpu.memory_space<vmem>>
      %dma_start3A_41 = tpu.memref_squeeze %dma_start3A_40 : memref<1x128xi32, #tpu.memory_space<vmem>> -> memref<128xi32, #tpu.memory_space<vmem>>
      %dma_start3A_42 = arith.constant 0 : i32
      %dma_start3A_43 = arith.constant 0 : i32
      %dma_start3A_44 = tpu.memref_slice %arg2[%dma_start3A_42, %dma_start3A_43] : memref<10112x128xf32, #tpu.memory_space<hbm>> -> memref<10112x128xf32, #tpu.memory_space<hbm>>
      tpu.enqueue_indirect_dma source(%dma_start3A_44 : memref<10112x128xf32, #tpu.memory_space<hbm>>) target(%arg10 : memref<128x128xf32, #tpu.memory_space<vmem>>) offsets(%dma_start3A_41 : memref<128xi32, #tpu.memory_space<vmem>>) semaphore(%arg13 : memref<!tpu.dma_semaphore, #tpu.memory_space<semaphore_mem>>)
      %dma_wait3A = arith.constant 0 : i32
      %dma_wait3A_45 = tpu.memref_slice %arg7[%mul3A_36, %dma_wait3A] : memref<40x128xi32, #tpu.memory_space<vmem>> -> memref<1x128xi32, #tpu.memory_space<vmem>>
      %dma_wait3A_46 = tpu.memref_squeeze %dma_wait3A_45 : memref<1x128xi32, #tpu.memory_space<vmem>> -> memref<128xi32, #tpu.memory_space<vmem>>
      %dma_wait3A_47 = arith.constant 0 : i32
      %dma_wait3A_48 = arith.constant 0 : i32
      %dma_wait3A_49 = tpu.memref_slice %arg2[%dma_wait3A_47, %dma_wait3A_48] : memref<10112x128xf32, #tpu.memory_space<hbm>> -> memref<10112x128xf32, #tpu.memory_space<hbm>>
      tpu.wait_indirect_dma semaphore(%arg12 : memref<!tpu.dma_semaphore, #tpu.memory_space<semaphore_mem>>) src(%dma_wait3A_49 : memref<10112x128xf32, #tpu.memory_space<hbm>>) dst(%arg9 : memref<128x128xf32, #tpu.memory_space<vmem>>)
      "tpu.region"() ({
        %run_scoped3A = tpu.sem_alloc : memref<!tpu.dma_semaphore, #tpu.memory_space<semaphore_mem>>
        %dma_start3A_60 = arith.constant 0 : i32
        %dma_start3A_61 = tpu.memref_slice %arg8[%mul3A_36, %dma_start3A_60] : memref<40x128xi32, #tpu.memory_space<vmem>> -> memref<1x128xi32, #tpu.memory_space<vmem>>
        %dma_start3A_62 = tpu.memref_squeeze %dma_start3A_61 : memref<1x128xi32, #tpu.memory_space<vmem>> -> memref<128xi32, #tpu.memory_space<vmem>>
        %dma_start3A_63 = arith.constant 0 : i32
        %dma_start3A_64 = arith.constant 0 : i32
        %dma_start3A_65 = tpu.memref_slice %arg11[%dma_start3A_63, %dma_start3A_64] : memref<10112x128xf32, #tpu.memory_space<vmem_shared>> -> memref<10112x128xf32, #tpu.memory_space<vmem_shared>>
        tpu.enqueue_indirect_dma source(%arg9 : memref<128x128xf32, #tpu.memory_space<vmem>>) target(%dma_start3A_65 : memref<10112x128xf32, #tpu.memory_space<vmem_shared>>) offsets(%dma_start3A_62 : memref<128xi32, #tpu.memory_space<vmem>>) semaphore(%run_scoped3A : memref<!tpu.dma_semaphore, #tpu.memory_space<semaphore_mem>>) {add = true}
        %dma_wait3A_66 = arith.constant 0 : i32
        %dma_wait3A_67 = tpu.memref_slice %arg8[%mul3A_36, %dma_wait3A_66] : memref<40x128xi32, #tpu.memory_space<vmem>> -> memref<1x128xi32, #tpu.memory_space<vmem>>
        %dma_wait3A_68 = tpu.memref_squeeze %dma_wait3A_67 : memref<1x128xi32, #tpu.memory_space<vmem>> -> memref<128xi32, #tpu.memory_space<vmem>>
        %dma_wait3A_69 = arith.constant 0 : i32
        %dma_wait3A_70 = arith.constant 0 : i32
        %dma_wait3A_71 = tpu.memref_slice %arg11[%dma_wait3A_69, %dma_wait3A_70] : memref<10112x128xf32, #tpu.memory_space<vmem_shared>> -> memref<10112x128xf32, #tpu.memory_space<vmem_shared>>
        tpu.wait_indirect_dma semaphore(%run_scoped3A : memref<!tpu.dma_semaphore, #tpu.memory_space<semaphore_mem>>) src(%arg9 : memref<128x128xf32, #tpu.memory_space<vmem>>) dst(%dma_wait3A_71 : memref<10112x128xf32, #tpu.memory_space<vmem_shared>>)
        tpu.yield
      }) : () -> ()
      %lt3A = arith.constant 19 : i32
      %lt3A_50 = arith.cmpi slt, %scan3A_34, %lt3A : i32
      %convert_element_type3A_51 = arith.extui %lt3A_50 : i1 to i32
      %cond3A_52 = arith.constant 0 : i32
      %cond3A_53 = arith.cmpi ne, %convert_element_type3A_51, %cond3A_52 : i32
      scf.if %cond3A_53 {
        %add3A_60 = arith.constant 2 : i32
        %add3A_61 = arith.addi %mul3A_36, %add3A_60 : i32
        %dma_start3A_62 = arith.constant 0 : i32
        %dma_start3A_63 = tpu.memref_slice %arg7[%add3A_61, %dma_start3A_62] : memref<40x128xi32, #tpu.memory_space<vmem>> -> memref<1x128xi32, #tpu.memory_space<vmem>>
        %dma_start3A_64 = tpu.memref_squeeze %dma_start3A_63 : memref<1x128xi32, #tpu.memory_space<vmem>> -> memref<128xi32, #tpu.memory_space<vmem>>
        %dma_start3A_65 = arith.constant 0 : i32
        %dma_start3A_66 = arith.constant 0 : i32
        %dma_start3A_67 = tpu.memref_slice %arg2[%dma_start3A_65, %dma_start3A_66] : memref<10112x128xf32, #tpu.memory_space<hbm>> -> memref<10112x128xf32, #tpu.memory_space<hbm>>
        tpu.enqueue_indirect_dma source(%dma_start3A_67 : memref<10112x128xf32, #tpu.memory_space<hbm>>) target(%arg9 : memref<128x128xf32, #tpu.memory_space<vmem>>) offsets(%dma_start3A_64 : memref<128xi32, #tpu.memory_space<vmem>>) semaphore(%arg12 : memref<!tpu.dma_semaphore, #tpu.memory_space<semaphore_mem>>)
      } else {
      }
      %dma_wait3A_54 = arith.constant 0 : i32
      %dma_wait3A_55 = tpu.memref_slice %arg7[%add3A_38, %dma_wait3A_54] : memref<40x128xi32, #tpu.memory_space<vmem>> -> memref<1x128xi32, #tpu.memory_space<vmem>>
      %dma_wait3A_56 = tpu.memref_squeeze %dma_wait3A_55 : memref<1x128xi32, #tpu.memory_space<vmem>> -> memref<128xi32, #tpu.memory_space<vmem>>
      %dma_wait3A_57 = arith.constant 0 : i32
      %dma_wait3A_58 = arith.constant 0 : i32
      %dma_wait3A_59 = tpu.memref_slice %arg2[%dma_wait3A_57, %dma_wait3A_58] : memref<10112x128xf32, #tpu.memory_space<hbm>> -> memref<10112x128xf32, #tpu.memory_space<hbm>>
      tpu.wait_indirect_dma semaphore(%arg13 : memref<!tpu.dma_semaphore, #tpu.memory_space<semaphore_mem>>) src(%dma_wait3A_59 : memref<10112x128xf32, #tpu.memory_space<hbm>>) dst(%arg10 : memref<128x128xf32, #tpu.memory_space<vmem>>)
      "tpu.region"() ({
        %run_scoped3A = tpu.sem_alloc : memref<!tpu.dma_semaphore, #tpu.memory_space<semaphore_mem>>
        %dma_start3A_60 = arith.constant 0 : i32
        %dma_start3A_61 = tpu.memref_slice %arg8[%add3A_38, %dma_start3A_60] : memref<40x128xi32, #tpu.memory_space<vmem>> -> memref<1x128xi32, #tpu.memory_space<vmem>>
        %dma_start3A_62 = tpu.memref_squeeze %dma_start3A_61 : memref<1x128xi32, #tpu.memory_space<vmem>> -> memref<128xi32, #tpu.memory_space<vmem>>
        %dma_start3A_63 = arith.constant 0 : i32
        %dma_start3A_64 = arith.constant 0 : i32
        %dma_start3A_65 = tpu.memref_slice %arg11[%dma_start3A_63, %dma_start3A_64] : memref<10112x128xf32, #tpu.memory_space<vmem_shared>> -> memref<10112x128xf32, #tpu.memory_space<vmem_shared>>
        tpu.enqueue_indirect_dma source(%arg10 : memref<128x128xf32, #tpu.memory_space<vmem>>) target(%dma_start3A_65 : memref<10112x128xf32, #tpu.memory_space<vmem_shared>>) offsets(%dma_start3A_62 : memref<128xi32, #tpu.memory_space<vmem>>) semaphore(%run_scoped3A : memref<!tpu.dma_semaphore, #tpu.memory_space<semaphore_mem>>) {add = true}
        %dma_wait3A_66 = arith.constant 0 : i32
        %dma_wait3A_67 = tpu.memref_slice %arg8[%add3A_38, %dma_wait3A_66] : memref<40x128xi32, #tpu.memory_space<vmem>> -> memref<1x128xi32, #tpu.memory_space<vmem>>
        %dma_wait3A_68 = tpu.memref_squeeze %dma_wait3A_67 : memref<1x128xi32, #tpu.memory_space<vmem>> -> memref<128xi32, #tpu.memory_space<vmem>>
        %dma_wait3A_69 = arith.constant 0 : i32
        %dma_wait3A_70 = arith.constant 0 : i32
        %dma_wait3A_71 = tpu.memref_slice %arg11[%dma_wait3A_69, %dma_wait3A_70] : memref<10112x128xf32, #tpu.memory_space<vmem_shared>> -> memref<10112x128xf32, #tpu.memory_space<vmem_shared>>
        tpu.wait_indirect_dma semaphore(%run_scoped3A : memref<!tpu.dma_semaphore, #tpu.memory_space<semaphore_mem>>) src(%arg10 : memref<128x128xf32, #tpu.memory_space<vmem>>) dst(%dma_wait3A_71 : memref<10112x128xf32, #tpu.memory_space<vmem_shared>>)
        tpu.yield
      }) : () -> ()
    }
    %scan3A_32 = arith.constant 20 : i32
    %barrier3A_33 = arith.constant 0 : index
    tpu.barrier barrier_id(%barrier3A_33)
    "tpu.region"() ({
      %run_scoped3A = tpu.sem_alloc : memref<!tpu.dma_semaphore, #tpu.memory_space<semaphore_mem>>
      %dma_start3A_34 = arith.constant 0 : i32
      %dma_start3A_35 = tpu.memref_slice %arg6[%arg0, %mul3A_2, %dma_start3A_34] : memref<2x10112x128xf32, #tpu.memory_space<hbm>> -> memref<1x632x128xf32, #tpu.memory_space<hbm>>
      %dma_start3A_36 = tpu.memref_squeeze %dma_start3A_35 : memref<1x632x128xf32, #tpu.memory_space<hbm>> -> memref<632x128xf32, #tpu.memory_space<hbm>>
      %dma_start3A_37 = arith.constant 0 : i32
      %dma_start3A_38 = tpu.memref_slice %arg11[%mul3A_2, %dma_start3A_37] : memref<10112x128xf32, #tpu.memory_space<vmem_shared>> -> memref<632x128xf32, #tpu.memory_space<vmem_shared>>
      tpu.enqueue_dma source(%dma_start3A_38 : memref<632x128xf32, #tpu.memory_space<vmem_shared>>) target(%dma_start3A_36 : memref<632x128xf32, #tpu.memory_space<hbm>>) target_semaphore(%run_scoped3A : memref<!tpu.dma_semaphore, #tpu.memory_space<semaphore_mem>>)
      %dma_wait3A = arith.constant 0 : i32
      %dma_wait3A_39 = tpu.memref_slice %arg6[%arg0, %mul3A_2, %dma_wait3A] : memref<2x10112x128xf32, #tpu.memory_space<hbm>> -> memref<1x632x128xf32, #tpu.memory_space<hbm>>
      %dma_wait3A_40 = tpu.memref_squeeze %dma_wait3A_39 : memref<1x632x128xf32, #tpu.memory_space<hbm>> -> memref<632x128xf32, #tpu.memory_space<hbm>>
      %dma_wait3A_41 = arith.constant 0 : i32
      %dma_wait3A_42 = tpu.memref_slice %arg11[%mul3A_2, %dma_wait3A_41] : memref<10112x128xf32, #tpu.memory_space<vmem_shared>> -> memref<632x128xf32, #tpu.memory_space<vmem_shared>>
      tpu.wait_dma2 semaphore(%run_scoped3A : memref<!tpu.dma_semaphore, #tpu.memory_space<semaphore_mem>>) src(%dma_wait3A_42 : memref<632x128xf32, #tpu.memory_space<vmem_shared>>) dst(%dma_wait3A_40 : memref<632x128xf32, #tpu.memory_space<hbm>>)
      tpu.yield
    }) : () -> ()
    return
  }
}

#map = affine_map<(d0, d1) -> (0, 0)>
#map1 = affine_map<(d0, d1) -> (0, 0, 0)>
module attributes {stable_mosaic.version = 14 : i64} {
  func.func @_sc_edge_agg(%arg0: i32, %arg1: i32, %arg2: memref<10112x128xf32, #tpu.memory_space<hbm>>, %arg3: memref<10112x128xf32, #tpu.memory_space<hbm>>, %arg4: memref<32x80x128xi32, #tpu.memory_space<hbm>>, %arg5: memref<32x80x128xi32, #tpu.memory_space<hbm>>, %arg6: memref<2x10112x128xf32, #tpu.memory_space<hbm>>, %arg7: memref<40x128xi32, #tpu.memory_space<vmem>>, %arg8: memref<40x128xi32, #tpu.memory_space<vmem>>, %arg9: memref<128x128xf32, #tpu.memory_space<vmem>>, %arg10: memref<128x128xf32, #tpu.memory_space<vmem>>, %arg11: memref<10112x128xf32, #tpu.memory_space<vmem_shared>>, %arg12: memref<!tpu.dma_semaphore, #tpu.memory_space<semaphore_mem>>, %arg13: memref<!tpu.dma_semaphore, #tpu.memory_space<semaphore_mem>>) attributes {dimension_semantics = [#tpu.dimension_semantics<core_parallel>, #tpu.dimension_semantics<subcore_parallel>], iteration_bounds = array<i64: 2, 16>, scalar_prefetch = 0 : i64, scratch_operands = 7 : i64, tpu.core_type = #tpu.core_type<sc_vector_subcore>, window_params = [{transform_indices = #map}, {transform_indices = #map}, {transform_indices = #map1}, {transform_indices = #map1}, {transform_indices = #map1}]} {
    %mul3A = arith.constant 16 : i32
    %mul3A_0 = arith.muli %arg0, %mul3A : i32
    %add3A = arith.addi %mul3A_0, %arg1 : i32
    %mul3A_1 = arith.constant 632 : i32
    %mul3A_2 = arith.muli %arg1, %mul3A_1 : i32
    %eq3A = arith.constant 0 : i32
    %eq3A_3 = arith.cmpi eq, %arg0, %eq3A : i32
    %convert_element_type3A = arith.extui %eq3A_3 : i1 to i32
    %cond3A = arith.constant 0 : i32
    %cond3A_4 = arith.cmpi ne, %convert_element_type3A, %cond3A : i32
    scf.if %cond3A_4 {
      "tpu.region"() ({
        %run_scoped3A = tpu.sem_alloc : memref<!tpu.dma_semaphore, #tpu.memory_space<semaphore_mem>>
        %dma_start3A_34 = arith.constant 0 : i32
        %dma_start3A_35 = tpu.memref_slice %arg11[%mul3A_2, %dma_start3A_34] : memref<10112x128xf32, #tpu.memory_space<vmem_shared>> -> memref<632x128xf32, #tpu.memory_space<vmem_shared>>
        %dma_start3A_36 = arith.constant 0 : i32
        %dma_start3A_37 = tpu.memref_slice %arg2[%mul3A_2, %dma_start3A_36] : memref<10112x128xf32, #tpu.memory_space<hbm>> -> memref<632x128xf32, #tpu.memory_space<hbm>>
        tpu.enqueue_dma source(%dma_start3A_37 : memref<632x128xf32, #tpu.memory_space<hbm>>) target(%dma_start3A_35 : memref<632x128xf32, #tpu.memory_space<vmem_shared>>) target_semaphore(%run_scoped3A : memref<!tpu.dma_semaphore, #tpu.memory_space<semaphore_mem>>)
        %dma_wait3A = arith.constant 0 : i32
        %dma_wait3A_38 = tpu.memref_slice %arg11[%mul3A_2, %dma_wait3A] : memref<10112x128xf32, #tpu.memory_space<vmem_shared>> -> memref<632x128xf32, #tpu.memory_space<vmem_shared>>
        %dma_wait3A_39 = arith.constant 0 : i32
        %dma_wait3A_40 = tpu.memref_slice %arg2[%mul3A_2, %dma_wait3A_39] : memref<10112x128xf32, #tpu.memory_space<hbm>> -> memref<632x128xf32, #tpu.memory_space<hbm>>
        tpu.wait_dma2 semaphore(%run_scoped3A : memref<!tpu.dma_semaphore, #tpu.memory_space<semaphore_mem>>) src(%dma_wait3A_40 : memref<632x128xf32, #tpu.memory_space<hbm>>) dst(%dma_wait3A_38 : memref<632x128xf32, #tpu.memory_space<vmem_shared>>)
        tpu.yield
      }) : () -> ()
    } else {
    }
    %ne3A = arith.constant 0 : i32
    %ne3A_5 = arith.cmpi ne, %arg0, %ne3A : i32
    %convert_element_type3A_6 = arith.extui %ne3A_5 : i1 to i32
    %cond3A_7 = arith.constant 0 : i32
    %cond3A_8 = arith.cmpi ne, %convert_element_type3A_6, %cond3A_7 : i32
    scf.if %cond3A_8 {
      "tpu.region"() ({
        %run_scoped3A = tpu.sem_alloc : memref<!tpu.dma_semaphore, #tpu.memory_space<semaphore_mem>>
        %dma_start3A_34 = arith.constant 0 : i32
        %dma_start3A_35 = tpu.memref_slice %arg11[%mul3A_2, %dma_start3A_34] : memref<10112x128xf32, #tpu.memory_space<vmem_shared>> -> memref<632x128xf32, #tpu.memory_space<vmem_shared>>
        %dma_start3A_36 = arith.constant 0 : i32
        %dma_start3A_37 = tpu.memref_slice %arg3[%mul3A_2, %dma_start3A_36] : memref<10112x128xf32, #tpu.memory_space<hbm>> -> memref<632x128xf32, #tpu.memory_space<hbm>>
        tpu.enqueue_dma source(%dma_start3A_37 : memref<632x128xf32, #tpu.memory_space<hbm>>) target(%dma_start3A_35 : memref<632x128xf32, #tpu.memory_space<vmem_shared>>) target_semaphore(%run_scoped3A : memref<!tpu.dma_semaphore, #tpu.memory_space<semaphore_mem>>)
        %dma_wait3A = arith.constant 0 : i32
        %dma_wait3A_38 = tpu.memref_slice %arg11[%mul3A_2, %dma_wait3A] : memref<10112x128xf32, #tpu.memory_space<vmem_shared>> -> memref<632x128xf32, #tpu.memory_space<vmem_shared>>
        %dma_wait3A_39 = arith.constant 0 : i32
        %dma_wait3A_40 = tpu.memref_slice %arg3[%mul3A_2, %dma_wait3A_39] : memref<10112x128xf32, #tpu.memory_space<hbm>> -> memref<632x128xf32, #tpu.memory_space<hbm>>
        tpu.wait_dma2 semaphore(%run_scoped3A : memref<!tpu.dma_semaphore, #tpu.memory_space<semaphore_mem>>) src(%dma_wait3A_40 : memref<632x128xf32, #tpu.memory_space<hbm>>) dst(%dma_wait3A_38 : memref<632x128xf32, #tpu.memory_space<vmem_shared>>)
        tpu.yield
      }) : () -> ()
    } else {
    }
    %barrier3A = arith.constant 0 : index
    tpu.barrier barrier_id(%barrier3A)
    "tpu.region"() ({
      %run_scoped3A = tpu.sem_alloc : memref<!tpu.dma_semaphore, #tpu.memory_space<semaphore_mem>>
      %dma_start3A_34 = arith.constant 0 : i32
      %dma_start3A_35 = arith.constant 0 : i32
      %dma_start3A_36 = tpu.memref_slice %arg4[%add3A, %dma_start3A_34, %dma_start3A_35] : memref<32x80x128xi32, #tpu.memory_space<hbm>> -> memref<1x40x128xi32, #tpu.memory_space<hbm>>
      %dma_start3A_37 = tpu.memref_squeeze %dma_start3A_36 : memref<1x40x128xi32, #tpu.memory_space<hbm>> -> memref<40x128xi32, #tpu.memory_space<hbm>>
      %dma_start3A_38 = arith.constant 0 : i32
      %dma_start3A_39 = arith.constant 0 : i32
      %dma_start3A_40 = tpu.memref_slice %arg4[%add3A, %dma_start3A_38, %dma_start3A_39] : memref<32x80x128xi32, #tpu.memory_space<hbm>> -> memref<1x40x128xi32, #tpu.memory_space<hbm>>
      %dma_start3A_41 = tpu.memref_squeeze %dma_start3A_40 : memref<1x40x128xi32, #tpu.memory_space<hbm>> -> memref<40x128xi32, #tpu.memory_space<hbm>>
      tpu.enqueue_dma source(%dma_start3A_41 : memref<40x128xi32, #tpu.memory_space<hbm>>) target(%arg7 : memref<40x128xi32, #tpu.memory_space<vmem>>) target_semaphore(%run_scoped3A : memref<!tpu.dma_semaphore, #tpu.memory_space<semaphore_mem>>)
      %dma_wait3A = arith.constant 0 : i32
      %dma_wait3A_42 = arith.constant 0 : i32
      %dma_wait3A_43 = tpu.memref_slice %arg4[%add3A, %dma_wait3A, %dma_wait3A_42] : memref<32x80x128xi32, #tpu.memory_space<hbm>> -> memref<1x40x128xi32, #tpu.memory_space<hbm>>
      %dma_wait3A_44 = tpu.memref_squeeze %dma_wait3A_43 : memref<1x40x128xi32, #tpu.memory_space<hbm>> -> memref<40x128xi32, #tpu.memory_space<hbm>>
      %dma_wait3A_45 = arith.constant 0 : i32
      %dma_wait3A_46 = arith.constant 0 : i32
      %dma_wait3A_47 = tpu.memref_slice %arg4[%add3A, %dma_wait3A_45, %dma_wait3A_46] : memref<32x80x128xi32, #tpu.memory_space<hbm>> -> memref<1x40x128xi32, #tpu.memory_space<hbm>>
      %dma_wait3A_48 = tpu.memref_squeeze %dma_wait3A_47 : memref<1x40x128xi32, #tpu.memory_space<hbm>> -> memref<40x128xi32, #tpu.memory_space<hbm>>
      tpu.wait_dma2 semaphore(%run_scoped3A : memref<!tpu.dma_semaphore, #tpu.memory_space<semaphore_mem>>) src(%dma_wait3A_48 : memref<40x128xi32, #tpu.memory_space<hbm>>) dst(%arg7 : memref<40x128xi32, #tpu.memory_space<vmem>>)
      tpu.yield
    }) : () -> ()
    "tpu.region"() ({
      %run_scoped3A = tpu.sem_alloc : memref<!tpu.dma_semaphore, #tpu.memory_space<semaphore_mem>>
      %dma_start3A_34 = arith.constant 0 : i32
      %dma_start3A_35 = arith.constant 0 : i32
      %dma_start3A_36 = tpu.memref_slice %arg5[%add3A, %dma_start3A_34, %dma_start3A_35] : memref<32x80x128xi32, #tpu.memory_space<hbm>> -> memref<1x40x128xi32, #tpu.memory_space<hbm>>
      %dma_start3A_37 = tpu.memref_squeeze %dma_start3A_36 : memref<1x40x128xi32, #tpu.memory_space<hbm>> -> memref<40x128xi32, #tpu.memory_space<hbm>>
      %dma_start3A_38 = arith.constant 0 : i32
      %dma_start3A_39 = arith.constant 0 : i32
      %dma_start3A_40 = tpu.memref_slice %arg5[%add3A, %dma_start3A_38, %dma_start3A_39] : memref<32x80x128xi32, #tpu.memory_space<hbm>> -> memref<1x40x128xi32, #tpu.memory_space<hbm>>
      %dma_start3A_41 = tpu.memref_squeeze %dma_start3A_40 : memref<1x40x128xi32, #tpu.memory_space<hbm>> -> memref<40x128xi32, #tpu.memory_space<hbm>>
      tpu.enqueue_dma source(%dma_start3A_41 : memref<40x128xi32, #tpu.memory_space<hbm>>) target(%arg8 : memref<40x128xi32, #tpu.memory_space<vmem>>) target_semaphore(%run_scoped3A : memref<!tpu.dma_semaphore, #tpu.memory_space<semaphore_mem>>)
      %dma_wait3A = arith.constant 0 : i32
      %dma_wait3A_42 = arith.constant 0 : i32
      %dma_wait3A_43 = tpu.memref_slice %arg5[%add3A, %dma_wait3A, %dma_wait3A_42] : memref<32x80x128xi32, #tpu.memory_space<hbm>> -> memref<1x40x128xi32, #tpu.memory_space<hbm>>
      %dma_wait3A_44 = tpu.memref_squeeze %dma_wait3A_43 : memref<1x40x128xi32, #tpu.memory_space<hbm>> -> memref<40x128xi32, #tpu.memory_space<hbm>>
      %dma_wait3A_45 = arith.constant 0 : i32
      %dma_wait3A_46 = arith.constant 0 : i32
      %dma_wait3A_47 = tpu.memref_slice %arg5[%add3A, %dma_wait3A_45, %dma_wait3A_46] : memref<32x80x128xi32, #tpu.memory_space<hbm>> -> memref<1x40x128xi32, #tpu.memory_space<hbm>>
      %dma_wait3A_48 = tpu.memref_squeeze %dma_wait3A_47 : memref<1x40x128xi32, #tpu.memory_space<hbm>> -> memref<40x128xi32, #tpu.memory_space<hbm>>
      tpu.wait_dma2 semaphore(%run_scoped3A : memref<!tpu.dma_semaphore, #tpu.memory_space<semaphore_mem>>) src(%dma_wait3A_48 : memref<40x128xi32, #tpu.memory_space<hbm>>) dst(%arg8 : memref<40x128xi32, #tpu.memory_space<vmem>>)
      tpu.yield
    }) : () -> ()
    %dma_start3A = arith.constant 0 : i32
    %dma_start3A_9 = arith.constant 0 : i32
    %dma_start3A_10 = tpu.memref_slice %arg7[%dma_start3A, %dma_start3A_9] : memref<40x128xi32, #tpu.memory_space<vmem>> -> memref<1x128xi32, #tpu.memory_space<vmem>>
    %dma_start3A_11 = tpu.memref_squeeze %dma_start3A_10 : memref<1x128xi32, #tpu.memory_space<vmem>> -> memref<128xi32, #tpu.memory_space<vmem>>
    %dma_start3A_12 = arith.constant 0 : i32
    %dma_start3A_13 = arith.constant 0 : i32
    %dma_start3A_14 = tpu.memref_slice %arg2[%dma_start3A_12, %dma_start3A_13] : memref<10112x128xf32, #tpu.memory_space<hbm>> -> memref<10112x128xf32, #tpu.memory_space<hbm>>
    tpu.enqueue_indirect_dma source(%dma_start3A_14 : memref<10112x128xf32, #tpu.memory_space<hbm>>) target(%arg9 : memref<128x128xf32, #tpu.memory_space<vmem>>) offsets(%dma_start3A_11 : memref<128xi32, #tpu.memory_space<vmem>>) semaphore(%arg12 : memref<!tpu.dma_semaphore, #tpu.memory_space<semaphore_mem>>)
    %scan3A = arith.constant 0 : i32
    %scan3A_15 = arith.constant 0 : i32
    %scan3A_16 = arith.constant 20 : i32
    %scan3A_17 = arith.addi %scan3A_15, %scan3A_16 : i32
    %scan3A_18 = arith.constant 1 : i32
    scf.for %scan3A_34 = %scan3A_15 to %scan3A_17 step %scan3A_18  : i32 {
      %mul3A_35 = arith.constant 2 : i32
      %mul3A_36 = arith.muli %mul3A_35, %scan3A_34 : i32
      %add3A_37 = arith.constant 1 : i32
      %add3A_38 = arith.addi %mul3A_36, %add3A_37 : i32
      %dma_start3A_39 = arith.constant 0 : i32
      %dma_start3A_40 = tpu.memref_slice %arg7[%add3A_38, %dma_start3A_39] : memref<40x128xi32, #tpu.memory_space<vmem>> -> memref<1x128xi32, #tpu.memory_space<vmem>>
      %dma_start3A_41 = tpu.memref_squeeze %dma_start3A_40 : memref<1x128xi32, #tpu.memory_space<vmem>> -> memref<128xi32, #tpu.memory_space<vmem>>
      %dma_start3A_42 = arith.constant 0 : i32
      %dma_start3A_43 = arith.constant 0 : i32
      %dma_start3A_44 = tpu.memref_slice %arg2[%dma_start3A_42, %dma_start3A_43] : memref<10112x128xf32, #tpu.memory_space<hbm>> -> memref<10112x128xf32, #tpu.memory_space<hbm>>
      tpu.enqueue_indirect_dma source(%dma_start3A_44 : memref<10112x128xf32, #tpu.memory_space<hbm>>) target(%arg10 : memref<128x128xf32, #tpu.memory_space<vmem>>) offsets(%dma_start3A_41 : memref<128xi32, #tpu.memory_space<vmem>>) semaphore(%arg13 : memref<!tpu.dma_semaphore, #tpu.memory_space<semaphore_mem>>)
      %dma_wait3A = arith.constant 0 : i32
      %dma_wait3A_45 = tpu.memref_slice %arg7[%mul3A_36, %dma_wait3A] : memref<40x128xi32, #tpu.memory_space<vmem>> -> memref<1x128xi32, #tpu.memory_space<vmem>>
      %dma_wait3A_46 = tpu.memref_squeeze %dma_wait3A_45 : memref<1x128xi32, #tpu.memory_space<vmem>> -> memref<128xi32, #tpu.memory_space<vmem>>
      %dma_wait3A_47 = arith.constant 0 : i32
      %dma_wait3A_48 = arith.constant 0 : i32
      %dma_wait3A_49 = tpu.memref_slice %arg2[%dma_wait3A_47, %dma_wait3A_48] : memref<10112x128xf32, #tpu.memory_space<hbm>> -> memref<10112x128xf32, #tpu.memory_space<hbm>>
      tpu.wait_indirect_dma semaphore(%arg12 : memref<!tpu.dma_semaphore, #tpu.memory_space<semaphore_mem>>) src(%dma_wait3A_49 : memref<10112x128xf32, #tpu.memory_space<hbm>>) dst(%arg9 : memref<128x128xf32, #tpu.memory_space<vmem>>)
      "tpu.region"() ({
        %run_scoped3A = tpu.sem_alloc : memref<!tpu.dma_semaphore, #tpu.memory_space<semaphore_mem>>
        %dma_start3A_60 = arith.constant 0 : i32
        %dma_start3A_61 = tpu.memref_slice %arg8[%mul3A_36, %dma_start3A_60] : memref<40x128xi32, #tpu.memory_space<vmem>> -> memref<1x128xi32, #tpu.memory_space<vmem>>
        %dma_start3A_62 = tpu.memref_squeeze %dma_start3A_61 : memref<1x128xi32, #tpu.memory_space<vmem>> -> memref<128xi32, #tpu.memory_space<vmem>>
        %dma_start3A_63 = arith.constant 0 : i32
        %dma_start3A_64 = arith.constant 0 : i32
        %dma_start3A_65 = tpu.memref_slice %arg11[%dma_start3A_63, %dma_start3A_64] : memref<10112x128xf32, #tpu.memory_space<vmem_shared>> -> memref<10112x128xf32, #tpu.memory_space<vmem_shared>>
        tpu.enqueue_indirect_dma source(%arg9 : memref<128x128xf32, #tpu.memory_space<vmem>>) target(%dma_start3A_65 : memref<10112x128xf32, #tpu.memory_space<vmem_shared>>) offsets(%dma_start3A_62 : memref<128xi32, #tpu.memory_space<vmem>>) semaphore(%run_scoped3A : memref<!tpu.dma_semaphore, #tpu.memory_space<semaphore_mem>>) {add = true}
        %dma_wait3A_66 = arith.constant 0 : i32
        %dma_wait3A_67 = tpu.memref_slice %arg8[%mul3A_36, %dma_wait3A_66] : memref<40x128xi32, #tpu.memory_space<vmem>> -> memref<1x128xi32, #tpu.memory_space<vmem>>
        %dma_wait3A_68 = tpu.memref_squeeze %dma_wait3A_67 : memref<1x128xi32, #tpu.memory_space<vmem>> -> memref<128xi32, #tpu.memory_space<vmem>>
        %dma_wait3A_69 = arith.constant 0 : i32
        %dma_wait3A_70 = arith.constant 0 : i32
        %dma_wait3A_71 = tpu.memref_slice %arg11[%dma_wait3A_69, %dma_wait3A_70] : memref<10112x128xf32, #tpu.memory_space<vmem_shared>> -> memref<10112x128xf32, #tpu.memory_space<vmem_shared>>
        tpu.wait_indirect_dma semaphore(%run_scoped3A : memref<!tpu.dma_semaphore, #tpu.memory_space<semaphore_mem>>) src(%arg9 : memref<128x128xf32, #tpu.memory_space<vmem>>) dst(%dma_wait3A_71 : memref<10112x128xf32, #tpu.memory_space<vmem_shared>>)
        tpu.yield
      }) : () -> ()
      %lt3A = arith.constant 19 : i32
      %lt3A_50 = arith.cmpi slt, %scan3A_34, %lt3A : i32
      %convert_element_type3A_51 = arith.extui %lt3A_50 : i1 to i32
      %cond3A_52 = arith.constant 0 : i32
      %cond3A_53 = arith.cmpi ne, %convert_element_type3A_51, %cond3A_52 : i32
      scf.if %cond3A_53 {
        %add3A_60 = arith.constant 2 : i32
        %add3A_61 = arith.addi %mul3A_36, %add3A_60 : i32
        %dma_start3A_62 = arith.constant 0 : i32
        %dma_start3A_63 = tpu.memref_slice %arg7[%add3A_61, %dma_start3A_62] : memref<40x128xi32, #tpu.memory_space<vmem>> -> memref<1x128xi32, #tpu.memory_space<vmem>>
        %dma_start3A_64 = tpu.memref_squeeze %dma_start3A_63 : memref<1x128xi32, #tpu.memory_space<vmem>> -> memref<128xi32, #tpu.memory_space<vmem>>
        %dma_start3A_65 = arith.constant 0 : i32
        %dma_start3A_66 = arith.constant 0 : i32
        %dma_start3A_67 = tpu.memref_slice %arg2[%dma_start3A_65, %dma_start3A_66] : memref<10112x128xf32, #tpu.memory_space<hbm>> -> memref<10112x128xf32, #tpu.memory_space<hbm>>
        tpu.enqueue_indirect_dma source(%dma_start3A_67 : memref<10112x128xf32, #tpu.memory_space<hbm>>) target(%arg9 : memref<128x128xf32, #tpu.memory_space<vmem>>) offsets(%dma_start3A_64 : memref<128xi32, #tpu.memory_space<vmem>>) semaphore(%arg12 : memref<!tpu.dma_semaphore, #tpu.memory_space<semaphore_mem>>)
      } else {
      }
      %dma_wait3A_54 = arith.constant 0 : i32
      %dma_wait3A_55 = tpu.memref_slice %arg7[%add3A_38, %dma_wait3A_54] : memref<40x128xi32, #tpu.memory_space<vmem>> -> memref<1x128xi32, #tpu.memory_space<vmem>>
      %dma_wait3A_56 = tpu.memref_squeeze %dma_wait3A_55 : memref<1x128xi32, #tpu.memory_space<vmem>> -> memref<128xi32, #tpu.memory_space<vmem>>
      %dma_wait3A_57 = arith.constant 0 : i32
      %dma_wait3A_58 = arith.constant 0 : i32
      %dma_wait3A_59 = tpu.memref_slice %arg2[%dma_wait3A_57, %dma_wait3A_58] : memref<10112x128xf32, #tpu.memory_space<hbm>> -> memref<10112x128xf32, #tpu.memory_space<hbm>>
      tpu.wait_indirect_dma semaphore(%arg13 : memref<!tpu.dma_semaphore, #tpu.memory_space<semaphore_mem>>) src(%dma_wait3A_59 : memref<10112x128xf32, #tpu.memory_space<hbm>>) dst(%arg10 : memref<128x128xf32, #tpu.memory_space<vmem>>)
      "tpu.region"() ({
        %run_scoped3A = tpu.sem_alloc : memref<!tpu.dma_semaphore, #tpu.memory_space<semaphore_mem>>
        %dma_start3A_60 = arith.constant 0 : i32
        %dma_start3A_61 = tpu.memref_slice %arg8[%add3A_38, %dma_start3A_60] : memref<40x128xi32, #tpu.memory_space<vmem>> -> memref<1x128xi32, #tpu.memory_space<vmem>>
        %dma_start3A_62 = tpu.memref_squeeze %dma_start3A_61 : memref<1x128xi32, #tpu.memory_space<vmem>> -> memref<128xi32, #tpu.memory_space<vmem>>
        %dma_start3A_63 = arith.constant 0 : i32
        %dma_start3A_64 = arith.constant 0 : i32
        %dma_start3A_65 = tpu.memref_slice %arg11[%dma_start3A_63, %dma_start3A_64] : memref<10112x128xf32, #tpu.memory_space<vmem_shared>> -> memref<10112x128xf32, #tpu.memory_space<vmem_shared>>
        tpu.enqueue_indirect_dma source(%arg10 : memref<128x128xf32, #tpu.memory_space<vmem>>) target(%dma_start3A_65 : memref<10112x128xf32, #tpu.memory_space<vmem_shared>>) offsets(%dma_start3A_62 : memref<128xi32, #tpu.memory_space<vmem>>) semaphore(%run_scoped3A : memref<!tpu.dma_semaphore, #tpu.memory_space<semaphore_mem>>) {add = true}
        %dma_wait3A_66 = arith.constant 0 : i32
        %dma_wait3A_67 = tpu.memref_slice %arg8[%add3A_38, %dma_wait3A_66] : memref<40x128xi32, #tpu.memory_space<vmem>> -> memref<1x128xi32, #tpu.memory_space<vmem>>
        %dma_wait3A_68 = tpu.memref_squeeze %dma_wait3A_67 : memref<1x128xi32, #tpu.memory_space<vmem>> -> memref<128xi32, #tpu.memory_space<vmem>>
        %dma_wait3A_69 = arith.constant 0 : i32
        %dma_wait3A_70 = arith.constant 0 : i32
        %dma_wait3A_71 = tpu.memref_slice %arg11[%dma_wait3A_69, %dma_wait3A_70] : memref<10112x128xf32, #tpu.memory_space<vmem_shared>> -> memref<10112x128xf32, #tpu.memory_space<vmem_shared>>
        tpu.wait_indirect_dma semaphore(%run_scoped3A : memref<!tpu.dma_semaphore, #tpu.memory_space<semaphore_mem>>) src(%arg10 : memref<128x128xf32, #tpu.memory_space<vmem>>) dst(%dma_wait3A_71 : memref<10112x128xf32, #tpu.memory_space<vmem_shared>>)
        tpu.yield
      }) : () -> ()
    }
    %scan3A_19 = arith.constant 20 : i32
    "tpu.region"() ({
      %run_scoped3A = tpu.sem_alloc : memref<!tpu.dma_semaphore, #tpu.memory_space<semaphore_mem>>
      %dma_start3A_34 = arith.constant 40 : i32
      %dma_start3A_35 = arith.constant 0 : i32
      %dma_start3A_36 = tpu.memref_slice %arg4[%add3A, %dma_start3A_34, %dma_start3A_35] : memref<32x80x128xi32, #tpu.memory_space<hbm>> -> memref<1x40x128xi32, #tpu.memory_space<hbm>>
      %dma_start3A_37 = tpu.memref_squeeze %dma_start3A_36 : memref<1x40x128xi32, #tpu.memory_space<hbm>> -> memref<40x128xi32, #tpu.memory_space<hbm>>
      %dma_start3A_38 = arith.constant 40 : i32
      %dma_start3A_39 = arith.constant 0 : i32
      %dma_start3A_40 = tpu.memref_slice %arg4[%add3A, %dma_start3A_38, %dma_start3A_39] : memref<32x80x128xi32, #tpu.memory_space<hbm>> -> memref<1x40x128xi32, #tpu.memory_space<hbm>>
      %dma_start3A_41 = tpu.memref_squeeze %dma_start3A_40 : memref<1x40x128xi32, #tpu.memory_space<hbm>> -> memref<40x128xi32, #tpu.memory_space<hbm>>
      tpu.enqueue_dma source(%dma_start3A_41 : memref<40x128xi32, #tpu.memory_space<hbm>>) target(%arg7 : memref<40x128xi32, #tpu.memory_space<vmem>>) target_semaphore(%run_scoped3A : memref<!tpu.dma_semaphore, #tpu.memory_space<semaphore_mem>>)
      %dma_wait3A = arith.constant 40 : i32
      %dma_wait3A_42 = arith.constant 0 : i32
      %dma_wait3A_43 = tpu.memref_slice %arg4[%add3A, %dma_wait3A, %dma_wait3A_42] : memref<32x80x128xi32, #tpu.memory_space<hbm>> -> memref<1x40x128xi32, #tpu.memory_space<hbm>>
      %dma_wait3A_44 = tpu.memref_squeeze %dma_wait3A_43 : memref<1x40x128xi32, #tpu.memory_space<hbm>> -> memref<40x128xi32, #tpu.memory_space<hbm>>
      %dma_wait3A_45 = arith.constant 40 : i32
      %dma_wait3A_46 = arith.constant 0 : i32
      %dma_wait3A_47 = tpu.memref_slice %arg4[%add3A, %dma_wait3A_45, %dma_wait3A_46] : memref<32x80x128xi32, #tpu.memory_space<hbm>> -> memref<1x40x128xi32, #tpu.memory_space<hbm>>
      %dma_wait3A_48 = tpu.memref_squeeze %dma_wait3A_47 : memref<1x40x128xi32, #tpu.memory_space<hbm>> -> memref<40x128xi32, #tpu.memory_space<hbm>>
      tpu.wait_dma2 semaphore(%run_scoped3A : memref<!tpu.dma_semaphore, #tpu.memory_space<semaphore_mem>>) src(%dma_wait3A_48 : memref<40x128xi32, #tpu.memory_space<hbm>>) dst(%arg7 : memref<40x128xi32, #tpu.memory_space<vmem>>)
      tpu.yield
    }) : () -> ()
    "tpu.region"() ({
      %run_scoped3A = tpu.sem_alloc : memref<!tpu.dma_semaphore, #tpu.memory_space<semaphore_mem>>
      %dma_start3A_34 = arith.constant 40 : i32
      %dma_start3A_35 = arith.constant 0 : i32
      %dma_start3A_36 = tpu.memref_slice %arg5[%add3A, %dma_start3A_34, %dma_start3A_35] : memref<32x80x128xi32, #tpu.memory_space<hbm>> -> memref<1x40x128xi32, #tpu.memory_space<hbm>>
      %dma_start3A_37 = tpu.memref_squeeze %dma_start3A_36 : memref<1x40x128xi32, #tpu.memory_space<hbm>> -> memref<40x128xi32, #tpu.memory_space<hbm>>
      %dma_start3A_38 = arith.constant 40 : i32
      %dma_start3A_39 = arith.constant 0 : i32
      %dma_start3A_40 = tpu.memref_slice %arg5[%add3A, %dma_start3A_38, %dma_start3A_39] : memref<32x80x128xi32, #tpu.memory_space<hbm>> -> memref<1x40x128xi32, #tpu.memory_space<hbm>>
      %dma_start3A_41 = tpu.memref_squeeze %dma_start3A_40 : memref<1x40x128xi32, #tpu.memory_space<hbm>> -> memref<40x128xi32, #tpu.memory_space<hbm>>
      tpu.enqueue_dma source(%dma_start3A_41 : memref<40x128xi32, #tpu.memory_space<hbm>>) target(%arg8 : memref<40x128xi32, #tpu.memory_space<vmem>>) target_semaphore(%run_scoped3A : memref<!tpu.dma_semaphore, #tpu.memory_space<semaphore_mem>>)
      %dma_wait3A = arith.constant 40 : i32
      %dma_wait3A_42 = arith.constant 0 : i32
      %dma_wait3A_43 = tpu.memref_slice %arg5[%add3A, %dma_wait3A, %dma_wait3A_42] : memref<32x80x128xi32, #tpu.memory_space<hbm>> -> memref<1x40x128xi32, #tpu.memory_space<hbm>>
      %dma_wait3A_44 = tpu.memref_squeeze %dma_wait3A_43 : memref<1x40x128xi32, #tpu.memory_space<hbm>> -> memref<40x128xi32, #tpu.memory_space<hbm>>
      %dma_wait3A_45 = arith.constant 40 : i32
      %dma_wait3A_46 = arith.constant 0 : i32
      %dma_wait3A_47 = tpu.memref_slice %arg5[%add3A, %dma_wait3A_45, %dma_wait3A_46] : memref<32x80x128xi32, #tpu.memory_space<hbm>> -> memref<1x40x128xi32, #tpu.memory_space<hbm>>
      %dma_wait3A_48 = tpu.memref_squeeze %dma_wait3A_47 : memref<1x40x128xi32, #tpu.memory_space<hbm>> -> memref<40x128xi32, #tpu.memory_space<hbm>>
      tpu.wait_dma2 semaphore(%run_scoped3A : memref<!tpu.dma_semaphore, #tpu.memory_space<semaphore_mem>>) src(%dma_wait3A_48 : memref<40x128xi32, #tpu.memory_space<hbm>>) dst(%arg8 : memref<40x128xi32, #tpu.memory_space<vmem>>)
      tpu.yield
    }) : () -> ()
    %dma_start3A_20 = arith.constant 0 : i32
    %dma_start3A_21 = arith.constant 0 : i32
    %dma_start3A_22 = tpu.memref_slice %arg7[%dma_start3A_20, %dma_start3A_21] : memref<40x128xi32, #tpu.memory_space<vmem>> -> memref<1x128xi32, #tpu.memory_space<vmem>>
    %dma_start3A_23 = tpu.memref_squeeze %dma_start3A_22 : memref<1x128xi32, #tpu.memory_space<vmem>> -> memref<128xi32, #tpu.memory_space<vmem>>
    %dma_start3A_24 = arith.constant 0 : i32
    %dma_start3A_25 = arith.constant 0 : i32
    %dma_start3A_26 = tpu.memref_slice %arg2[%dma_start3A_24, %dma_start3A_25] : memref<10112x128xf32, #tpu.memory_space<hbm>> -> memref<10112x128xf32, #tpu.memory_space<hbm>>
    tpu.enqueue_indirect_dma source(%dma_start3A_26 : memref<10112x128xf32, #tpu.memory_space<hbm>>) target(%arg9 : memref<128x128xf32, #tpu.memory_space<vmem>>) offsets(%dma_start3A_23 : memref<128xi32, #tpu.memory_space<vmem>>) semaphore(%arg12 : memref<!tpu.dma_semaphore, #tpu.memory_space<semaphore_mem>>)
    %scan3A_27 = arith.constant 0 : i32
    %scan3A_28 = arith.constant 0 : i32
    %scan3A_29 = arith.constant 20 : i32
    %scan3A_30 = arith.addi %scan3A_28, %scan3A_29 : i32
    %scan3A_31 = arith.constant 1 : i32
    scf.for %scan3A_34 = %scan3A_28 to %scan3A_30 step %scan3A_31  : i32 {
      %mul3A_35 = arith.constant 2 : i32
      %mul3A_36 = arith.muli %mul3A_35, %scan3A_34 : i32
      %add3A_37 = arith.constant 1 : i32
      %add3A_38 = arith.addi %mul3A_36, %add3A_37 : i32
      %dma_start3A_39 = arith.constant 0 : i32
      %dma_start3A_40 = tpu.memref_slice %arg7[%add3A_38, %dma_start3A_39] : memref<40x128xi32, #tpu.memory_space<vmem>> -> memref<1x128xi32, #tpu.memory_space<vmem>>
      %dma_start3A_41 = tpu.memref_squeeze %dma_start3A_40 : memref<1x128xi32, #tpu.memory_space<vmem>> -> memref<128xi32, #tpu.memory_space<vmem>>
      %dma_start3A_42 = arith.constant 0 : i32
      %dma_start3A_43 = arith.constant 0 : i32
      %dma_start3A_44 = tpu.memref_slice %arg2[%dma_start3A_42, %dma_start3A_43] : memref<10112x128xf32, #tpu.memory_space<hbm>> -> memref<10112x128xf32, #tpu.memory_space<hbm>>
      tpu.enqueue_indirect_dma source(%dma_start3A_44 : memref<10112x128xf32, #tpu.memory_space<hbm>>) target(%arg10 : memref<128x128xf32, #tpu.memory_space<vmem>>) offsets(%dma_start3A_41 : memref<128xi32, #tpu.memory_space<vmem>>) semaphore(%arg13 : memref<!tpu.dma_semaphore, #tpu.memory_space<semaphore_mem>>)
      %dma_wait3A = arith.constant 0 : i32
      %dma_wait3A_45 = tpu.memref_slice %arg7[%mul3A_36, %dma_wait3A] : memref<40x128xi32, #tpu.memory_space<vmem>> -> memref<1x128xi32, #tpu.memory_space<vmem>>
      %dma_wait3A_46 = tpu.memref_squeeze %dma_wait3A_45 : memref<1x128xi32, #tpu.memory_space<vmem>> -> memref<128xi32, #tpu.memory_space<vmem>>
      %dma_wait3A_47 = arith.constant 0 : i32
      %dma_wait3A_48 = arith.constant 0 : i32
      %dma_wait3A_49 = tpu.memref_slice %arg2[%dma_wait3A_47, %dma_wait3A_48] : memref<10112x128xf32, #tpu.memory_space<hbm>> -> memref<10112x128xf32, #tpu.memory_space<hbm>>
      tpu.wait_indirect_dma semaphore(%arg12 : memref<!tpu.dma_semaphore, #tpu.memory_space<semaphore_mem>>) src(%dma_wait3A_49 : memref<10112x128xf32, #tpu.memory_space<hbm>>) dst(%arg9 : memref<128x128xf32, #tpu.memory_space<vmem>>)
      "tpu.region"() ({
        %run_scoped3A = tpu.sem_alloc : memref<!tpu.dma_semaphore, #tpu.memory_space<semaphore_mem>>
        %dma_start3A_60 = arith.constant 0 : i32
        %dma_start3A_61 = tpu.memref_slice %arg8[%mul3A_36, %dma_start3A_60] : memref<40x128xi32, #tpu.memory_space<vmem>> -> memref<1x128xi32, #tpu.memory_space<vmem>>
        %dma_start3A_62 = tpu.memref_squeeze %dma_start3A_61 : memref<1x128xi32, #tpu.memory_space<vmem>> -> memref<128xi32, #tpu.memory_space<vmem>>
        %dma_start3A_63 = arith.constant 0 : i32
        %dma_start3A_64 = arith.constant 0 : i32
        %dma_start3A_65 = tpu.memref_slice %arg11[%dma_start3A_63, %dma_start3A_64] : memref<10112x128xf32, #tpu.memory_space<vmem_shared>> -> memref<10112x128xf32, #tpu.memory_space<vmem_shared>>
        tpu.enqueue_indirect_dma source(%arg9 : memref<128x128xf32, #tpu.memory_space<vmem>>) target(%dma_start3A_65 : memref<10112x128xf32, #tpu.memory_space<vmem_shared>>) offsets(%dma_start3A_62 : memref<128xi32, #tpu.memory_space<vmem>>) semaphore(%run_scoped3A : memref<!tpu.dma_semaphore, #tpu.memory_space<semaphore_mem>>) {add = true}
        %dma_wait3A_66 = arith.constant 0 : i32
        %dma_wait3A_67 = tpu.memref_slice %arg8[%mul3A_36, %dma_wait3A_66] : memref<40x128xi32, #tpu.memory_space<vmem>> -> memref<1x128xi32, #tpu.memory_space<vmem>>
        %dma_wait3A_68 = tpu.memref_squeeze %dma_wait3A_67 : memref<1x128xi32, #tpu.memory_space<vmem>> -> memref<128xi32, #tpu.memory_space<vmem>>
        %dma_wait3A_69 = arith.constant 0 : i32
        %dma_wait3A_70 = arith.constant 0 : i32
        %dma_wait3A_71 = tpu.memref_slice %arg11[%dma_wait3A_69, %dma_wait3A_70] : memref<10112x128xf32, #tpu.memory_space<vmem_shared>> -> memref<10112x128xf32, #tpu.memory_space<vmem_shared>>
        tpu.wait_indirect_dma semaphore(%run_scoped3A : memref<!tpu.dma_semaphore, #tpu.memory_space<semaphore_mem>>) src(%arg9 : memref<128x128xf32, #tpu.memory_space<vmem>>) dst(%dma_wait3A_71 : memref<10112x128xf32, #tpu.memory_space<vmem_shared>>)
        tpu.yield
      }) : () -> ()
      %lt3A = arith.constant 19 : i32
      %lt3A_50 = arith.cmpi slt, %scan3A_34, %lt3A : i32
      %convert_element_type3A_51 = arith.extui %lt3A_50 : i1 to i32
      %cond3A_52 = arith.constant 0 : i32
      %cond3A_53 = arith.cmpi ne, %convert_element_type3A_51, %cond3A_52 : i32
      scf.if %cond3A_53 {
        %add3A_60 = arith.constant 2 : i32
        %add3A_61 = arith.addi %mul3A_36, %add3A_60 : i32
        %dma_start3A_62 = arith.constant 0 : i32
        %dma_start3A_63 = tpu.memref_slice %arg7[%add3A_61, %dma_start3A_62] : memref<40x128xi32, #tpu.memory_space<vmem>> -> memref<1x128xi32, #tpu.memory_space<vmem>>
        %dma_start3A_64 = tpu.memref_squeeze %dma_start3A_63 : memref<1x128xi32, #tpu.memory_space<vmem>> -> memref<128xi32, #tpu.memory_space<vmem>>
        %dma_start3A_65 = arith.constant 0 : i32
        %dma_start3A_66 = arith.constant 0 : i32
        %dma_start3A_67 = tpu.memref_slice %arg2[%dma_start3A_65, %dma_start3A_66] : memref<10112x128xf32, #tpu.memory_space<hbm>> -> memref<10112x128xf32, #tpu.memory_space<hbm>>
        tpu.enqueue_indirect_dma source(%dma_start3A_67 : memref<10112x128xf32, #tpu.memory_space<hbm>>) target(%arg9 : memref<128x128xf32, #tpu.memory_space<vmem>>) offsets(%dma_start3A_64 : memref<128xi32, #tpu.memory_space<vmem>>) semaphore(%arg12 : memref<!tpu.dma_semaphore, #tpu.memory_space<semaphore_mem>>)
      } else {
      }
      %dma_wait3A_54 = arith.constant 0 : i32
      %dma_wait3A_55 = tpu.memref_slice %arg7[%add3A_38, %dma_wait3A_54] : memref<40x128xi32, #tpu.memory_space<vmem>> -> memref<1x128xi32, #tpu.memory_space<vmem>>
      %dma_wait3A_56 = tpu.memref_squeeze %dma_wait3A_55 : memref<1x128xi32, #tpu.memory_space<vmem>> -> memref<128xi32, #tpu.memory_space<vmem>>
      %dma_wait3A_57 = arith.constant 0 : i32
      %dma_wait3A_58 = arith.constant 0 : i32
      %dma_wait3A_59 = tpu.memref_slice %arg2[%dma_wait3A_57, %dma_wait3A_58] : memref<10112x128xf32, #tpu.memory_space<hbm>> -> memref<10112x128xf32, #tpu.memory_space<hbm>>
      tpu.wait_indirect_dma semaphore(%arg13 : memref<!tpu.dma_semaphore, #tpu.memory_space<semaphore_mem>>) src(%dma_wait3A_59 : memref<10112x128xf32, #tpu.memory_space<hbm>>) dst(%arg10 : memref<128x128xf32, #tpu.memory_space<vmem>>)
      "tpu.region"() ({
        %run_scoped3A = tpu.sem_alloc : memref<!tpu.dma_semaphore, #tpu.memory_space<semaphore_mem>>
        %dma_start3A_60 = arith.constant 0 : i32
        %dma_start3A_61 = tpu.memref_slice %arg8[%add3A_38, %dma_start3A_60] : memref<40x128xi32, #tpu.memory_space<vmem>> -> memref<1x128xi32, #tpu.memory_space<vmem>>
        %dma_start3A_62 = tpu.memref_squeeze %dma_start3A_61 : memref<1x128xi32, #tpu.memory_space<vmem>> -> memref<128xi32, #tpu.memory_space<vmem>>
        %dma_start3A_63 = arith.constant 0 : i32
        %dma_start3A_64 = arith.constant 0 : i32
        %dma_start3A_65 = tpu.memref_slice %arg11[%dma_start3A_63, %dma_start3A_64] : memref<10112x128xf32, #tpu.memory_space<vmem_shared>> -> memref<10112x128xf32, #tpu.memory_space<vmem_shared>>
        tpu.enqueue_indirect_dma source(%arg10 : memref<128x128xf32, #tpu.memory_space<vmem>>) target(%dma_start3A_65 : memref<10112x128xf32, #tpu.memory_space<vmem_shared>>) offsets(%dma_start3A_62 : memref<128xi32, #tpu.memory_space<vmem>>) semaphore(%run_scoped3A : memref<!tpu.dma_semaphore, #tpu.memory_space<semaphore_mem>>) {add = true}
        %dma_wait3A_66 = arith.constant 0 : i32
        %dma_wait3A_67 = tpu.memref_slice %arg8[%add3A_38, %dma_wait3A_66] : memref<40x128xi32, #tpu.memory_space<vmem>> -> memref<1x128xi32, #tpu.memory_space<vmem>>
        %dma_wait3A_68 = tpu.memref_squeeze %dma_wait3A_67 : memref<1x128xi32, #tpu.memory_space<vmem>> -> memref<128xi32, #tpu.memory_space<vmem>>
        %dma_wait3A_69 = arith.constant 0 : i32
        %dma_wait3A_70 = arith.constant 0 : i32
        %dma_wait3A_71 = tpu.memref_slice %arg11[%dma_wait3A_69, %dma_wait3A_70] : memref<10112x128xf32, #tpu.memory_space<vmem_shared>> -> memref<10112x128xf32, #tpu.memory_space<vmem_shared>>
        tpu.wait_indirect_dma semaphore(%run_scoped3A : memref<!tpu.dma_semaphore, #tpu.memory_space<semaphore_mem>>) src(%arg10 : memref<128x128xf32, #tpu.memory_space<vmem>>) dst(%dma_wait3A_71 : memref<10112x128xf32, #tpu.memory_space<vmem_shared>>)
        tpu.yield
      }) : () -> ()
    }
    %scan3A_32 = arith.constant 20 : i32
    %barrier3A_33 = arith.constant 0 : index
    tpu.barrier barrier_id(%barrier3A_33)
    "tpu.region"() ({
      %run_scoped3A = tpu.sem_alloc : memref<!tpu.dma_semaphore, #tpu.memory_space<semaphore_mem>>
      %dma_start3A_34 = arith.constant 0 : i32
      %dma_start3A_35 = tpu.memref_slice %arg6[%arg0, %mul3A_2, %dma_start3A_34] : memref<2x10112x128xf32, #tpu.memory_space<hbm>> -> memref<1x632x128xf32, #tpu.memory_space<hbm>>
      %dma_start3A_36 = tpu.memref_squeeze %dma_start3A_35 : memref<1x632x128xf32, #tpu.memory_space<hbm>> -> memref<632x128xf32, #tpu.memory_space<hbm>>
      %dma_start3A_37 = arith.constant 0 : i32
      %dma_start3A_38 = tpu.memref_slice %arg11[%mul3A_2, %dma_start3A_37] : memref<10112x128xf32, #tpu.memory_space<vmem_shared>> -> memref<632x128xf32, #tpu.memory_space<vmem_shared>>
      tpu.enqueue_dma source(%dma_start3A_38 : memref<632x128xf32, #tpu.memory_space<vmem_shared>>) target(%dma_start3A_36 : memref<632x128xf32, #tpu.memory_space<hbm>>) target_semaphore(%run_scoped3A : memref<!tpu.dma_semaphore, #tpu.memory_space<semaphore_mem>>)
      %dma_wait3A = arith.constant 0 : i32
      %dma_wait3A_39 = tpu.memref_slice %arg6[%arg0, %mul3A_2, %dma_wait3A] : memref<2x10112x128xf32, #tpu.memory_space<hbm>> -> memref<1x632x128xf32, #tpu.memory_space<hbm>>
      %dma_wait3A_40 = tpu.memref_squeeze %dma_wait3A_39 : memref<1x632x128xf32, #tpu.memory_space<hbm>> -> memref<632x128xf32, #tpu.memory_space<hbm>>
      %dma_wait3A_41 = arith.constant 0 : i32
      %dma_wait3A_42 = tpu.memref_slice %arg11[%mul3A_2, %dma_wait3A_41] : memref<10112x128xf32, #tpu.memory_space<vmem_shared>> -> memref<632x128xf32, #tpu.memory_space<vmem_shared>>
      tpu.wait_dma2 semaphore(%run_scoped3A : memref<!tpu.dma_semaphore, #tpu.memory_space<semaphore_mem>>) src(%dma_wait3A_42 : memref<632x128xf32, #tpu.memory_space<vmem_shared>>) dst(%dma_wait3A_40 : memref<632x128xf32, #tpu.memory_space<hbm>>)
      tpu.yield
    }) : () -> ()
    return
  }
}

#map = affine_map<(d0, d1) -> (0, 0, 0)>
#map1 = affine_map<(d0, d1) -> (0, 0)>
module attributes {stable_mosaic.version = 14 : i64} {
  func.func @_sc_degree(%arg0: i32, %arg1: i32, %arg2: memref<32x80x128xi32, #tpu.memory_space<hbm>>, %arg3: memref<128x128xf32, #tpu.memory_space<hbm>>, %arg4: memref<10112x128xf32, #tpu.memory_space<hbm>>, %arg5: memref<2x10112x128xf32, #tpu.memory_space<hbm>>, %arg6: memref<80x128xi32, #tpu.memory_space<vmem>>, %arg7: memref<128x128xf32, #tpu.memory_space<vmem>>, %arg8: memref<10112x128xf32, #tpu.memory_space<vmem_shared>>) attributes {dimension_semantics = [#tpu.dimension_semantics<core_parallel>, #tpu.dimension_semantics<subcore_parallel>], iteration_bounds = array<i64: 2, 16>, scalar_prefetch = 0 : i64, scratch_operands = 3 : i64, tpu.core_type = #tpu.core_type<sc_vector_subcore>, window_params = [{transform_indices = #map}, {transform_indices = #map1}, {transform_indices = #map1}, {transform_indices = #map}]} {
    %mul3A = arith.constant 16 : i32
    %mul3A_0 = arith.muli %arg0, %mul3A : i32
    %add3A = arith.addi %mul3A_0, %arg1 : i32
    %mul3A_1 = arith.constant 632 : i32
    %mul3A_2 = arith.muli %arg1, %mul3A_1 : i32
    "tpu.region"() ({
      %run_scoped3A = tpu.sem_alloc : memref<!tpu.dma_semaphore, #tpu.memory_space<semaphore_mem>>
      %dma_start3A = arith.constant 0 : i32
      %dma_start3A_9 = tpu.memref_slice %arg8[%mul3A_2, %dma_start3A] : memref<10112x128xf32, #tpu.memory_space<vmem_shared>> -> memref<632x128xf32, #tpu.memory_space<vmem_shared>>
      %dma_start3A_10 = arith.constant 0 : i32
      %dma_start3A_11 = tpu.memref_slice %arg4[%mul3A_2, %dma_start3A_10] : memref<10112x128xf32, #tpu.memory_space<hbm>> -> memref<632x128xf32, #tpu.memory_space<hbm>>
      tpu.enqueue_dma source(%dma_start3A_11 : memref<632x128xf32, #tpu.memory_space<hbm>>) target(%dma_start3A_9 : memref<632x128xf32, #tpu.memory_space<vmem_shared>>) target_semaphore(%run_scoped3A : memref<!tpu.dma_semaphore, #tpu.memory_space<semaphore_mem>>)
      %dma_wait3A = arith.constant 0 : i32
      %dma_wait3A_12 = tpu.memref_slice %arg8[%mul3A_2, %dma_wait3A] : memref<10112x128xf32, #tpu.memory_space<vmem_shared>> -> memref<632x128xf32, #tpu.memory_space<vmem_shared>>
      %dma_wait3A_13 = arith.constant 0 : i32
      %dma_wait3A_14 = tpu.memref_slice %arg4[%mul3A_2, %dma_wait3A_13] : memref<10112x128xf32, #tpu.memory_space<hbm>> -> memref<632x128xf32, #tpu.memory_space<hbm>>
      tpu.wait_dma2 semaphore(%run_scoped3A : memref<!tpu.dma_semaphore, #tpu.memory_space<semaphore_mem>>) src(%dma_wait3A_14 : memref<632x128xf32, #tpu.memory_space<hbm>>) dst(%dma_wait3A_12 : memref<632x128xf32, #tpu.memory_space<vmem_shared>>)
      tpu.yield
    }) : () -> ()
    "tpu.region"() ({
      %run_scoped3A = tpu.sem_alloc : memref<!tpu.dma_semaphore, #tpu.memory_space<semaphore_mem>>
      tpu.enqueue_dma source(%arg3 : memref<128x128xf32, #tpu.memory_space<hbm>>) target(%arg7 : memref<128x128xf32, #tpu.memory_space<vmem>>) target_semaphore(%run_scoped3A : memref<!tpu.dma_semaphore, #tpu.memory_space<semaphore_mem>>)
      tpu.wait_dma2 semaphore(%run_scoped3A : memref<!tpu.dma_semaphore, #tpu.memory_space<semaphore_mem>>) src(%arg3 : memref<128x128xf32, #tpu.memory_space<hbm>>) dst(%arg7 : memref<128x128xf32, #tpu.memory_space<vmem>>)
      tpu.yield
    }) : () -> ()
    "tpu.region"() ({
      %run_scoped3A = tpu.sem_alloc : memref<!tpu.dma_semaphore, #tpu.memory_space<semaphore_mem>>
      %dma_start3A = arith.constant 0 : i32
      %dma_start3A_9 = arith.constant 0 : i32
      %dma_start3A_10 = tpu.memref_slice %arg2[%add3A, %dma_start3A, %dma_start3A_9] : memref<32x80x128xi32, #tpu.memory_space<hbm>> -> memref<1x80x128xi32, #tpu.memory_space<hbm>>
      %dma_start3A_11 = tpu.memref_squeeze %dma_start3A_10 : memref<1x80x128xi32, #tpu.memory_space<hbm>> -> memref<80x128xi32, #tpu.memory_space<hbm>>
      %dma_start3A_12 = arith.constant 0 : i32
      %dma_start3A_13 = arith.constant 0 : i32
      %dma_start3A_14 = tpu.memref_slice %arg2[%add3A, %dma_start3A_12, %dma_start3A_13] : memref<32x80x128xi32, #tpu.memory_space<hbm>> -> memref<1x80x128xi32, #tpu.memory_space<hbm>>
      %dma_start3A_15 = tpu.memref_squeeze %dma_start3A_14 : memref<1x80x128xi32, #tpu.memory_space<hbm>> -> memref<80x128xi32, #tpu.memory_space<hbm>>
      tpu.enqueue_dma source(%dma_start3A_15 : memref<80x128xi32, #tpu.memory_space<hbm>>) target(%arg6 : memref<80x128xi32, #tpu.memory_space<vmem>>) target_semaphore(%run_scoped3A : memref<!tpu.dma_semaphore, #tpu.memory_space<semaphore_mem>>)
      %dma_wait3A = arith.constant 0 : i32
      %dma_wait3A_16 = arith.constant 0 : i32
      %dma_wait3A_17 = tpu.memref_slice %arg2[%add3A, %dma_wait3A, %dma_wait3A_16] : memref<32x80x128xi32, #tpu.memory_space<hbm>> -> memref<1x80x128xi32, #tpu.memory_space<hbm>>
      %dma_wait3A_18 = tpu.memref_squeeze %dma_wait3A_17 : memref<1x80x128xi32, #tpu.memory_space<hbm>> -> memref<80x128xi32, #tpu.memory_space<hbm>>
      %dma_wait3A_19 = arith.constant 0 : i32
      %dma_wait3A_20 = arith.constant 0 : i32
      %dma_wait3A_21 = tpu.memref_slice %arg2[%add3A, %dma_wait3A_19, %dma_wait3A_20] : memref<32x80x128xi32, #tpu.memory_space<hbm>> -> memref<1x80x128xi32, #tpu.memory_space<hbm>>
      %dma_wait3A_22 = tpu.memref_squeeze %dma_wait3A_21 : memref<1x80x128xi32, #tpu.memory_space<hbm>> -> memref<80x128xi32, #tpu.memory_space<hbm>>
      tpu.wait_dma2 semaphore(%run_scoped3A : memref<!tpu.dma_semaphore, #tpu.memory_space<semaphore_mem>>) src(%dma_wait3A_22 : memref<80x128xi32, #tpu.memory_space<hbm>>) dst(%arg6 : memref<80x128xi32, #tpu.memory_space<vmem>>)
      tpu.yield
    }) : () -> ()
    %barrier3A = arith.constant 0 : index
    tpu.barrier barrier_id(%barrier3A)
    %scan3A = arith.constant 0 : i32
    %scan3A_3 = arith.constant 0 : i32
    %scan3A_4 = arith.constant 80 : i32
    %scan3A_5 = arith.addi %scan3A_3, %scan3A_4 : i32
    %scan3A_6 = arith.constant 1 : i32
    scf.for %scan3A_9 = %scan3A_3 to %scan3A_5 step %scan3A_6  : i32 {
      "tpu.region"() ({
        %run_scoped3A = tpu.sem_alloc : memref<!tpu.dma_semaphore, #tpu.memory_space<semaphore_mem>>
        %dma_start3A = arith.constant 0 : i32
        %dma_start3A_10 = tpu.memref_slice %arg6[%scan3A_9, %dma_start3A] : memref<80x128xi32, #tpu.memory_space<vmem>> -> memref<1x128xi32, #tpu.memory_space<vmem>>
        %dma_start3A_11 = tpu.memref_squeeze %dma_start3A_10 : memref<1x128xi32, #tpu.memory_space<vmem>> -> memref<128xi32, #tpu.memory_space<vmem>>
        %dma_start3A_12 = arith.constant 0 : i32
        %dma_start3A_13 = arith.constant 0 : i32
        %dma_start3A_14 = tpu.memref_slice %arg8[%dma_start3A_12, %dma_start3A_13] : memref<10112x128xf32, #tpu.memory_space<vmem_shared>> -> memref<10112x128xf32, #tpu.memory_space<vmem_shared>>
        tpu.enqueue_indirect_dma source(%arg7 : memref<128x128xf32, #tpu.memory_space<vmem>>) target(%dma_start3A_14 : memref<10112x128xf32, #tpu.memory_space<vmem_shared>>) offsets(%dma_start3A_11 : memref<128xi32, #tpu.memory_space<vmem>>) semaphore(%run_scoped3A : memref<!tpu.dma_semaphore, #tpu.memory_space<semaphore_mem>>) {add = true}
        %dma_wait3A = arith.constant 0 : i32
        %dma_wait3A_15 = tpu.memref_slice %arg6[%scan3A_9, %dma_wait3A] : memref<80x128xi32, #tpu.memory_space<vmem>> -> memref<1x128xi32, #tpu.memory_space<vmem>>
        %dma_wait3A_16 = tpu.memref_squeeze %dma_wait3A_15 : memref<1x128xi32, #tpu.memory_space<vmem>> -> memref<128xi32, #tpu.memory_space<vmem>>
        %dma_wait3A_17 = arith.constant 0 : i32
        %dma_wait3A_18 = arith.constant 0 : i32
        %dma_wait3A_19 = tpu.memref_slice %arg8[%dma_wait3A_17, %dma_wait3A_18] : memref<10112x128xf32, #tpu.memory_space<vmem_shared>> -> memref<10112x128xf32, #tpu.memory_space<vmem_shared>>
        tpu.wait_indirect_dma semaphore(%run_scoped3A : memref<!tpu.dma_semaphore, #tpu.memory_space<semaphore_mem>>) src(%arg7 : memref<128x128xf32, #tpu.memory_space<vmem>>) dst(%dma_wait3A_19 : memref<10112x128xf32, #tpu.memory_space<vmem_shared>>)
        tpu.yield
      }) : () -> ()
    }
    %scan3A_7 = arith.constant 80 : i32
    %barrier3A_8 = arith.constant 0 : index
    tpu.barrier barrier_id(%barrier3A_8)
    "tpu.region"() ({
      %run_scoped3A = tpu.sem_alloc : memref<!tpu.dma_semaphore, #tpu.memory_space<semaphore_mem>>
      %dma_start3A = arith.constant 0 : i32
      %dma_start3A_9 = tpu.memref_slice %arg5[%arg0, %mul3A_2, %dma_start3A] : memref<2x10112x128xf32, #tpu.memory_space<hbm>> -> memref<1x632x128xf32, #tpu.memory_space<hbm>>
      %dma_start3A_10 = tpu.memref_squeeze %dma_start3A_9 : memref<1x632x128xf32, #tpu.memory_space<hbm>> -> memref<632x128xf32, #tpu.memory_space<hbm>>
      %dma_start3A_11 = arith.constant 0 : i32
      %dma_start3A_12 = tpu.memref_slice %arg8[%mul3A_2, %dma_start3A_11] : memref<10112x128xf32, #tpu.memory_space<vmem_shared>> -> memref<632x128xf32, #tpu.memory_space<vmem_shared>>
      tpu.enqueue_dma source(%dma_start3A_12 : memref<632x128xf32, #tpu.memory_space<vmem_shared>>) target(%dma_start3A_10 : memref<632x128xf32, #tpu.memory_space<hbm>>) target_semaphore(%run_scoped3A : memref<!tpu.dma_semaphore, #tpu.memory_space<semaphore_mem>>)
      %dma_wait3A = arith.constant 0 : i32
      %dma_wait3A_13 = tpu.memref_slice %arg5[%arg0, %mul3A_2, %dma_wait3A] : memref<2x10112x128xf32, #tpu.memory_space<hbm>> -> memref<1x632x128xf32, #tpu.memory_space<hbm>>
      %dma_wait3A_14 = tpu.memref_squeeze %dma_wait3A_13 : memref<1x632x128xf32, #tpu.memory_space<hbm>> -> memref<632x128xf32, #tpu.memory_space<hbm>>
      %dma_wait3A_15 = arith.constant 0 : i32
      %dma_wait3A_16 = tpu.memref_slice %arg8[%mul3A_2, %dma_wait3A_15] : memref<10112x128xf32, #tpu.memory_space<vmem_shared>> -> memref<632x128xf32, #tpu.memory_space<vmem_shared>>
      tpu.wait_dma2 semaphore(%run_scoped3A : memref<!tpu.dma_semaphore, #tpu.memory_space<semaphore_mem>>) src(%dma_wait3A_16 : memref<632x128xf32, #tpu.memory_space<vmem_shared>>) dst(%dma_wait3A_14 : memref<632x128xf32, #tpu.memory_space<hbm>>)
      tpu.yield
    }) : () -> ()
    return
  }
}

#map = affine_map<(d0, d1) -> (0, 0)>
#map1 = affine_map<(d0, d1) -> (0, 0, 0)>
module attributes {stable_mosaic.version = 14 : i64} {
  func.func @_sc_edge_agg(%arg0: i32, %arg1: i32, %arg2: memref<10112x128xf32, #tpu.memory_space<hbm>>, %arg3: memref<10112x128xf32, #tpu.memory_space<hbm>>, %arg4: memref<32x80x128xi32, #tpu.memory_space<hbm>>, %arg5: memref<32x80x128xi32, #tpu.memory_space<hbm>>, %arg6: memref<2x10112x128xf32, #tpu.memory_space<hbm>>, %arg7: memref<40x128xi32, #tpu.memory_space<vmem>>, %arg8: memref<40x128xi32, #tpu.memory_space<vmem>>, %arg9: memref<128x128xf32, #tpu.memory_space<vmem>>, %arg10: memref<128x128xf32, #tpu.memory_space<vmem>>, %arg11: memref<10112x128xf32, #tpu.memory_space<vmem_shared>>, %arg12: memref<!tpu.dma_semaphore, #tpu.memory_space<semaphore_mem>>, %arg13: memref<!tpu.dma_semaphore, #tpu.memory_space<semaphore_mem>>) attributes {dimension_semantics = [#tpu.dimension_semantics<core_parallel>, #tpu.dimension_semantics<subcore_parallel>], iteration_bounds = array<i64: 2, 16>, scalar_prefetch = 0 : i64, scratch_operands = 7 : i64, tpu.core_type = #tpu.core_type<sc_vector_subcore>, window_params = [{transform_indices = #map}, {transform_indices = #map}, {transform_indices = #map1}, {transform_indices = #map1}, {transform_indices = #map1}]} {
    %mul3A = arith.constant 16 : i32
    %mul3A_0 = arith.muli %arg0, %mul3A : i32
    %add3A = arith.addi %mul3A_0, %arg1 : i32
    %mul3A_1 = arith.constant 632 : i32
    %mul3A_2 = arith.muli %arg1, %mul3A_1 : i32
    %eq3A = arith.constant 0 : i32
    %eq3A_3 = arith.cmpi eq, %arg0, %eq3A : i32
    %convert_element_type3A = arith.extui %eq3A_3 : i1 to i32
    %cond3A = arith.constant 0 : i32
    %cond3A_4 = arith.cmpi ne, %convert_element_type3A, %cond3A : i32
    scf.if %cond3A_4 {
      "tpu.region"() ({
        %run_scoped3A = tpu.sem_alloc : memref<!tpu.dma_semaphore, #tpu.memory_space<semaphore_mem>>
        %dma_start3A_34 = arith.constant 0 : i32
        %dma_start3A_35 = tpu.memref_slice %arg11[%mul3A_2, %dma_start3A_34] : memref<10112x128xf32, #tpu.memory_space<vmem_shared>> -> memref<632x128xf32, #tpu.memory_space<vmem_shared>>
        %dma_start3A_36 = arith.constant 0 : i32
        %dma_start3A_37 = tpu.memref_slice %arg2[%mul3A_2, %dma_start3A_36] : memref<10112x128xf32, #tpu.memory_space<hbm>> -> memref<632x128xf32, #tpu.memory_space<hbm>>
        tpu.enqueue_dma source(%dma_start3A_37 : memref<632x128xf32, #tpu.memory_space<hbm>>) target(%dma_start3A_35 : memref<632x128xf32, #tpu.memory_space<vmem_shared>>) target_semaphore(%run_scoped3A : memref<!tpu.dma_semaphore, #tpu.memory_space<semaphore_mem>>)
        %dma_wait3A = arith.constant 0 : i32
        %dma_wait3A_38 = tpu.memref_slice %arg11[%mul3A_2, %dma_wait3A] : memref<10112x128xf32, #tpu.memory_space<vmem_shared>> -> memref<632x128xf32, #tpu.memory_space<vmem_shared>>
        %dma_wait3A_39 = arith.constant 0 : i32
        %dma_wait3A_40 = tpu.memref_slice %arg2[%mul3A_2, %dma_wait3A_39] : memref<10112x128xf32, #tpu.memory_space<hbm>> -> memref<632x128xf32, #tpu.memory_space<hbm>>
        tpu.wait_dma2 semaphore(%run_scoped3A : memref<!tpu.dma_semaphore, #tpu.memory_space<semaphore_mem>>) src(%dma_wait3A_40 : memref<632x128xf32, #tpu.memory_space<hbm>>) dst(%dma_wait3A_38 : memref<632x128xf32, #tpu.memory_space<vmem_shared>>)
        tpu.yield
      }) : () -> ()
    } else {
    }
    %ne3A = arith.constant 0 : i32
    %ne3A_5 = arith.cmpi ne, %arg0, %ne3A : i32
    %convert_element_type3A_6 = arith.extui %ne3A_5 : i1 to i32
    %cond3A_7 = arith.constant 0 : i32
    %cond3A_8 = arith.cmpi ne, %convert_element_type3A_6, %cond3A_7 : i32
    scf.if %cond3A_8 {
      "tpu.region"() ({
        %run_scoped3A = tpu.sem_alloc : memref<!tpu.dma_semaphore, #tpu.memory_space<semaphore_mem>>
        %dma_start3A_34 = arith.constant 0 : i32
        %dma_start3A_35 = tpu.memref_slice %arg11[%mul3A_2, %dma_start3A_34] : memref<10112x128xf32, #tpu.memory_space<vmem_shared>> -> memref<632x128xf32, #tpu.memory_space<vmem_shared>>
        %dma_start3A_36 = arith.constant 0 : i32
        %dma_start3A_37 = tpu.memref_slice %arg3[%mul3A_2, %dma_start3A_36] : memref<10112x128xf32, #tpu.memory_space<hbm>> -> memref<632x128xf32, #tpu.memory_space<hbm>>
        tpu.enqueue_dma source(%dma_start3A_37 : memref<632x128xf32, #tpu.memory_space<hbm>>) target(%dma_start3A_35 : memref<632x128xf32, #tpu.memory_space<vmem_shared>>) target_semaphore(%run_scoped3A : memref<!tpu.dma_semaphore, #tpu.memory_space<semaphore_mem>>)
        %dma_wait3A = arith.constant 0 : i32
        %dma_wait3A_38 = tpu.memref_slice %arg11[%mul3A_2, %dma_wait3A] : memref<10112x128xf32, #tpu.memory_space<vmem_shared>> -> memref<632x128xf32, #tpu.memory_space<vmem_shared>>
        %dma_wait3A_39 = arith.constant 0 : i32
        %dma_wait3A_40 = tpu.memref_slice %arg3[%mul3A_2, %dma_wait3A_39] : memref<10112x128xf32, #tpu.memory_space<hbm>> -> memref<632x128xf32, #tpu.memory_space<hbm>>
        tpu.wait_dma2 semaphore(%run_scoped3A : memref<!tpu.dma_semaphore, #tpu.memory_space<semaphore_mem>>) src(%dma_wait3A_40 : memref<632x128xf32, #tpu.memory_space<hbm>>) dst(%dma_wait3A_38 : memref<632x128xf32, #tpu.memory_space<vmem_shared>>)
        tpu.yield
      }) : () -> ()
    } else {
    }
    %barrier3A = arith.constant 0 : index
    tpu.barrier barrier_id(%barrier3A)
    "tpu.region"() ({
      %run_scoped3A = tpu.sem_alloc : memref<!tpu.dma_semaphore, #tpu.memory_space<semaphore_mem>>
      %dma_start3A_34 = arith.constant 0 : i32
      %dma_start3A_35 = arith.constant 0 : i32
      %dma_start3A_36 = tpu.memref_slice %arg4[%add3A, %dma_start3A_34, %dma_start3A_35] : memref<32x80x128xi32, #tpu.memory_space<hbm>> -> memref<1x40x128xi32, #tpu.memory_space<hbm>>
      %dma_start3A_37 = tpu.memref_squeeze %dma_start3A_36 : memref<1x40x128xi32, #tpu.memory_space<hbm>> -> memref<40x128xi32, #tpu.memory_space<hbm>>
      %dma_start3A_38 = arith.constant 0 : i32
      %dma_start3A_39 = arith.constant 0 : i32
      %dma_start3A_40 = tpu.memref_slice %arg4[%add3A, %dma_start3A_38, %dma_start3A_39] : memref<32x80x128xi32, #tpu.memory_space<hbm>> -> memref<1x40x128xi32, #tpu.memory_space<hbm>>
      %dma_start3A_41 = tpu.memref_squeeze %dma_start3A_40 : memref<1x40x128xi32, #tpu.memory_space<hbm>> -> memref<40x128xi32, #tpu.memory_space<hbm>>
      tpu.enqueue_dma source(%dma_start3A_41 : memref<40x128xi32, #tpu.memory_space<hbm>>) target(%arg7 : memref<40x128xi32, #tpu.memory_space<vmem>>) target_semaphore(%run_scoped3A : memref<!tpu.dma_semaphore, #tpu.memory_space<semaphore_mem>>)
      %dma_wait3A = arith.constant 0 : i32
      %dma_wait3A_42 = arith.constant 0 : i32
      %dma_wait3A_43 = tpu.memref_slice %arg4[%add3A, %dma_wait3A, %dma_wait3A_42] : memref<32x80x128xi32, #tpu.memory_space<hbm>> -> memref<1x40x128xi32, #tpu.memory_space<hbm>>
      %dma_wait3A_44 = tpu.memref_squeeze %dma_wait3A_43 : memref<1x40x128xi32, #tpu.memory_space<hbm>> -> memref<40x128xi32, #tpu.memory_space<hbm>>
      %dma_wait3A_45 = arith.constant 0 : i32
      %dma_wait3A_46 = arith.constant 0 : i32
      %dma_wait3A_47 = tpu.memref_slice %arg4[%add3A, %dma_wait3A_45, %dma_wait3A_46] : memref<32x80x128xi32, #tpu.memory_space<hbm>> -> memref<1x40x128xi32, #tpu.memory_space<hbm>>
      %dma_wait3A_48 = tpu.memref_squeeze %dma_wait3A_47 : memref<1x40x128xi32, #tpu.memory_space<hbm>> -> memref<40x128xi32, #tpu.memory_space<hbm>>
      tpu.wait_dma2 semaphore(%run_scoped3A : memref<!tpu.dma_semaphore, #tpu.memory_space<semaphore_mem>>) src(%dma_wait3A_48 : memref<40x128xi32, #tpu.memory_space<hbm>>) dst(%arg7 : memref<40x128xi32, #tpu.memory_space<vmem>>)
      tpu.yield
    }) : () -> ()
    "tpu.region"() ({
      %run_scoped3A = tpu.sem_alloc : memref<!tpu.dma_semaphore, #tpu.memory_space<semaphore_mem>>
      %dma_start3A_34 = arith.constant 0 : i32
      %dma_start3A_35 = arith.constant 0 : i32
      %dma_start3A_36 = tpu.memref_slice %arg5[%add3A, %dma_start3A_34, %dma_start3A_35] : memref<32x80x128xi32, #tpu.memory_space<hbm>> -> memref<1x40x128xi32, #tpu.memory_space<hbm>>
      %dma_start3A_37 = tpu.memref_squeeze %dma_start3A_36 : memref<1x40x128xi32, #tpu.memory_space<hbm>> -> memref<40x128xi32, #tpu.memory_space<hbm>>
      %dma_start3A_38 = arith.constant 0 : i32
      %dma_start3A_39 = arith.constant 0 : i32
      %dma_start3A_40 = tpu.memref_slice %arg5[%add3A, %dma_start3A_38, %dma_start3A_39] : memref<32x80x128xi32, #tpu.memory_space<hbm>> -> memref<1x40x128xi32, #tpu.memory_space<hbm>>
      %dma_start3A_41 = tpu.memref_squeeze %dma_start3A_40 : memref<1x40x128xi32, #tpu.memory_space<hbm>> -> memref<40x128xi32, #tpu.memory_space<hbm>>
      tpu.enqueue_dma source(%dma_start3A_41 : memref<40x128xi32, #tpu.memory_space<hbm>>) target(%arg8 : memref<40x128xi32, #tpu.memory_space<vmem>>) target_semaphore(%run_scoped3A : memref<!tpu.dma_semaphore, #tpu.memory_space<semaphore_mem>>)
      %dma_wait3A = arith.constant 0 : i32
      %dma_wait3A_42 = arith.constant 0 : i32
      %dma_wait3A_43 = tpu.memref_slice %arg5[%add3A, %dma_wait3A, %dma_wait3A_42] : memref<32x80x128xi32, #tpu.memory_space<hbm>> -> memref<1x40x128xi32, #tpu.memory_space<hbm>>
      %dma_wait3A_44 = tpu.memref_squeeze %dma_wait3A_43 : memref<1x40x128xi32, #tpu.memory_space<hbm>> -> memref<40x128xi32, #tpu.memory_space<hbm>>
      %dma_wait3A_45 = arith.constant 0 : i32
      %dma_wait3A_46 = arith.constant 0 : i32
      %dma_wait3A_47 = tpu.memref_slice %arg5[%add3A, %dma_wait3A_45, %dma_wait3A_46] : memref<32x80x128xi32, #tpu.memory_space<hbm>> -> memref<1x40x128xi32, #tpu.memory_space<hbm>>
      %dma_wait3A_48 = tpu.memref_squeeze %dma_wait3A_47 : memref<1x40x128xi32, #tpu.memory_space<hbm>> -> memref<40x128xi32, #tpu.memory_space<hbm>>
      tpu.wait_dma2 semaphore(%run_scoped3A : memref<!tpu.dma_semaphore, #tpu.memory_space<semaphore_mem>>) src(%dma_wait3A_48 : memref<40x128xi32, #tpu.memory_space<hbm>>) dst(%arg8 : memref<40x128xi32, #tpu.memory_space<vmem>>)
      tpu.yield
    }) : () -> ()
    %dma_start3A = arith.constant 0 : i32
    %dma_start3A_9 = arith.constant 0 : i32
    %dma_start3A_10 = tpu.memref_slice %arg7[%dma_start3A, %dma_start3A_9] : memref<40x128xi32, #tpu.memory_space<vmem>> -> memref<1x128xi32, #tpu.memory_space<vmem>>
    %dma_start3A_11 = tpu.memref_squeeze %dma_start3A_10 : memref<1x128xi32, #tpu.memory_space<vmem>> -> memref<128xi32, #tpu.memory_space<vmem>>
    %dma_start3A_12 = arith.constant 0 : i32
    %dma_start3A_13 = arith.constant 0 : i32
    %dma_start3A_14 = tpu.memref_slice %arg2[%dma_start3A_12, %dma_start3A_13] : memref<10112x128xf32, #tpu.memory_space<hbm>> -> memref<10112x128xf32, #tpu.memory_space<hbm>>
    tpu.enqueue_indirect_dma source(%dma_start3A_14 : memref<10112x128xf32, #tpu.memory_space<hbm>>) target(%arg9 : memref<128x128xf32, #tpu.memory_space<vmem>>) offsets(%dma_start3A_11 : memref<128xi32, #tpu.memory_space<vmem>>) semaphore(%arg12 : memref<!tpu.dma_semaphore, #tpu.memory_space<semaphore_mem>>)
    %scan3A = arith.constant 0 : i32
    %scan3A_15 = arith.constant 0 : i32
    %scan3A_16 = arith.constant 20 : i32
    %scan3A_17 = arith.addi %scan3A_15, %scan3A_16 : i32
    %scan3A_18 = arith.constant 1 : i32
    scf.for %scan3A_34 = %scan3A_15 to %scan3A_17 step %scan3A_18  : i32 {
      %mul3A_35 = arith.constant 2 : i32
      %mul3A_36 = arith.muli %mul3A_35, %scan3A_34 : i32
      %add3A_37 = arith.constant 1 : i32
      %add3A_38 = arith.addi %mul3A_36, %add3A_37 : i32
      %dma_start3A_39 = arith.constant 0 : i32
      %dma_start3A_40 = tpu.memref_slice %arg7[%add3A_38, %dma_start3A_39] : memref<40x128xi32, #tpu.memory_space<vmem>> -> memref<1x128xi32, #tpu.memory_space<vmem>>
      %dma_start3A_41 = tpu.memref_squeeze %dma_start3A_40 : memref<1x128xi32, #tpu.memory_space<vmem>> -> memref<128xi32, #tpu.memory_space<vmem>>
      %dma_start3A_42 = arith.constant 0 : i32
      %dma_start3A_43 = arith.constant 0 : i32
      %dma_start3A_44 = tpu.memref_slice %arg2[%dma_start3A_42, %dma_start3A_43] : memref<10112x128xf32, #tpu.memory_space<hbm>> -> memref<10112x128xf32, #tpu.memory_space<hbm>>
      tpu.enqueue_indirect_dma source(%dma_start3A_44 : memref<10112x128xf32, #tpu.memory_space<hbm>>) target(%arg10 : memref<128x128xf32, #tpu.memory_space<vmem>>) offsets(%dma_start3A_41 : memref<128xi32, #tpu.memory_space<vmem>>) semaphore(%arg13 : memref<!tpu.dma_semaphore, #tpu.memory_space<semaphore_mem>>)
      %dma_wait3A = arith.constant 0 : i32
      %dma_wait3A_45 = tpu.memref_slice %arg7[%mul3A_36, %dma_wait3A] : memref<40x128xi32, #tpu.memory_space<vmem>> -> memref<1x128xi32, #tpu.memory_space<vmem>>
      %dma_wait3A_46 = tpu.memref_squeeze %dma_wait3A_45 : memref<1x128xi32, #tpu.memory_space<vmem>> -> memref<128xi32, #tpu.memory_space<vmem>>
      %dma_wait3A_47 = arith.constant 0 : i32
      %dma_wait3A_48 = arith.constant 0 : i32
      %dma_wait3A_49 = tpu.memref_slice %arg2[%dma_wait3A_47, %dma_wait3A_48] : memref<10112x128xf32, #tpu.memory_space<hbm>> -> memref<10112x128xf32, #tpu.memory_space<hbm>>
      tpu.wait_indirect_dma semaphore(%arg12 : memref<!tpu.dma_semaphore, #tpu.memory_space<semaphore_mem>>) src(%dma_wait3A_49 : memref<10112x128xf32, #tpu.memory_space<hbm>>) dst(%arg9 : memref<128x128xf32, #tpu.memory_space<vmem>>)
      "tpu.region"() ({
        %run_scoped3A = tpu.sem_alloc : memref<!tpu.dma_semaphore, #tpu.memory_space<semaphore_mem>>
        %dma_start3A_60 = arith.constant 0 : i32
        %dma_start3A_61 = tpu.memref_slice %arg8[%mul3A_36, %dma_start3A_60] : memref<40x128xi32, #tpu.memory_space<vmem>> -> memref<1x128xi32, #tpu.memory_space<vmem>>
        %dma_start3A_62 = tpu.memref_squeeze %dma_start3A_61 : memref<1x128xi32, #tpu.memory_space<vmem>> -> memref<128xi32, #tpu.memory_space<vmem>>
        %dma_start3A_63 = arith.constant 0 : i32
        %dma_start3A_64 = arith.constant 0 : i32
        %dma_start3A_65 = tpu.memref_slice %arg11[%dma_start3A_63, %dma_start3A_64] : memref<10112x128xf32, #tpu.memory_space<vmem_shared>> -> memref<10112x128xf32, #tpu.memory_space<vmem_shared>>
        tpu.enqueue_indirect_dma source(%arg9 : memref<128x128xf32, #tpu.memory_space<vmem>>) target(%dma_start3A_65 : memref<10112x128xf32, #tpu.memory_space<vmem_shared>>) offsets(%dma_start3A_62 : memref<128xi32, #tpu.memory_space<vmem>>) semaphore(%run_scoped3A : memref<!tpu.dma_semaphore, #tpu.memory_space<semaphore_mem>>) {add = true}
        %dma_wait3A_66 = arith.constant 0 : i32
        %dma_wait3A_67 = tpu.memref_slice %arg8[%mul3A_36, %dma_wait3A_66] : memref<40x128xi32, #tpu.memory_space<vmem>> -> memref<1x128xi32, #tpu.memory_space<vmem>>
        %dma_wait3A_68 = tpu.memref_squeeze %dma_wait3A_67 : memref<1x128xi32, #tpu.memory_space<vmem>> -> memref<128xi32, #tpu.memory_space<vmem>>
        %dma_wait3A_69 = arith.constant 0 : i32
        %dma_wait3A_70 = arith.constant 0 : i32
        %dma_wait3A_71 = tpu.memref_slice %arg11[%dma_wait3A_69, %dma_wait3A_70] : memref<10112x128xf32, #tpu.memory_space<vmem_shared>> -> memref<10112x128xf32, #tpu.memory_space<vmem_shared>>
        tpu.wait_indirect_dma semaphore(%run_scoped3A : memref<!tpu.dma_semaphore, #tpu.memory_space<semaphore_mem>>) src(%arg9 : memref<128x128xf32, #tpu.memory_space<vmem>>) dst(%dma_wait3A_71 : memref<10112x128xf32, #tpu.memory_space<vmem_shared>>)
        tpu.yield
      }) : () -> ()
      %lt3A = arith.constant 19 : i32
      %lt3A_50 = arith.cmpi slt, %scan3A_34, %lt3A : i32
      %convert_element_type3A_51 = arith.extui %lt3A_50 : i1 to i32
      %cond3A_52 = arith.constant 0 : i32
      %cond3A_53 = arith.cmpi ne, %convert_element_type3A_51, %cond3A_52 : i32
      scf.if %cond3A_53 {
        %add3A_60 = arith.constant 2 : i32
        %add3A_61 = arith.addi %mul3A_36, %add3A_60 : i32
        %dma_start3A_62 = arith.constant 0 : i32
        %dma_start3A_63 = tpu.memref_slice %arg7[%add3A_61, %dma_start3A_62] : memref<40x128xi32, #tpu.memory_space<vmem>> -> memref<1x128xi32, #tpu.memory_space<vmem>>
        %dma_start3A_64 = tpu.memref_squeeze %dma_start3A_63 : memref<1x128xi32, #tpu.memory_space<vmem>> -> memref<128xi32, #tpu.memory_space<vmem>>
        %dma_start3A_65 = arith.constant 0 : i32
        %dma_start3A_66 = arith.constant 0 : i32
        %dma_start3A_67 = tpu.memref_slice %arg2[%dma_start3A_65, %dma_start3A_66] : memref<10112x128xf32, #tpu.memory_space<hbm>> -> memref<10112x128xf32, #tpu.memory_space<hbm>>
        tpu.enqueue_indirect_dma source(%dma_start3A_67 : memref<10112x128xf32, #tpu.memory_space<hbm>>) target(%arg9 : memref<128x128xf32, #tpu.memory_space<vmem>>) offsets(%dma_start3A_64 : memref<128xi32, #tpu.memory_space<vmem>>) semaphore(%arg12 : memref<!tpu.dma_semaphore, #tpu.memory_space<semaphore_mem>>)
      } else {
      }
      %dma_wait3A_54 = arith.constant 0 : i32
      %dma_wait3A_55 = tpu.memref_slice %arg7[%add3A_38, %dma_wait3A_54] : memref<40x128xi32, #tpu.memory_space<vmem>> -> memref<1x128xi32, #tpu.memory_space<vmem>>
      %dma_wait3A_56 = tpu.memref_squeeze %dma_wait3A_55 : memref<1x128xi32, #tpu.memory_space<vmem>> -> memref<128xi32, #tpu.memory_space<vmem>>
      %dma_wait3A_57 = arith.constant 0 : i32
      %dma_wait3A_58 = arith.constant 0 : i32
      %dma_wait3A_59 = tpu.memref_slice %arg2[%dma_wait3A_57, %dma_wait3A_58] : memref<10112x128xf32, #tpu.memory_space<hbm>> -> memref<10112x128xf32, #tpu.memory_space<hbm>>
      tpu.wait_indirect_dma semaphore(%arg13 : memref<!tpu.dma_semaphore, #tpu.memory_space<semaphore_mem>>) src(%dma_wait3A_59 : memref<10112x128xf32, #tpu.memory_space<hbm>>) dst(%arg10 : memref<128x128xf32, #tpu.memory_space<vmem>>)
      "tpu.region"() ({
        %run_scoped3A = tpu.sem_alloc : memref<!tpu.dma_semaphore, #tpu.memory_space<semaphore_mem>>
        %dma_start3A_60 = arith.constant 0 : i32
        %dma_start3A_61 = tpu.memref_slice %arg8[%add3A_38, %dma_start3A_60] : memref<40x128xi32, #tpu.memory_space<vmem>> -> memref<1x128xi32, #tpu.memory_space<vmem>>
        %dma_start3A_62 = tpu.memref_squeeze %dma_start3A_61 : memref<1x128xi32, #tpu.memory_space<vmem>> -> memref<128xi32, #tpu.memory_space<vmem>>
        %dma_start3A_63 = arith.constant 0 : i32
        %dma_start3A_64 = arith.constant 0 : i32
        %dma_start3A_65 = tpu.memref_slice %arg11[%dma_start3A_63, %dma_start3A_64] : memref<10112x128xf32, #tpu.memory_space<vmem_shared>> -> memref<10112x128xf32, #tpu.memory_space<vmem_shared>>
        tpu.enqueue_indirect_dma source(%arg10 : memref<128x128xf32, #tpu.memory_space<vmem>>) target(%dma_start3A_65 : memref<10112x128xf32, #tpu.memory_space<vmem_shared>>) offsets(%dma_start3A_62 : memref<128xi32, #tpu.memory_space<vmem>>) semaphore(%run_scoped3A : memref<!tpu.dma_semaphore, #tpu.memory_space<semaphore_mem>>) {add = true}
        %dma_wait3A_66 = arith.constant 0 : i32
        %dma_wait3A_67 = tpu.memref_slice %arg8[%add3A_38, %dma_wait3A_66] : memref<40x128xi32, #tpu.memory_space<vmem>> -> memref<1x128xi32, #tpu.memory_space<vmem>>
        %dma_wait3A_68 = tpu.memref_squeeze %dma_wait3A_67 : memref<1x128xi32, #tpu.memory_space<vmem>> -> memref<128xi32, #tpu.memory_space<vmem>>
        %dma_wait3A_69 = arith.constant 0 : i32
        %dma_wait3A_70 = arith.constant 0 : i32
        %dma_wait3A_71 = tpu.memref_slice %arg11[%dma_wait3A_69, %dma_wait3A_70] : memref<10112x128xf32, #tpu.memory_space<vmem_shared>> -> memref<10112x128xf32, #tpu.memory_space<vmem_shared>>
        tpu.wait_indirect_dma semaphore(%run_scoped3A : memref<!tpu.dma_semaphore, #tpu.memory_space<semaphore_mem>>) src(%arg10 : memref<128x128xf32, #tpu.memory_space<vmem>>) dst(%dma_wait3A_71 : memref<10112x128xf32, #tpu.memory_space<vmem_shared>>)
        tpu.yield
      }) : () -> ()
    }
    %scan3A_19 = arith.constant 20 : i32
    "tpu.region"() ({
      %run_scoped3A = tpu.sem_alloc : memref<!tpu.dma_semaphore, #tpu.memory_space<semaphore_mem>>
      %dma_start3A_34 = arith.constant 40 : i32
      %dma_start3A_35 = arith.constant 0 : i32
      %dma_start3A_36 = tpu.memref_slice %arg4[%add3A, %dma_start3A_34, %dma_start3A_35] : memref<32x80x128xi32, #tpu.memory_space<hbm>> -> memref<1x40x128xi32, #tpu.memory_space<hbm>>
      %dma_start3A_37 = tpu.memref_squeeze %dma_start3A_36 : memref<1x40x128xi32, #tpu.memory_space<hbm>> -> memref<40x128xi32, #tpu.memory_space<hbm>>
      %dma_start3A_38 = arith.constant 40 : i32
      %dma_start3A_39 = arith.constant 0 : i32
      %dma_start3A_40 = tpu.memref_slice %arg4[%add3A, %dma_start3A_38, %dma_start3A_39] : memref<32x80x128xi32, #tpu.memory_space<hbm>> -> memref<1x40x128xi32, #tpu.memory_space<hbm>>
      %dma_start3A_41 = tpu.memref_squeeze %dma_start3A_40 : memref<1x40x128xi32, #tpu.memory_space<hbm>> -> memref<40x128xi32, #tpu.memory_space<hbm>>
      tpu.enqueue_dma source(%dma_start3A_41 : memref<40x128xi32, #tpu.memory_space<hbm>>) target(%arg7 : memref<40x128xi32, #tpu.memory_space<vmem>>) target_semaphore(%run_scoped3A : memref<!tpu.dma_semaphore, #tpu.memory_space<semaphore_mem>>)
      %dma_wait3A = arith.constant 40 : i32
      %dma_wait3A_42 = arith.constant 0 : i32
      %dma_wait3A_43 = tpu.memref_slice %arg4[%add3A, %dma_wait3A, %dma_wait3A_42] : memref<32x80x128xi32, #tpu.memory_space<hbm>> -> memref<1x40x128xi32, #tpu.memory_space<hbm>>
      %dma_wait3A_44 = tpu.memref_squeeze %dma_wait3A_43 : memref<1x40x128xi32, #tpu.memory_space<hbm>> -> memref<40x128xi32, #tpu.memory_space<hbm>>
      %dma_wait3A_45 = arith.constant 40 : i32
      %dma_wait3A_46 = arith.constant 0 : i32
      %dma_wait3A_47 = tpu.memref_slice %arg4[%add3A, %dma_wait3A_45, %dma_wait3A_46] : memref<32x80x128xi32, #tpu.memory_space<hbm>> -> memref<1x40x128xi32, #tpu.memory_space<hbm>>
      %dma_wait3A_48 = tpu.memref_squeeze %dma_wait3A_47 : memref<1x40x128xi32, #tpu.memory_space<hbm>> -> memref<40x128xi32, #tpu.memory_space<hbm>>
      tpu.wait_dma2 semaphore(%run_scoped3A : memref<!tpu.dma_semaphore, #tpu.memory_space<semaphore_mem>>) src(%dma_wait3A_48 : memref<40x128xi32, #tpu.memory_space<hbm>>) dst(%arg7 : memref<40x128xi32, #tpu.memory_space<vmem>>)
      tpu.yield
    }) : () -> ()
    "tpu.region"() ({
      %run_scoped3A = tpu.sem_alloc : memref<!tpu.dma_semaphore, #tpu.memory_space<semaphore_mem>>
      %dma_start3A_34 = arith.constant 40 : i32
      %dma_start3A_35 = arith.constant 0 : i32
      %dma_start3A_36 = tpu.memref_slice %arg5[%add3A, %dma_start3A_34, %dma_start3A_35] : memref<32x80x128xi32, #tpu.memory_space<hbm>> -> memref<1x40x128xi32, #tpu.memory_space<hbm>>
      %dma_start3A_37 = tpu.memref_squeeze %dma_start3A_36 : memref<1x40x128xi32, #tpu.memory_space<hbm>> -> memref<40x128xi32, #tpu.memory_space<hbm>>
      %dma_start3A_38 = arith.constant 40 : i32
      %dma_start3A_39 = arith.constant 0 : i32
      %dma_start3A_40 = tpu.memref_slice %arg5[%add3A, %dma_start3A_38, %dma_start3A_39] : memref<32x80x128xi32, #tpu.memory_space<hbm>> -> memref<1x40x128xi32, #tpu.memory_space<hbm>>
      %dma_start3A_41 = tpu.memref_squeeze %dma_start3A_40 : memref<1x40x128xi32, #tpu.memory_space<hbm>> -> memref<40x128xi32, #tpu.memory_space<hbm>>
      tpu.enqueue_dma source(%dma_start3A_41 : memref<40x128xi32, #tpu.memory_space<hbm>>) target(%arg8 : memref<40x128xi32, #tpu.memory_space<vmem>>) target_semaphore(%run_scoped3A : memref<!tpu.dma_semaphore, #tpu.memory_space<semaphore_mem>>)
      %dma_wait3A = arith.constant 40 : i32
      %dma_wait3A_42 = arith.constant 0 : i32
      %dma_wait3A_43 = tpu.memref_slice %arg5[%add3A, %dma_wait3A, %dma_wait3A_42] : memref<32x80x128xi32, #tpu.memory_space<hbm>> -> memref<1x40x128xi32, #tpu.memory_space<hbm>>
      %dma_wait3A_44 = tpu.memref_squeeze %dma_wait3A_43 : memref<1x40x128xi32, #tpu.memory_space<hbm>> -> memref<40x128xi32, #tpu.memory_space<hbm>>
      %dma_wait3A_45 = arith.constant 40 : i32
      %dma_wait3A_46 = arith.constant 0 : i32
      %dma_wait3A_47 = tpu.memref_slice %arg5[%add3A, %dma_wait3A_45, %dma_wait3A_46] : memref<32x80x128xi32, #tpu.memory_space<hbm>> -> memref<1x40x128xi32, #tpu.memory_space<hbm>>
      %dma_wait3A_48 = tpu.memref_squeeze %dma_wait3A_47 : memref<1x40x128xi32, #tpu.memory_space<hbm>> -> memref<40x128xi32, #tpu.memory_space<hbm>>
      tpu.wait_dma2 semaphore(%run_scoped3A : memref<!tpu.dma_semaphore, #tpu.memory_space<semaphore_mem>>) src(%dma_wait3A_48 : memref<40x128xi32, #tpu.memory_space<hbm>>) dst(%arg8 : memref<40x128xi32, #tpu.memory_space<vmem>>)
      tpu.yield
    }) : () -> ()
    %dma_start3A_20 = arith.constant 0 : i32
    %dma_start3A_21 = arith.constant 0 : i32
    %dma_start3A_22 = tpu.memref_slice %arg7[%dma_start3A_20, %dma_start3A_21] : memref<40x128xi32, #tpu.memory_space<vmem>> -> memref<1x128xi32, #tpu.memory_space<vmem>>
    %dma_start3A_23 = tpu.memref_squeeze %dma_start3A_22 : memref<1x128xi32, #tpu.memory_space<vmem>> -> memref<128xi32, #tpu.memory_space<vmem>>
    %dma_start3A_24 = arith.constant 0 : i32
    %dma_start3A_25 = arith.constant 0 : i32
    %dma_start3A_26 = tpu.memref_slice %arg2[%dma_start3A_24, %dma_start3A_25] : memref<10112x128xf32, #tpu.memory_space<hbm>> -> memref<10112x128xf32, #tpu.memory_space<hbm>>
    tpu.enqueue_indirect_dma source(%dma_start3A_26 : memref<10112x128xf32, #tpu.memory_space<hbm>>) target(%arg9 : memref<128x128xf32, #tpu.memory_space<vmem>>) offsets(%dma_start3A_23 : memref<128xi32, #tpu.memory_space<vmem>>) semaphore(%arg12 : memref<!tpu.dma_semaphore, #tpu.memory_space<semaphore_mem>>)
    %scan3A_27 = arith.constant 0 : i32
    %scan3A_28 = arith.constant 0 : i32
    %scan3A_29 = arith.constant 20 : i32
    %scan3A_30 = arith.addi %scan3A_28, %scan3A_29 : i32
    %scan3A_31 = arith.constant 1 : i32
    scf.for %scan3A_34 = %scan3A_28 to %scan3A_30 step %scan3A_31  : i32 {
      %mul3A_35 = arith.constant 2 : i32
      %mul3A_36 = arith.muli %mul3A_35, %scan3A_34 : i32
      %add3A_37 = arith.constant 1 : i32
      %add3A_38 = arith.addi %mul3A_36, %add3A_37 : i32
      %dma_start3A_39 = arith.constant 0 : i32
      %dma_start3A_40 = tpu.memref_slice %arg7[%add3A_38, %dma_start3A_39] : memref<40x128xi32, #tpu.memory_space<vmem>> -> memref<1x128xi32, #tpu.memory_space<vmem>>
      %dma_start3A_41 = tpu.memref_squeeze %dma_start3A_40 : memref<1x128xi32, #tpu.memory_space<vmem>> -> memref<128xi32, #tpu.memory_space<vmem>>
      %dma_start3A_42 = arith.constant 0 : i32
      %dma_start3A_43 = arith.constant 0 : i32
      %dma_start3A_44 = tpu.memref_slice %arg2[%dma_start3A_42, %dma_start3A_43] : memref<10112x128xf32, #tpu.memory_space<hbm>> -> memref<10112x128xf32, #tpu.memory_space<hbm>>
      tpu.enqueue_indirect_dma source(%dma_start3A_44 : memref<10112x128xf32, #tpu.memory_space<hbm>>) target(%arg10 : memref<128x128xf32, #tpu.memory_space<vmem>>) offsets(%dma_start3A_41 : memref<128xi32, #tpu.memory_space<vmem>>) semaphore(%arg13 : memref<!tpu.dma_semaphore, #tpu.memory_space<semaphore_mem>>)
      %dma_wait3A = arith.constant 0 : i32
      %dma_wait3A_45 = tpu.memref_slice %arg7[%mul3A_36, %dma_wait3A] : memref<40x128xi32, #tpu.memory_space<vmem>> -> memref<1x128xi32, #tpu.memory_space<vmem>>
      %dma_wait3A_46 = tpu.memref_squeeze %dma_wait3A_45 : memref<1x128xi32, #tpu.memory_space<vmem>> -> memref<128xi32, #tpu.memory_space<vmem>>
      %dma_wait3A_47 = arith.constant 0 : i32
      %dma_wait3A_48 = arith.constant 0 : i32
      %dma_wait3A_49 = tpu.memref_slice %arg2[%dma_wait3A_47, %dma_wait3A_48] : memref<10112x128xf32, #tpu.memory_space<hbm>> -> memref<10112x128xf32, #tpu.memory_space<hbm>>
      tpu.wait_indirect_dma semaphore(%arg12 : memref<!tpu.dma_semaphore, #tpu.memory_space<semaphore_mem>>) src(%dma_wait3A_49 : memref<10112x128xf32, #tpu.memory_space<hbm>>) dst(%arg9 : memref<128x128xf32, #tpu.memory_space<vmem>>)
      "tpu.region"() ({
        %run_scoped3A = tpu.sem_alloc : memref<!tpu.dma_semaphore, #tpu.memory_space<semaphore_mem>>
        %dma_start3A_60 = arith.constant 0 : i32
        %dma_start3A_61 = tpu.memref_slice %arg8[%mul3A_36, %dma_start3A_60] : memref<40x128xi32, #tpu.memory_space<vmem>> -> memref<1x128xi32, #tpu.memory_space<vmem>>
        %dma_start3A_62 = tpu.memref_squeeze %dma_start3A_61 : memref<1x128xi32, #tpu.memory_space<vmem>> -> memref<128xi32, #tpu.memory_space<vmem>>
        %dma_start3A_63 = arith.constant 0 : i32
        %dma_start3A_64 = arith.constant 0 : i32
        %dma_start3A_65 = tpu.memref_slice %arg11[%dma_start3A_63, %dma_start3A_64] : memref<10112x128xf32, #tpu.memory_space<vmem_shared>> -> memref<10112x128xf32, #tpu.memory_space<vmem_shared>>
        tpu.enqueue_indirect_dma source(%arg9 : memref<128x128xf32, #tpu.memory_space<vmem>>) target(%dma_start3A_65 : memref<10112x128xf32, #tpu.memory_space<vmem_shared>>) offsets(%dma_start3A_62 : memref<128xi32, #tpu.memory_space<vmem>>) semaphore(%run_scoped3A : memref<!tpu.dma_semaphore, #tpu.memory_space<semaphore_mem>>) {add = true}
        %dma_wait3A_66 = arith.constant 0 : i32
        %dma_wait3A_67 = tpu.memref_slice %arg8[%mul3A_36, %dma_wait3A_66] : memref<40x128xi32, #tpu.memory_space<vmem>> -> memref<1x128xi32, #tpu.memory_space<vmem>>
        %dma_wait3A_68 = tpu.memref_squeeze %dma_wait3A_67 : memref<1x128xi32, #tpu.memory_space<vmem>> -> memref<128xi32, #tpu.memory_space<vmem>>
        %dma_wait3A_69 = arith.constant 0 : i32
        %dma_wait3A_70 = arith.constant 0 : i32
        %dma_wait3A_71 = tpu.memref_slice %arg11[%dma_wait3A_69, %dma_wait3A_70] : memref<10112x128xf32, #tpu.memory_space<vmem_shared>> -> memref<10112x128xf32, #tpu.memory_space<vmem_shared>>
        tpu.wait_indirect_dma semaphore(%run_scoped3A : memref<!tpu.dma_semaphore, #tpu.memory_space<semaphore_mem>>) src(%arg9 : memref<128x128xf32, #tpu.memory_space<vmem>>) dst(%dma_wait3A_71 : memref<10112x128xf32, #tpu.memory_space<vmem_shared>>)
        tpu.yield
      }) : () -> ()
      %lt3A = arith.constant 19 : i32
      %lt3A_50 = arith.cmpi slt, %scan3A_34, %lt3A : i32
      %convert_element_type3A_51 = arith.extui %lt3A_50 : i1 to i32
      %cond3A_52 = arith.constant 0 : i32
      %cond3A_53 = arith.cmpi ne, %convert_element_type3A_51, %cond3A_52 : i32
      scf.if %cond3A_53 {
        %add3A_60 = arith.constant 2 : i32
        %add3A_61 = arith.addi %mul3A_36, %add3A_60 : i32
        %dma_start3A_62 = arith.constant 0 : i32
        %dma_start3A_63 = tpu.memref_slice %arg7[%add3A_61, %dma_start3A_62] : memref<40x128xi32, #tpu.memory_space<vmem>> -> memref<1x128xi32, #tpu.memory_space<vmem>>
        %dma_start3A_64 = tpu.memref_squeeze %dma_start3A_63 : memref<1x128xi32, #tpu.memory_space<vmem>> -> memref<128xi32, #tpu.memory_space<vmem>>
        %dma_start3A_65 = arith.constant 0 : i32
        %dma_start3A_66 = arith.constant 0 : i32
        %dma_start3A_67 = tpu.memref_slice %arg2[%dma_start3A_65, %dma_start3A_66] : memref<10112x128xf32, #tpu.memory_space<hbm>> -> memref<10112x128xf32, #tpu.memory_space<hbm>>
        tpu.enqueue_indirect_dma source(%dma_start3A_67 : memref<10112x128xf32, #tpu.memory_space<hbm>>) target(%arg9 : memref<128x128xf32, #tpu.memory_space<vmem>>) offsets(%dma_start3A_64 : memref<128xi32, #tpu.memory_space<vmem>>) semaphore(%arg12 : memref<!tpu.dma_semaphore, #tpu.memory_space<semaphore_mem>>)
      } else {
      }
      %dma_wait3A_54 = arith.constant 0 : i32
      %dma_wait3A_55 = tpu.memref_slice %arg7[%add3A_38, %dma_wait3A_54] : memref<40x128xi32, #tpu.memory_space<vmem>> -> memref<1x128xi32, #tpu.memory_space<vmem>>
      %dma_wait3A_56 = tpu.memref_squeeze %dma_wait3A_55 : memref<1x128xi32, #tpu.memory_space<vmem>> -> memref<128xi32, #tpu.memory_space<vmem>>
      %dma_wait3A_57 = arith.constant 0 : i32
      %dma_wait3A_58 = arith.constant 0 : i32
      %dma_wait3A_59 = tpu.memref_slice %arg2[%dma_wait3A_57, %dma_wait3A_58] : memref<10112x128xf32, #tpu.memory_space<hbm>> -> memref<10112x128xf32, #tpu.memory_space<hbm>>
      tpu.wait_indirect_dma semaphore(%arg13 : memref<!tpu.dma_semaphore, #tpu.memory_space<semaphore_mem>>) src(%dma_wait3A_59 : memref<10112x128xf32, #tpu.memory_space<hbm>>) dst(%arg10 : memref<128x128xf32, #tpu.memory_space<vmem>>)
      "tpu.region"() ({
        %run_scoped3A = tpu.sem_alloc : memref<!tpu.dma_semaphore, #tpu.memory_space<semaphore_mem>>
        %dma_start3A_60 = arith.constant 0 : i32
        %dma_start3A_61 = tpu.memref_slice %arg8[%add3A_38, %dma_start3A_60] : memref<40x128xi32, #tpu.memory_space<vmem>> -> memref<1x128xi32, #tpu.memory_space<vmem>>
        %dma_start3A_62 = tpu.memref_squeeze %dma_start3A_61 : memref<1x128xi32, #tpu.memory_space<vmem>> -> memref<128xi32, #tpu.memory_space<vmem>>
        %dma_start3A_63 = arith.constant 0 : i32
        %dma_start3A_64 = arith.constant 0 : i32
        %dma_start3A_65 = tpu.memref_slice %arg11[%dma_start3A_63, %dma_start3A_64] : memref<10112x128xf32, #tpu.memory_space<vmem_shared>> -> memref<10112x128xf32, #tpu.memory_space<vmem_shared>>
        tpu.enqueue_indirect_dma source(%arg10 : memref<128x128xf32, #tpu.memory_space<vmem>>) target(%dma_start3A_65 : memref<10112x128xf32, #tpu.memory_space<vmem_shared>>) offsets(%dma_start3A_62 : memref<128xi32, #tpu.memory_space<vmem>>) semaphore(%run_scoped3A : memref<!tpu.dma_semaphore, #tpu.memory_space<semaphore_mem>>) {add = true}
        %dma_wait3A_66 = arith.constant 0 : i32
        %dma_wait3A_67 = tpu.memref_slice %arg8[%add3A_38, %dma_wait3A_66] : memref<40x128xi32, #tpu.memory_space<vmem>> -> memref<1x128xi32, #tpu.memory_space<vmem>>
        %dma_wait3A_68 = tpu.memref_squeeze %dma_wait3A_67 : memref<1x128xi32, #tpu.memory_space<vmem>> -> memref<128xi32, #tpu.memory_space<vmem>>
        %dma_wait3A_69 = arith.constant 0 : i32
        %dma_wait3A_70 = arith.constant 0 : i32
        %dma_wait3A_71 = tpu.memref_slice %arg11[%dma_wait3A_69, %dma_wait3A_70] : memref<10112x128xf32, #tpu.memory_space<vmem_shared>> -> memref<10112x128xf32, #tpu.memory_space<vmem_shared>>
        tpu.wait_indirect_dma semaphore(%run_scoped3A : memref<!tpu.dma_semaphore, #tpu.memory_space<semaphore_mem>>) src(%arg10 : memref<128x128xf32, #tpu.memory_space<vmem>>) dst(%dma_wait3A_71 : memref<10112x128xf32, #tpu.memory_space<vmem_shared>>)
        tpu.yield
      }) : () -> ()
    }
    %scan3A_32 = arith.constant 20 : i32
    %barrier3A_33 = arith.constant 0 : index
    tpu.barrier barrier_id(%barrier3A_33)
    "tpu.region"() ({
      %run_scoped3A = tpu.sem_alloc : memref<!tpu.dma_semaphore, #tpu.memory_space<semaphore_mem>>
      %dma_start3A_34 = arith.constant 0 : i32
      %dma_start3A_35 = tpu.memref_slice %arg6[%arg0, %mul3A_2, %dma_start3A_34] : memref<2x10112x128xf32, #tpu.memory_space<hbm>> -> memref<1x632x128xf32, #tpu.memory_space<hbm>>
      %dma_start3A_36 = tpu.memref_squeeze %dma_start3A_35 : memref<1x632x128xf32, #tpu.memory_space<hbm>> -> memref<632x128xf32, #tpu.memory_space<hbm>>
      %dma_start3A_37 = arith.constant 0 : i32
      %dma_start3A_38 = tpu.memref_slice %arg11[%mul3A_2, %dma_start3A_37] : memref<10112x128xf32, #tpu.memory_space<vmem_shared>> -> memref<632x128xf32, #tpu.memory_space<vmem_shared>>
      tpu.enqueue_dma source(%dma_start3A_38 : memref<632x128xf32, #tpu.memory_space<vmem_shared>>) target(%dma_start3A_36 : memref<632x128xf32, #tpu.memory_space<hbm>>) target_semaphore(%run_scoped3A : memref<!tpu.dma_semaphore, #tpu.memory_space<semaphore_mem>>)
      %dma_wait3A = arith.constant 0 : i32
      %dma_wait3A_39 = tpu.memref_slice %arg6[%arg0, %mul3A_2, %dma_wait3A] : memref<2x10112x128xf32, #tpu.memory_space<hbm>> -> memref<1x632x128xf32, #tpu.memory_space<hbm>>
      %dma_wait3A_40 = tpu.memref_squeeze %dma_wait3A_39 : memref<1x632x128xf32, #tpu.memory_space<hbm>> -> memref<632x128xf32, #tpu.memory_space<hbm>>
      %dma_wait3A_41 = arith.constant 0 : i32
      %dma_wait3A_42 = tpu.memref_slice %arg11[%mul3A_2, %dma_wait3A_41] : memref<10112x128xf32, #tpu.memory_space<vmem_shared>> -> memref<632x128xf32, #tpu.memory_space<vmem_shared>>
      tpu.wait_dma2 semaphore(%run_scoped3A : memref<!tpu.dma_semaphore, #tpu.memory_space<semaphore_mem>>) src(%dma_wait3A_42 : memref<632x128xf32, #tpu.memory_space<vmem_shared>>) dst(%dma_wait3A_40 : memref<632x128xf32, #tpu.memory_space<hbm>>)
      tpu.yield
    }) : () -> ()
    return
  }
}

module attributes {stable_mosaic.version = 14 : i64} {
  func.func @_tc_in_body(%arg0: memref<10000x128xf32, #tpu.memory_space<vmem>>, %arg1: memref<128x128xf32, #tpu.memory_space<vmem>>, %arg2: memref<1x128xf32, #tpu.memory_space<vmem>>, %arg3: memref<128x128xf32, #tpu.memory_space<vmem>>, %arg4: memref<2x10112x128xf32, #tpu.memory_space<vmem>>, %arg5: memref<10112x128xf32, #tpu.memory_space<vmem>>, %arg6: memref<10112x8xf32, #tpu.memory_space<vmem>>) attributes {dimension_semantics = [], scalar_prefetch = 0 : i64, scratch_operands = 0 : i64, tpu.core_type = #tpu.core_type<tc>} {
    %get3A = arith.constant 0 : index
    %get3A_0 = arith.constant 0 : index
    %get3A_1 = arith.constant 0 : index
    %get3A_2 = vector.load %arg4[%get3A, %get3A_0, %get3A_1] : memref<2x10112x128xf32, #tpu.memory_space<vmem>>, vector<2x10112x128xf32>
    %slice3A = vector.extract_strided_slice %get3A_2 {offsets = [0, 0, 0], sizes = [1, 10112, 8], strides = [1, 1, 1]} : vector<2x10112x128xf32> to vector<1x10112x8xf32>
    %squeeze3A = vector.shape_cast %slice3A : vector<1x10112x8xf32> to vector<10112x8xf32>
    %slice3A_3 = vector.extract_strided_slice %get3A_2 {offsets = [1, 0, 0], sizes = [1, 10112, 8], strides = [1, 1, 1]} : vector<2x10112x128xf32> to vector<1x10112x8xf32>
    %squeeze3A_4 = vector.shape_cast %slice3A_3 : vector<1x10112x8xf32> to vector<10112x8xf32>
    %add3A = arith.addf %squeeze3A, %squeeze3A_4 : vector<10112x8xf32>
    %add3A_5 = arith.constant 1.000000e+00 : f32
    %add3A_6 = vector.broadcast %add3A_5 : f32 to vector<10112x8xf32>
    %add3A_7 = arith.addf %add3A, %add3A_6 : vector<10112x8xf32>
    %max3A = arith.constant 9.99999996E-13 : f32
    %max3A_8 = vector.broadcast %max3A : f32 to vector<10112x8xf32>
    %max3A_9 = arith.maximumf %add3A_7, %max3A_8 : vector<10112x8xf32>
    %rsqrt3A = math.rsqrt %max3A_9 : vector<10112x8xf32>
    %swap3A = arith.constant 0 : index
    %swap3A_10 = arith.constant 0 : index
    %swap3A_11 = vector.load %arg6[%swap3A, %swap3A_10] : memref<10112x8xf32, #tpu.memory_space<vmem>>, vector<10112x8xf32>
    tpu.vector_store %arg6[%swap3A, %swap3A_10], %rsqrt3A {strides = array<i32>} : memref<10112x8xf32, #tpu.memory_space<vmem>>, vector<10112x8xf32>,
    %get3A_12 = arith.constant 0 : index
    %get3A_13 = arith.constant 0 : index
    %get3A_14 = vector.load %arg0[%get3A_12, %get3A_13] : memref<10000x128xf32, #tpu.memory_space<vmem>>, vector<10000x128xf32>
    %get3A_15 = arith.constant 0 : index
    %get3A_16 = arith.constant 0 : index
    %get3A_17 = vector.load %arg1[%get3A_15, %get3A_16] : memref<128x128xf32, #tpu.memory_space<vmem>>, vector<128x128xf32>
    %convert_element_type3A = arith.truncf %get3A_14 : vector<10000x128xf32> to vector<10000x128xbf16>
    %convert_element_type3A_18 = arith.truncf %get3A_17 : vector<128x128xf32> to vector<128x128xbf16>
    %dot_general3A = arith.constant dense<0.000000e+00> : vector<10000x128xf32>
    %dot_general3A_19 = tpu.matmul %convert_element_type3A, %convert_element_type3A_18, %dot_general3A {dimension_numbers = #tpu.dot_dimension_numbers<[1], [1], [0], [0], [0, 0, 1, 0], [], []>, transpose_lhs_hint = false} : vector<10000x128xbf16>, vector<128x128xbf16>, vector<10000x128xf32> -> vector<10000x128xf32>
    %get3A_20 = arith.constant 0 : index
    %get3A_21 = arith.constant 0 : index
    %get3A_22 = vector.load %arg2[%get3A_20, %get3A_21] : memref<1x128xf32, #tpu.memory_space<vmem>>, vector<1x128xf32>
    %add3A_23 = vector.broadcast %get3A_22 : vector<1x128xf32> to vector<10000x128xf32>
    %add3A_24 = arith.addf %dot_general3A_19, %add3A_23 : vector<10000x128xf32>
    %max3A_25 = arith.constant 0.000000e+00 : f32
    %max3A_26 = vector.broadcast %max3A_25 : f32 to vector<10000x128xf32>
    %max3A_27 = arith.maximumf %add3A_24, %max3A_26 : vector<10000x128xf32>
    %get3A_28 = arith.constant 0 : index
    %get3A_29 = arith.constant 0 : index
    %get3A_30 = vector.load %arg3[%get3A_28, %get3A_29] : memref<128x128xf32, #tpu.memory_space<vmem>>, vector<128x128xf32>
    %convert_element_type3A_31 = arith.truncf %max3A_27 : vector<10000x128xf32> to vector<10000x128xbf16>
    %convert_element_type3A_32 = arith.truncf %get3A_30 : vector<128x128xf32> to vector<128x128xbf16>
    %dot_general3A_33 = arith.constant dense<0.000000e+00> : vector<10000x128xf32>
    %dot_general3A_34 = tpu.matmul %convert_element_type3A_31, %convert_element_type3A_32, %dot_general3A_33 {dimension_numbers = #tpu.dot_dimension_numbers<[1], [1], [0], [0], [0, 0, 1, 0], [], []>, transpose_lhs_hint = false} : vector<10000x128xbf16>, vector<128x128xbf16>, vector<10000x128xf32> -> vector<10000x128xf32>
    %slice3A_35 = vector.extract_strided_slice %rsqrt3A {offsets = [0, 0], sizes = [10000, 1], strides = [1, 1]} : vector<10112x8xf32> to vector<10000x1xf32>
    %mul3A = vector.broadcast %slice3A_35 : vector<10000x1xf32> to vector<10000x128xf32>
    %mul3A_36 = arith.mulf %dot_general3A_34, %mul3A : vector<10000x128xf32>
    %swap3A_37 = arith.constant 0 : index
    %swap3A_38 = arith.constant 0 : index
    %swap3A_39 = vector.load %arg5[%swap3A_37, %swap3A_38] : memref<10112x128xf32, #tpu.memory_space<vmem>>, vector<10000x128xf32>
    tpu.vector_store %arg5[%swap3A_37, %swap3A_38], %mul3A_36 {strides = array<i32>} : memref<10112x128xf32, #tpu.memory_space<vmem>>, vector<10000x128xf32>,
    %broadcast_in_dim3A = arith.constant 0.000000e+00 : f32
    %broadcast_in_dim3A_40 = vector.broadcast %broadcast_in_dim3A : f32 to vector<112x128xf32>
    %swap3A_41 = arith.constant 10000 : index
    %swap3A_42 = arith.constant 0 : index
    %swap3A_43 = vector.load %arg5[%swap3A_41, %swap3A_42] : memref<10112x128xf32, #tpu.memory_space<vmem>>, vector<112x128xf32>
    tpu.vector_store %arg5[%swap3A_41, %swap3A_42], %broadcast_in_dim3A_40 {strides = array<i32>} : memref<10112x128xf32, #tpu.memory_space<vmem>>, vector<112x128xf32>,
    return
  }
}

module attributes {stable_mosaic.version = 14 : i64} {
  func.func @_tc_mid_body(%arg0: memref<2x10112x128xf32, #tpu.memory_space<vmem>>, %arg1: memref<10112x8xf32, #tpu.memory_space<vmem>>, %arg2: memref<1x128xf32, #tpu.memory_space<vmem>>, %arg3: memref<128x128xf32, #tpu.memory_space<vmem>>, %arg4: memref<10112x128xf32, #tpu.memory_space<vmem>>) attributes {dimension_semantics = [], scalar_prefetch = 0 : i64, scratch_operands = 0 : i64, tpu.core_type = #tpu.core_type<tc>} {
    %get3A = arith.constant 0 : index
    %get3A_0 = arith.constant 0 : index
    %get3A_1 = vector.load %arg1[%get3A, %get3A_0] : memref<10112x8xf32, #tpu.memory_space<vmem>>, vector<10000x1xf32>
    %get3A_2 = arith.constant 0 : index
    %get3A_3 = arith.constant 0 : index
    %get3A_4 = arith.constant 0 : index
    %get3A_5 = vector.load %arg0[%get3A_2, %get3A_3, %get3A_4] : memref<2x10112x128xf32, #tpu.memory_space<vmem>>, vector<1x10000x128xf32>
    %get3A_6 = vector.shape_cast %get3A_5 : vector<1x10000x128xf32> to vector<10000x128xf32>
    %get3A_7 = arith.constant 1 : index
    %get3A_8 = arith.constant 0 : index
    %get3A_9 = arith.constant 0 : index
    %get3A_10 = vector.load %arg0[%get3A_7, %get3A_8, %get3A_9] : memref<2x10112x128xf32, #tpu.memory_space<vmem>>, vector<1x10000x128xf32>
    %get3A_11 = vector.shape_cast %get3A_10 : vector<1x10000x128xf32> to vector<10000x128xf32>
    %add3A = arith.addf %get3A_6, %get3A_11 : vector<10000x128xf32>
    %mul3A = vector.broadcast %get3A_1 : vector<10000x1xf32> to vector<10000x128xf32>
    %mul3A_12 = arith.mulf %add3A, %mul3A : vector<10000x128xf32>
    %get3A_13 = arith.constant 0 : index
    %get3A_14 = arith.constant 0 : index
    %get3A_15 = vector.load %arg2[%get3A_13, %get3A_14] : memref<1x128xf32, #tpu.memory_space<vmem>>, vector<1x128xf32>
    %add3A_16 = vector.broadcast %get3A_15 : vector<1x128xf32> to vector<10000x128xf32>
    %add3A_17 = arith.addf %mul3A_12, %add3A_16 : vector<10000x128xf32>
    %max3A = arith.constant 0.000000e+00 : f32
    %max3A_18 = vector.broadcast %max3A : f32 to vector<10000x128xf32>
    %max3A_19 = arith.maximumf %add3A_17, %max3A_18 : vector<10000x128xf32>
    %get3A_20 = arith.constant 0 : index
    %get3A_21 = arith.constant 0 : index
    %get3A_22 = vector.load %arg3[%get3A_20, %get3A_21] : memref<128x128xf32, #tpu.memory_space<vmem>>, vector<128x128xf32>
    %convert_element_type3A = arith.truncf %max3A_19 : vector<10000x128xf32> to vector<10000x128xbf16>
    %convert_element_type3A_23 = arith.truncf %get3A_22 : vector<128x128xf32> to vector<128x128xbf16>
    %dot_general3A = arith.constant dense<0.000000e+00> : vector<10000x128xf32>
    %dot_general3A_24 = tpu.matmul %convert_element_type3A, %convert_element_type3A_23, %dot_general3A {dimension_numbers = #tpu.dot_dimension_numbers<[1], [1], [0], [0], [0, 0, 1, 0], [], []>, transpose_lhs_hint = false} : vector<10000x128xbf16>, vector<128x128xbf16>, vector<10000x128xf32> -> vector<10000x128xf32>
    %mul3A_25 = vector.broadcast %get3A_1 : vector<10000x1xf32> to vector<10000x128xf32>
    %mul3A_26 = arith.mulf %dot_general3A_24, %mul3A_25 : vector<10000x128xf32>
    %swap3A = arith.constant 0 : index
    %swap3A_27 = arith.constant 0 : index
    %swap3A_28 = vector.load %arg4[%swap3A, %swap3A_27] : memref<10112x128xf32, #tpu.memory_space<vmem>>, vector<10000x128xf32>
    tpu.vector_store %arg4[%swap3A, %swap3A_27], %mul3A_26 {strides = array<i32>} : memref<10112x128xf32, #tpu.memory_space<vmem>>, vector<10000x128xf32>,
    %broadcast_in_dim3A = arith.constant 0.000000e+00 : f32
    %broadcast_in_dim3A_29 = vector.broadcast %broadcast_in_dim3A : f32 to vector<112x128xf32>
    %swap3A_30 = arith.constant 10000 : index
    %swap3A_31 = arith.constant 0 : index
    %swap3A_32 = vector.load %arg4[%swap3A_30, %swap3A_31] : memref<10112x128xf32, #tpu.memory_space<vmem>>, vector<112x128xf32>
    tpu.vector_store %arg4[%swap3A_30, %swap3A_31], %broadcast_in_dim3A_29 {strides = array<i32>} : memref<10112x128xf32, #tpu.memory_space<vmem>>, vector<112x128xf32>,
    return
  }
}

module attributes {stable_mosaic.version = 14 : i64} {
  func.func @_tc_out_body(%arg0: memref<2x10112x128xf32, #tpu.memory_space<vmem>>, %arg1: memref<10112x8xf32, #tpu.memory_space<vmem>>, %arg2: memref<1x128xf32, #tpu.memory_space<vmem>>, %arg3: memref<10000x1xi32, #tpu.memory_space<vmem>>, %arg4: memref<128x128xf32, #tpu.memory_space<vmem>>, %arg5: memref<1x128xf32, #tpu.memory_space<vmem>>, %arg6: memref<8x128xf32, #tpu.memory_space<vmem>>, %arg7: memref<1x8xf32, #tpu.memory_space<vmem>>, %arg8: memref<64x8xf32, #tpu.memory_space<vmem>>) attributes {dimension_semantics = [], scalar_prefetch = 0 : i64, scratch_operands = 0 : i64, tpu.core_type = #tpu.core_type<tc>} {
    %get3A = arith.constant 0 : index
    %get3A_0 = arith.constant 0 : index
    %get3A_1 = vector.load %arg1[%get3A, %get3A_0] : memref<10112x8xf32, #tpu.memory_space<vmem>>, vector<10000x1xf32>
    %get3A_2 = arith.constant 0 : index
    %get3A_3 = arith.constant 0 : index
    %get3A_4 = arith.constant 0 : index
    %get3A_5 = vector.load %arg0[%get3A_2, %get3A_3, %get3A_4] : memref<2x10112x128xf32, #tpu.memory_space<vmem>>, vector<1x10000x128xf32>
    %get3A_6 = vector.shape_cast %get3A_5 : vector<1x10000x128xf32> to vector<10000x128xf32>
    %get3A_7 = arith.constant 1 : index
    %get3A_8 = arith.constant 0 : index
    %get3A_9 = arith.constant 0 : index
    %get3A_10 = vector.load %arg0[%get3A_7, %get3A_8, %get3A_9] : memref<2x10112x128xf32, #tpu.memory_space<vmem>>, vector<1x10000x128xf32>
    %get3A_11 = vector.shape_cast %get3A_10 : vector<1x10000x128xf32> to vector<10000x128xf32>
    %add3A = arith.addf %get3A_6, %get3A_11 : vector<10000x128xf32>
    %mul3A = vector.broadcast %get3A_1 : vector<10000x1xf32> to vector<10000x128xf32>
    %mul3A_12 = arith.mulf %add3A, %mul3A : vector<10000x128xf32>
    %get3A_13 = arith.constant 0 : index
    %get3A_14 = arith.constant 0 : index
    %get3A_15 = vector.load %arg2[%get3A_13, %get3A_14] : memref<1x128xf32, #tpu.memory_space<vmem>>, vector<1x128xf32>
    %add3A_16 = vector.broadcast %get3A_15 : vector<1x128xf32> to vector<10000x128xf32>
    %add3A_17 = arith.addf %mul3A_12, %add3A_16 : vector<10000x128xf32>
    %max3A = arith.constant 0.000000e+00 : f32
    %max3A_18 = vector.broadcast %max3A : f32 to vector<10000x128xf32>
    %max3A_19 = arith.maximumf %add3A_17, %max3A_18 : vector<10000x128xf32>
    %iota3A = tpu.iota {dimensions = array<i32: 1>} : vector<1x64xi32>
    %get3A_20 = arith.constant 0 : index
    %get3A_21 = arith.constant 0 : index
    %get3A_22 = vector.load %arg3[%get3A_20, %get3A_21] : memref<10000x1xi32, #tpu.memory_space<vmem>>, vector<10000x1xi32>
    %eq3A = vector.broadcast %get3A_22 : vector<10000x1xi32> to vector<10000x64xi32>
    %eq3A_23 = vector.broadcast %iota3A : vector<1x64xi32> to vector<10000x64xi32>
    %eq3A_24 = arith.cmpi eq, %eq3A, %eq3A_23 : vector<10000x64xi32>
    %convert_element_type3A = arith.extui %eq3A_24 : vector<10000x64xi1> to vector<10000x64xi32>
    %convert_element_type3A_25 = arith.sitofp %convert_element_type3A : vector<10000x64xi32> to vector<10000x64xf32>
    %dot_general3A = arith.constant dense<0.000000e+00> : vector<64x128xf32>
    %dot_general3A_26 = tpu.matmul %convert_element_type3A_25, %max3A_19, %dot_general3A {dimension_numbers = #tpu.dot_dimension_numbers<[0], [0], [1], [1], [0, 1, 1, 1], [], []>, precision = #tpu.contract_precision<fp32>, transpose_lhs_hint = false} : vector<10000x64xf32>, vector<10000x128xf32>, vector<64x128xf32> -> vector<64x128xf32>
    %get3A_27 = arith.constant 0 : index
    %get3A_28 = arith.constant 0 : index
    %get3A_29 = vector.load %arg4[%get3A_27, %get3A_28] : memref<128x128xf32, #tpu.memory_space<vmem>>, vector<128x128xf32>
    %convert_element_type3A_30 = arith.truncf %dot_general3A_26 : vector<64x128xf32> to vector<64x128xbf16>
    %convert_element_type3A_31 = arith.truncf %get3A_29 : vector<128x128xf32> to vector<128x128xbf16>
    %dot_general3A_32 = arith.constant dense<0.000000e+00> : vector<64x128xf32>
    %dot_general3A_33 = tpu.matmul %convert_element_type3A_30, %convert_element_type3A_31, %dot_general3A_32 {dimension_numbers = #tpu.dot_dimension_numbers<[1], [1], [0], [0], [0, 0, 1, 0], [], []>, transpose_lhs_hint = false} : vector<64x128xbf16>, vector<128x128xbf16>, vector<64x128xf32> -> vector<64x128xf32>
    %get3A_34 = arith.constant 0 : index
    %get3A_35 = arith.constant 0 : index
    %get3A_36 = vector.load %arg5[%get3A_34, %get3A_35] : memref<1x128xf32, #tpu.memory_space<vmem>>, vector<1x128xf32>
    %add3A_37 = vector.broadcast %get3A_36 : vector<1x128xf32> to vector<64x128xf32>
    %add3A_38 = arith.addf %dot_general3A_33, %add3A_37 : vector<64x128xf32>
    %max3A_39 = arith.constant 0.000000e+00 : f32
    %max3A_40 = vector.broadcast %max3A_39 : f32 to vector<64x128xf32>
    %max3A_41 = arith.maximumf %add3A_38, %max3A_40 : vector<64x128xf32>
    %get3A_42 = arith.constant 0 : index
    %get3A_43 = arith.constant 0 : index
    %get3A_44 = vector.load %arg6[%get3A_42, %get3A_43] : memref<8x128xf32, #tpu.memory_space<vmem>>, vector<8x128xf32>
    %convert_element_type3A_45 = arith.truncf %max3A_41 : vector<64x128xf32> to vector<64x128xbf16>
    %convert_element_type3A_46 = arith.truncf %get3A_44 : vector<8x128xf32> to vector<8x128xbf16>
    %dot_general3A_47 = arith.constant dense<0.000000e+00> : vector<64x8xf32>
    %dot_general3A_48 = tpu.matmul %convert_element_type3A_45, %convert_element_type3A_46, %dot_general3A_47 {dimension_numbers = #tpu.dot_dimension_numbers<[1], [1], [0], [0], [0, 0, 1, 0], [], []>, transpose_lhs_hint = false} : vector<64x128xbf16>, vector<8x128xbf16>, vector<64x8xf32> -> vector<64x8xf32>
    %get3A_49 = arith.constant 0 : index
    %get3A_50 = arith.constant 0 : index
    %get3A_51 = vector.load %arg7[%get3A_49, %get3A_50] : memref<1x8xf32, #tpu.memory_space<vmem>>, vector<1x8xf32>
    %add3A_52 = vector.broadcast %get3A_51 : vector<1x8xf32> to vector<64x8xf32>
    %add3A_53 = arith.addf %dot_general3A_48, %add3A_52 : vector<64x8xf32>
    %swap3A = arith.constant 0 : index
    %swap3A_54 = arith.constant 0 : index
    %swap3A_55 = vector.load %arg8[%swap3A, %swap3A_54] : memref<64x8xf32, #tpu.memory_space<vmem>>, vector<64x8xf32>
    tpu.vector_store %arg8[%swap3A, %swap3A_54], %add3A_53 {strides = array<i32>} : memref<64x8xf32, #tpu.memory_space<vmem>>, vector<64x8xf32>,
    return
  }
}

</mosaic_0001>

<sc_bundles>
// kernel: kernel.10.cloned.1.call-start
scs
__scs_entry_jumppad:
0x0: {  	(pc) =	sbr.rel $0x88, $3  }
0x1: {  	(tag) =	ssettag $0x0;
	lr =	simm.s32 $0x1  }
0x2: {  	[smem:$0x3F92] =	sst lr;
	_ =	strace $0xD0000000  }
0x3: {  	_ = 	snop  }
0x4: {  	_ = 	snop  }
0x5: {  	_ = 	snop  }
0x6: {  	_ = 	snop  }
0x7: {  	_ = 	snop  }
__scs_overlays_trampoline_lowered:
0x8: {  	[smem:$0x3FA1] =	sst s0  }
0x9: {  	[smem:$0x3FA2] =	sst s1  }
0xa: {  	[smem:$0x3FA3] =	sst s2  }
0xb: {  	[smem:$0x3FA4] =	sst s3  }
0xc: {  	[smem:$0x3FA5] =	sst s4  }
0xd: {  	[smem:$0x3FA6] =	sst s5  }
0xe: {  	[smem:$0x3FA7] =	sst s6  }
0xf: {  	[smem:$0x3FA8] =	sst s7  }
0x10: {  	[smem:$0x3FA9] =	sst s8  }
0x11: {  	[smem:$0x3FAA] =	sst s9;
	s0 =	simm.s32 @!p0 $0x0  }
0x12: {  	s1 =	sld [smem:$0x3F90];
	s0 =	simm.s32 @p0 $0x1  }
0x13: {  	[smem:$0x3FAB] =	sst s0;
	s0 =	simm.s32 @!p1 $0x0  }
0x14: {  	s2 =	sld [smem:$0x3F8F];
	s0 =	simm.s32 @p1 $0x1  }
0x15: {  	[smem:$0x3FAC] =	sst s0;
	s0 =	simm.s32 @!p2 $0x0  }
0x16: {  	s3 =	sld [smem:$0x3FDB];
	s0 =	simm.s32 @p2 $0x1  }
0x17: {  	s4 =	simm.s32 $0x1BF5;
	[smem:$0x3FAE] =	sst s0  }
0x18: {  	s0 =	sld [smem:$0x3F91];
	_ =	swait.ge [sflag:s4], $0x0  }
0x19: {  	s7 =	sld [smem:$0x3F92]  }
0x1a: {  	s8 =	sadd.s32 $0xFFFFE003, lr  }
0x1b: {  	s9 =	sadd.s32 $0xFFFFFEF7, lr;
	s5 =	simm.s32 $0xFFFFFFFF;
	p2 =	slt.u32 s8, $0xFFFFF086  }
0x1c: {  	p1 =	slt.u32 s9, $0xF7A;
	s5 =	simm.s32 @!p2 $0x0  }
0x1d: {  	s5 =	simm.s32 @p1 $0x1;
	p0 =	seq.s32 s7, s2  }
0x1e: {  	s7 =	smul.u32 @!p0 $0xF7A, s2;
	p2 =	seq.s32 @!p0 s5, $0x0  }
0x1f: {  	s9 =	smul.u32 $0xF7A, s1;
	s8 =	simm.s32 @!p0 $0x1BF5;
	p2 =	por !p2, p0  }
0x20: {  	[sflag:s8] =	ssyncset.s32 @!p0 $0xFFFFF086;
	s6 =	sadd.s32 @!p0 s3, s7;
	s7 =	simm.s32 @!p0 $0x108  }
0x21: {  	s3 =	sadd.s32 s3, s9;
	s6 =	sadd.s32 @!p0 $0x88, s6;
	s7 =	simm.s32 @p2 $0x1082  }
0x22: {  	[simem:s7], [sflag:s8] =	dma.local @!p0 [hbm:s6], $0xF7A  }
0x23: {  	s9 =	sor.u32 $0xD0000000, s2;
	s6 =	simm.s32 $0x108;
	_ =	swait.ge @!p0 [sflag:s8], $0x0  }
0x24: {  	s3 =	sadd.s32 $0x88, s3;
	s6 =	simm.s32 @!p1 $0x1082;
	[sflag:s4] =	ssyncset.s32 $0xFFFFF086  }
0x25: {  	[simem:s6], [sflag:s4] =	dma.local [hbm:s3], $0xF7A  }
0x26: {  	[smem:$0x3F92] =	sst s1;
	(tag) =	ssettag s2;
	_ =	strace s9  }
0x27: {  	s1 =	sld [smem:$0x3FA2]  }
0x28: {  	s2 =	sld [smem:$0x3FA3]  }
0x29: {  	s4 =	sld [smem:$0x3FA5]  }
0x2a: {  	p0 =	seq.s32 s5, $0x0;
	s5 =	sld [smem:$0x3FA6]  }
0x2b: {  	s6 =	sld [smem:$0x3FA7]  }
0x2c: {  	s7 =	sld [smem:$0x3FA8]  }
0x2d: {  	s3 =	simm.s32 $0x108;
	s8 =	sld [smem:$0x3FA9]  }
0x2e: {  	s3 =	simm.s32 @!p0 $0x1082;
	s9 =	sld [smem:$0x3FAA]  }
0x2f: {  	lr =	sadd.s32 s0, s3;
	s0 =	sld [smem:$0x3FA1]  }
0x30: {  	s3 =	sld [smem:$0x3FA4]  }
0x31: {  	[smem:$0x3FAD] =	sst s10  }
0x32: {  	s10 =	sld [smem:$0x3FAB];
	_ =	sdelay $0x3  }
0x33: {  	p0 =	seq.s32 s10, $0x1;
	s10 =	sld [smem:$0x3FAD];
	_ =	sdelay $0x3  }
0x34: {  	[smem:$0x3FAD] =	sst s10  }
0x35: {  	s10 =	sld [smem:$0x3FAC];
	_ =	sdelay $0x3  }
0x36: {  	p1 =	seq.s32 s10, $0x1;
	s10 =	sld [smem:$0x3FAD];
	_ =	sdelay $0x3  }
0x37: {  	[smem:$0x3FAD] =	sst s10  }
0x38: {  	s10 =	sld [smem:$0x3FAE]  }
0x39: {  	_ = 	snop;
	(pc) =	sbr.ind lr, $3  }
0x3a: {  	_ = 	snop  }
0x3b: {  	_ = 	snop  }
0x3c: {  	p2 =	seq.s32 s10, $0x1;
	s10 =	sld [smem:$0x3FAD]  }
0x3d: {  	_ =	shalt  }
0x3e: {  	_ =	shalt  }
0x3f: {  	_ =	shalt  }
0x40: {  	_ =	shalt  }
0x41: {  	_ =	shalt  }
0x42: {  	_ =	shalt  }
0x43: {  	_ =	shalt  }
0x44: {  	_ =	shalt  }
0x45: {  	_ =	shalt  }
0x46: {  	_ =	shalt  }
0x47: {  	_ =	shalt  }
0x48: {  	_ =	shalt  }
0x49: {  	_ =	shalt  }
0x4a: {  	_ =	shalt  }
0x4b: {  	_ =	shalt  }
0x4c: {  	_ =	shalt  }
0x4d: {  	_ =	shalt  }
0x4e: {  	_ =	shalt  }
0x4f: {  	_ =	shalt  }
0x50: {  	_ =	shalt  }
0x51: {  	_ =	shalt  }
0x52: {  	_ =	shalt  }
0x53: {  	_ =	shalt  }
0x54: {  	_ =	shalt  }
0x55: {  	_ =	shalt  }
0x56: {  	_ =	shalt  }
0x57: {  	_ =	shalt  }
0x58: {  	_ =	shalt  }
0x59: {  	_ =	shalt  }
0x5a: {  	_ =	shalt  }
0x5b: {  	_ =	shalt  }
0x5c: {  	_ =	shalt  }
0x5d: {  	_ =	shalt  }
0x5e: {  	_ =	shalt  }
0x5f: {  	_ =	shalt  }
0x60: {  	_ =	shalt  }
0x61: {  	_ =	shalt  }
0x62: {  	_ =	shalt  }
0x63: {  	_ =	shalt  }
0x64: {  	_ =	shalt  }
0x65: {  	_ =	shalt  }
0x66: {  	_ =	shalt  }
0x67: {  	_ =	shalt  }
0x68: {  	_ =	shalt  }
0x69: {  	_ =	shalt  }
0x6a: {  	_ =	shalt  }
0x6b: {  	_ =	shalt  }
0x6c: {  	_ =	shalt  }
0x6d: {  	_ =	shalt  }
0x6e: {  	_ =	shalt  }
0x6f: {  	_ =	shalt  }
0x70: {  	_ =	shalt  }
0x71: {  	_ =	shalt  }
0x72: {  	_ =	shalt  }
0x73: {  	_ =	shalt  }
0x74: {  	_ =	shalt  }
0x75: {  	_ =	shalt  }
0x76: {  	_ =	shalt  }
0x77: {  	_ =	shalt  }
0x78: {  	_ =	shalt  }
0x79: {  	_ =	shalt  }
0x7a: {  	_ =	shalt  }
0x7b: {  	_ =	shalt  }
0x7c: {  	_ =	shalt  }
0x7d: {  	_ =	shalt  }
0x7e: {  	_ =	shalt  }
0x7f: {  	_ =	shalt  }
0x80: {  	_ =	shalt  }
0x81: {  	_ =	shalt  }
0x82: {  	_ =	shalt  }
0x83: {  	_ =	shalt  }
0x84: {  	_ =	shalt  }
0x85: {  	_ =	shalt  }
0x86: {  	_ =	shalt  }
0x87: {  	_ =	shalt  }
.Lfunc_end0:
.L_simem_size_0:
called_computation_lowered:
.L_overlay_start_0:
0x88: {  	s2 =	sld [smem:$0x3FD9]  }
0x89: {  	s3 =	sld [smem:$0x3FFE];
	_ =	sdelay $0x1  }
0x8a: {  	s1 =	srdreg.scid  }
0x8b: {  	s0 =	sand.u32 $0x1, s1  }
0x8c: {  	s16 =	sshll.u32 s0, $0xA;
	s2 =	sadd.s32 s3, s2  }
0x8d: {  	s2 =	sadd.s32 s2, s16  }
0x8e: {  	[smem:$0x3FB9] =	sst s2  }
0x8f: {  	_ = 	snop  }
0x90: {  	(tm) =	ssettm $0x1  }
0x91: {  	s17 =	sld [smem:$0x3FFB];
	_ =	sdelay $0x3  }
0x92: {  	_ =	strace s17  }
0x93: {  	s2 =	sld [smem:$0x3FFC];
	_ =	sdelay $0x3  }
0x94: {  	_ =	strace s2  }
0x95: {  	s2 =	sld [smem:$0x3FFD];
	_ =	sdelay $0x3  }
0x96: {  	_ =	strace s2  }
0x97: {  	_ =	strace $0x8FFFFFFF  }
0x98: {  	s18 =	sld [smem:$0x3FDB];
	_ =	sdelay $0x1  }
0x99: {  	s19 =	simm.s32 $_scs_section_size  }
0x9a: {  	s4 =	simm.s32 $_size__tile_overlayer_lowered;
	s5 =	simm.s32 $_tile_overlayer_lowered  }
0x9b: {  	s22 =	simm.s32 $0x1BFF;
	s21 =	sshll.u32 s5, $0x1;
	s2 =	sadd.s32 s19, s18  }
0x9c: {  	s6 =	simm.s32 $0x0;
	s20 =	sshll.u32 s4, $0x1;
	s4 =	sadd.s32 s21, s2  }
0x9d: {  	[timem:s6], [sflag:s22] =	dma.local [hbm:s4], s20  }
0x9e: {  	_ =	swait.ge [sflag:s22], s20  }
0x9f: {  	s3 =	ssub.s32 $0x0, s20;
	[sflag:s22] =	ssyncset.done $0x0  }
0xa0: {  	[sflag:s22] =	ssyncadd.s32 s3;
	_ =	sdelay $0x1  }
0xa1: {  	s23 =	simm.s32 $0x1B8B  }
0xa2: {  	_ =	swait.ge [sflag:s23], $0x1  }
0xa3: {  	[sflag:s23] =	ssyncset.done $0x0  }
0xa4: {  	s25 =	simm.s32 $0x1B8E;
	s24 =	sld [smem:$0x3FFE];
	[sflag:s23] =	ssyncadd.s32 $0xFFFFFFFF  }
0xa5: {  	s26 =	simm.s32 $execute0_lowered;
	[smem:$0x3FD2] =	sst s25  }
0xa6: {  	s4 =	sshll.u32 s26, $0x1;
	_ =	strace $0x80000046;
	[dreg:$0x1] =	wrdreg $0xFFFFFFFF  }
0xa7: {  	s28 =	simm.s32 $_size_execute0_lowered;
	s2 =	sadd.s32 s2, s4;
	[dreg:$0x0] =	wrdreg $0x0  }
0xa8: {  	s4 =	sshll.u32 s28, $0x1;
	[dreg:$0x2] =	wrdreg s2  }
0xa9: {  	[dreg:$0x3] =	wrdreg s4  }
0xaa: {  	[dreg:$0x4] =	wrdreg $0xC0  }
0xab: {  	_ =	task [dreg:s6], $0x5FFFF  }
0xac: {  	[dreg:$0x1] =	wrdreg $0xFFFFFFFF  }
0xad: {  	[dreg:$0x0] =	wrdreg $0x60  }
0xae: {  	[dreg:$0x2] =	wrdreg s24  }
0xaf: {  	[dreg:$0x3] =	wrdreg $0x68000  }
0xb0: {  	[dreg:$0x4] =	wrdreg $0x9  }
0xb1: {  	_ =	task.clear_ibuf [dreg:s6], $0x5FFFF;
	_ =	strace $0x90000046  }
0xb2: {  	s29 =	simm.s32 $0x9;
	_ =	strace $0x80000048  }
0xb3: {  	_ =	swait.ge [sflag:s29], $0x1  }
0xb4: {  	[sflag:s29] =	ssyncadd.s32 $0xFFFFFFFF  }
0xb5: {  	_ =	strace $0x90000048  }
0xb6: {  	_ =	sfence  }
0xb7: {  	s30 =	sld [smem:$0x0];
	_ =	sdelay $0x2  }
0xb8: {  	s31 =	sshll.u32 s1, $0xD;
	s1 =	sshrl.u32 s1, $0x2  }
0xb9: {  	s3 =	sand.u32 $0x4000, s31;
	s1 =	sadd.s32 s1, s30  }
0xba: {  	s0 =	sor.u32 s3, s0;
	s1 =	sshll.u32 s1, $0x11  }
0xbb: {  	s0 =	sor.u32 s1, s0  }
0xbc: {  	s0 =	sadd.s32 $0x8F2B, s0  }
0xbd: {  	[sflag:s0] =	ssyncadd.remote.s32 $0x1  }
0xbe: {  	_ =	sfence.sel $0xFFFF  }
0xbf: {  	[dreg:$0x0] =	wrdreg $0xFFFFFFFF;
	(pc) =	sbr.abs _section_cstart, $3  }
0xc0: {  	[dreg:$0x1] =	wrdreg $0xFFFFFFFF  }
0xc1: {  	_ =	task.clear_ibuf [dreg:s6], $0x2FFFF;
	_ =	strace $0x9FFFFFFF  }
0xc2: {  	(tm) =	ssettm $0x7FFFFFFF  }
0xc3: {  	_ =	shalt  }
tec
execute0_lowered:
.L_overlay_start_1:
0x0: {  	(tag) =	ssettag $0x1  }
0x1: {  	s0 =	srdreg.scid;
	s6 =	rddreg [dreg:$0x0]  }
0x2: {  	s2 =	rddreg [dreg:$0x1];
	s5 =	sand.u32 $0x1, s0;
	s0 =	stileid.u32  }
0x3: {  	s3 =	simm.s32 $0x0;
	s14 =	simm.s32 $0x0;
	s7 =	smul.u32 $0x13C00, s0  }
0x4: {  	[smem:$0x7FF] =	sst s3;
	s1 =	sshll.u32 s5, $0x4;
	s8 =	smul.u32 $0x13C000, s5  }
0x5: {  	s5 =	ssub.s32 $0x2, s5;
	s29 =	smul.u32 $0x4F000, s0;
	s31 =	sshll.u32 s0, $0x6  }
0x6: {  	s4 =	sor.u32 s0, s1;
	s1 =	rddreg [dreg:$0x2];
	_ =	strace $0x80000047  }
0x7: {  	s11 =	sshrl.u32 s5, $0x1;
	s4 =	smul.u32 $0x500, s4;
	s10 =	sshrl.u32 s7, $0x3  }
0x8: {  	s7 =	sadd.s32 s7, s8;
	s11 =	ssub.s32 s5, s11;
	s30 =	sshrl.u32 s29, $0x2  }
0x9: {  	s10 =	sadd.s32 s10, s6;
	s7 =	sshrl.u32 s7, $0x3;
	s13 =	sadd.s32 s30, s2  }
0xa: {  	s9 =	sadd.s32 s4, s6;
	s4 =	sadd.s32 $0x3EA00, s6;
	s12 =	sadd.s32 s7, s6  }
0xb: {  	s5 =	sadd.s32 $0x17200, s10;
	s6 =	sor.u32 $0x1C01, s31;
	s10 =	sshrl.u32 s13, $0x3  }
0xc: {  	s13 =	simm.s32 $0x80;
	s7 =	sadd.s32 $0xD200, s9;
	s8 =	sadd.s32 $0x3F200, s12  }
0xd: {  	s9 =	smax.u32 s11, $0x1;
	s11 =	simm.s32 $0x1;
	s12 =	simm.s32 $0x2800  }
.LBB2_1:
0xe: {  	[spmem:s10], [sflag:s6] =	dma.local [hbm:s5], $0x2780  }
0xf: {  	_ =	swait.ge [sflag:s11], $0x2780  }
0x10: {  	[sflag:s11] =	ssyncset.done $0x0  }
0x11: {  	[sflag:s11] =	ssyncadd.s32 $0xFFFFD880  }
0x12: {  	[tilespmem:s12], [sflag:$0x1] =	stream.linear.gather [hbm4b:s4+s3], $0x4000, $0x38;
	[tilespmem:$0x1A400] =	vst v63  }
0x13: {  	_ =	swait.ge [sflag:s11], $0x4000  }
0x14: {  	[sflag:s11] =	ssyncset.done $0x0  }
0x15: {  	[sflag:s11] =	ssyncadd.s32 $0xFFFFC000  }
0x16: {  	[tilespmem:s3], [sflag:$0x1] =	stream.linear.gather [hbm4b:s7+s3], $0x2800, $0x38;
	[tilespmem:$0x1A400] =	vst v63  }
0x17: {  	_ =	swait.ge [sflag:s11], $0x2800  }
0x18: {  	[sflag:s11] =	ssyncset.done $0x0  }
0x19: {  	[sflag:s11] =	ssyncadd.s32 $0xFFFFD800  }
0x1a: {  	s15 =	simm.s32 $0x0;
	[bflag:$0x0] =	sbarrier.arrive $0xFFFF  }
0x1b: {  	[spmem:s2] =	stream.indirect.scatter.add.f32 [tilespmem:s12], [sflag:$0x1], $0x80, s15, s13, $0xb8;
	[tilespmem:$0x1A400] =	vst v63  }
0x1c: {  	_ =	swait.ge [sflag:s11], $0x4000  }
0x1d: {  	s15 =	simm.s32 $0x200;
	[sflag:s11] =	ssyncset.done $0x0  }
.LBB2_2:
0x1e: {  	s16 =	sshra.s32 s15, $0x2;
	[sflag:s11] =	ssyncadd.s32 $0xFFFFC000;
	p0 =	sne.s32 s15, $0x9E00  }
0x1f: {  	[spmem:s2] =	stream.indirect.scatter.add.f32 [tilespmem:s12], [sflag:$0x1], $0x80, s16, s13, $0xb8;
	[tilespmem:$0x1A400] =	vst v63  }
.Ltmp0:
0x20: {  	_ = 	snop;
	(pc) =	sbr.rel @p0 .LBB2_2-.Ltmp0, $4  }
0x21: {  	_ = 	snop  }
0x22: {  	s15 =	sadd.s32 $0x200, s15  }
0x23: {  	_ =	swait.ge [sflag:s11], $0x4000  }
0x24: {  	[sflag:s11] =	ssyncset.done $0x0  }
0x25: {  	s14 =	sadd.s32 $0x1, s14  }
0x26: {  	[sflag:s11] =	ssyncadd.s32 $0xFFFFC000;
	p0 =	sne.s32 s14, s9  }
.Ltmp1:
0x27: {  	[bflag:$0x0] =	sbarrier.arrive $0xFFFF;
	(pc) =	sbr.rel @p0 .LBB2_1-.Ltmp1, $4  }
0x28: {  	[hbm:s8], [sflag:s6] =	dma.local [spmem:s10], $0x2780  }
0x29: {  	_ =	swait.ge [sflag:s11], $0x2780  }
0x2a: {  	[sflag:s11] =	ssyncset.done $0x0  }
0x2b: {  	[sflag:s11] =	ssyncadd.s32 $0xFFFFD880  }
0x2c: {  	_ =	sfence.sel $0x180000  }
0x2d: {  	[bflag:$0x0] =	sbarrier.arrive $0xFFFF  }
0x2e: {  	p0 =	sne.s32 s0, $0x0;
	_ =	strace $0x90000047  }
0x2f: {  	s0 =	sadd.s32 @!p0 $0x100000, s1;
	[bflag:$0x2] =	sbarrier.arrive $0xFFFF  }
0x30: {  	[sflag:s0] =	ssyncadd.tile.s32 @!p0 $0x1;
	_ =	shalt  }
.Lfunc_end2:
_tile_overlayer_lowered:
.L_overlay_start_2:
0x31: {  	(tag) =	ssettag $0x2  }
0x32: {  	s0 =	rddreg [dreg:$0x0];
	s2 =	stileid.u32  }
0x33: {  	s1 =	rddreg [dreg:$0x1];
	p0 =	sne.s32 s2, $0x0  }
0x34: {  	s3 =	rddreg [dreg:$0x2];
	[bflag:$0x3] =	sbarrier.arrive $0xFFFF;
	s2 =	simm.s32 @!p0 $0x1C01  }
0x35: {  	[timem:s3], [sflag:s2] =	dma.local @!p0 [hbm:s0], s1  }
0x36: {  	s0 =	simm.s32 @!p0 $0x1  }
0x37: {  	_ =	swait.ge @!p0 [sflag:s0], s1  }
0x38: {  	s1 =	ssub.s32 @!p0 $0x0, s1;
	[sflag:s0] =	ssyncset.done @!p0 $0x0  }
0x39: {  	[sflag:s0] =	ssyncadd.s32 @!p0 s1  }
0x3a: {  	[bflag:$0x3] =	sbarrier.arrive $0xFFFF  }
0x3b: {  	_ =	shalt  }

// kernel: kernel.13.cloned.1.call-start
scs
__scs_entry_jumppad:
0x0: {  	(pc) =	sbr.rel $0x88, $3  }
0x1: {  	(tag) =	ssettag $0x0;
	lr =	simm.s32 $0x1  }
0x2: {  	[smem:$0x3F92] =	sst lr;
	_ =	strace $0xD0000000  }
0x3: {  	_ = 	snop  }
0x4: {  	_ = 	snop  }
0x5: {  	_ = 	snop  }
0x6: {  	_ = 	snop  }
0x7: {  	_ = 	snop  }
__scs_overlays_trampoline_lowered:
0x8: {  	[smem:$0x3FA1] =	sst s0  }
0x9: {  	[smem:$0x3FA2] =	sst s1  }
0xa: {  	[smem:$0x3FA3] =	sst s2  }
0xb: {  	[smem:$0x3FA4] =	sst s3  }
0xc: {  	[smem:$0x3FA5] =	sst s4  }
0xd: {  	[smem:$0x3FA6] =	sst s5  }
0xe: {  	[smem:$0x3FA7] =	sst s6  }
0xf: {  	[smem:$0x3FA8] =	sst s7  }
0x10: {  	[smem:$0x3FA9] =	sst s8  }
0x11: {  	[smem:$0x3FAA] =	sst s9;
	s0 =	simm.s32 @!p0 $0x0  }
0x12: {  	s1 =	sld [smem:$0x3F90];
	s0 =	simm.s32 @p0 $0x1  }
0x13: {  	[smem:$0x3FAB] =	sst s0;
	s0 =	simm.s32 @!p1 $0x0  }
0x14: {  	s2 =	sld [smem:$0x3F8F];
	s0 =	simm.s32 @p1 $0x1  }
0x15: {  	[smem:$0x3FAC] =	sst s0;
	s0 =	simm.s32 @!p2 $0x0  }
0x16: {  	s3 =	sld [smem:$0x3FDB];
	s0 =	simm.s32 @p2 $0x1  }
0x17: {  	s4 =	simm.s32 $0x1BF5;
	[smem:$0x3FAE] =	sst s0  }
0x18: {  	s0 =	sld [smem:$0x3F91];
	_ =	swait.ge [sflag:s4], $0x0  }
0x19: {  	s7 =	sld [smem:$0x3F92]  }
0x1a: {  	s8 =	sadd.s32 $0xFFFFE003, lr  }
0x1b: {  	s9 =	sadd.s32 $0xFFFFFEF7, lr;
	s5 =	simm.s32 $0xFFFFFFFF;
	p2 =	slt.u32 s8, $0xFFFFF086  }
0x1c: {  	p1 =	slt.u32 s9, $0xF7A;
	s5 =	simm.s32 @!p2 $0x0  }
0x1d: {  	s5 =	simm.s32 @p1 $0x1;
	p0 =	seq.s32 s7, s2  }
0x1e: {  	s7 =	smul.u32 @!p0 $0xF7A, s2;
	p2 =	seq.s32 @!p0 s5, $0x0  }
0x1f: {  	s9 =	smul.u32 $0xF7A, s1;
	s8 =	simm.s32 @!p0 $0x1BF5;
	p2 =	por !p2, p0  }
0x20: {  	[sflag:s8] =	ssyncset.s32 @!p0 $0xFFFFF086;
	s6 =	sadd.s32 @!p0 s3, s7;
	s7 =	simm.s32 @!p0 $0x108  }
0x21: {  	s3 =	sadd.s32 s3, s9;
	s6 =	sadd.s32 @!p0 $0x88, s6;
	s7 =	simm.s32 @p2 $0x1082  }
0x22: {  	[simem:s7], [sflag:s8] =	dma.local @!p0 [hbm:s6], $0xF7A  }
0x23: {  	s9 =	sor.u32 $0xD0000000, s2;
	s6 =	simm.s32 $0x108;
	_ =	swait.ge @!p0 [sflag:s8], $0x0  }
0x24: {  	s3 =	sadd.s32 $0x88, s3;
	s6 =	simm.s32 @!p1 $0x1082;
	[sflag:s4] =	ssyncset.s32 $0xFFFFF086  }
0x25: {  	[simem:s6], [sflag:s4] =	dma.local [hbm:s3], $0xF7A  }
0x26: {  	[smem:$0x3F92] =	sst s1;
	(tag) =	ssettag s2;
	_ =	strace s9  }
0x27: {  	s1 =	sld [smem:$0x3FA2]  }
0x28: {  	s2 =	sld [smem:$0x3FA3]  }
0x29: {  	s4 =	sld [smem:$0x3FA5]  }
0x2a: {  	p0 =	seq.s32 s5, $0x0;
	s5 =	sld [smem:$0x3FA6]  }
0x2b: {  	s6 =	sld [smem:$0x3FA7]  }
0x2c: {  	s7 =	sld [smem:$0x3FA8]  }
0x2d: {  	s3 =	simm.s32 $0x108;
	s8 =	sld [smem:$0x3FA9]  }
0x2e: {  	s3 =	simm.s32 @!p0 $0x1082;
	s9 =	sld [smem:$0x3FAA]  }
0x2f: {  	lr =	sadd.s32 s0, s3;
	s0 =	sld [smem:$0x3FA1]  }
0x30: {  	s3 =	sld [smem:$0x3FA4]  }
0x31: {  	[smem:$0x3FAD] =	sst s10  }
0x32: {  	s10 =	sld [smem:$0x3FAB];
	_ =	sdelay $0x3  }
0x33: {  	p0 =	seq.s32 s10, $0x1;
	s10 =	sld [smem:$0x3FAD];
	_ =	sdelay $0x3  }
0x34: {  	[smem:$0x3FAD] =	sst s10  }
0x35: {  	s10 =	sld [smem:$0x3FAC];
	_ =	sdelay $0x3  }
0x36: {  	p1 =	seq.s32 s10, $0x1;
	s10 =	sld [smem:$0x3FAD];
	_ =	sdelay $0x3  }
0x37: {  	[smem:$0x3FAD] =	sst s10  }
0x38: {  	s10 =	sld [smem:$0x3FAE]  }
0x39: {  	_ = 	snop;
	(pc) =	sbr.ind lr, $3  }
0x3a: {  	_ = 	snop  }
0x3b: {  	_ = 	snop  }
0x3c: {  	p2 =	seq.s32 s10, $0x1;
	s10 =	sld [smem:$0x3FAD]  }
0x3d: {  	_ =	shalt  }
0x3e: {  	_ =	shalt  }
0x3f: {  	_ =	shalt  }
0x40: {  	_ =	shalt  }
0x41: {  	_ =	shalt  }
0x42: {  	_ =	shalt  }
0x43: {  	_ =	shalt  }
0x44: {  	_ =	shalt  }
0x45: {  	_ =	shalt  }
0x46: {  	_ =	shalt  }
0x47: {  	_ =	shalt  }
0x48: {  	_ =	shalt  }
0x49: {  	_ =	shalt  }
0x4a: {  	_ =	shalt  }
0x4b: {  	_ =	shalt  }
0x4c: {  	_ =	shalt  }
0x4d: {  	_ =	shalt  }
0x4e: {  	_ =	shalt  }
0x4f: {  	_ =	shalt  }
0x50: {  	_ =	shalt  }
0x51: {  	_ =	shalt  }
0x52: {  	_ =	shalt  }
0x53: {  	_ =	shalt  }
0x54: {  	_ =	shalt  }
0x55: {  	_ =	shalt  }
0x56: {  	_ =	shalt  }
0x57: {  	_ =	shalt  }
0x58: {  	_ =	shalt  }
0x59: {  	_ =	shalt  }
0x5a: {  	_ =	shalt  }
0x5b: {  	_ =	shalt  }
0x5c: {  	_ =	shalt  }
0x5d: {  	_ =	shalt  }
0x5e: {  	_ =	shalt  }
0x5f: {  	_ =	shalt  }
0x60: {  	_ =	shalt  }
0x61: {  	_ =	shalt  }
0x62: {  	_ =	shalt  }
0x63: {  	_ =	shalt  }
0x64: {  	_ =	shalt  }
0x65: {  	_ =	shalt  }
0x66: {  	_ =	shalt  }
0x67: {  	_ =	shalt  }
0x68: {  	_ =	shalt  }
0x69: {  	_ =	shalt  }
0x6a: {  	_ =	shalt  }
0x6b: {  	_ =	shalt  }
0x6c: {  	_ =	shalt  }
0x6d: {  	_ =	shalt  }
0x6e: {  	_ =	shalt  }
0x6f: {  	_ =	shalt  }
0x70: {  	_ =	shalt  }
0x71: {  	_ =	shalt  }
0x72: {  	_ =	shalt  }
0x73: {  	_ =	shalt  }
0x74: {  	_ =	shalt  }
0x75: {  	_ =	shalt  }
0x76: {  	_ =	shalt  }
0x77: {  	_ =	shalt  }
0x78: {  	_ =	shalt  }
0x79: {  	_ =	shalt  }
0x7a: {  	_ =	shalt  }
0x7b: {  	_ =	shalt  }
0x7c: {  	_ =	shalt  }
0x7d: {  	_ =	shalt  }
0x7e: {  	_ =	shalt  }
0x7f: {  	_ =	shalt  }
0x80: {  	_ =	shalt  }
0x81: {  	_ =	shalt  }
0x82: {  	_ =	shalt  }
0x83: {  	_ =	shalt  }
0x84: {  	_ =	shalt  }
0x85: {  	_ =	shalt  }
0x86: {  	_ =	shalt  }
0x87: {  	_ =	shalt  }
.Lfunc_end0:
.L_simem_size_0:
called_computation.1_lowered:
.L_overlay_start_0:
0x88: {  	s2 =	sld [smem:$0x3FD9]  }
0x89: {  	s3 =	sld [smem:$0x3FFE];
	_ =	sdelay $0x1  }
0x8a: {  	s1 =	srdreg.scid  }
0x8b: {  	s0 =	sand.u32 $0x1, s1  }
0x8c: {  	s16 =	sshll.u32 s0, $0xA;
	s2 =	sadd.s32 s3, s2  }
0x8d: {  	s2 =	sadd.s32 s2, s16  }
0x8e: {  	[smem:$0x3FB9] =	sst s2  }
0x8f: {  	_ = 	snop  }
0x90: {  	(tm) =	ssettm $0x1  }
0x91: {  	s17 =	sld [smem:$0x3FFB];
	_ =	sdelay $0x3  }
0x92: {  	_ =	strace s17  }
0x93: {  	s2 =	sld [smem:$0x3FFC];
	_ =	sdelay $0x3  }
0x94: {  	_ =	strace s2  }
0x95: {  	s2 =	sld [smem:$0x3FFD];
	_ =	sdelay $0x3  }
0x96: {  	_ =	strace s2  }
0x97: {  	_ =	strace $0x8FFFFFFF  }
0x98: {  	s18 =	sld [smem:$0x3FDB];
	_ =	sdelay $0x1  }
0x99: {  	s19 =	simm.s32 $_scs_section_size  }
0x9a: {  	s4 =	simm.s32 $_size__tile_overlayer_lowered;
	s5 =	simm.s32 $_tile_overlayer_lowered  }
0x9b: {  	s22 =	simm.s32 $0x1BFF;
	s21 =	sshll.u32 s5, $0x1;
	s2 =	sadd.s32 s19, s18  }
0x9c: {  	s6 =	simm.s32 $0x0;
	s20 =	sshll.u32 s4, $0x1;
	s4 =	sadd.s32 s21, s2  }
0x9d: {  	[timem:s6], [sflag:s22] =	dma.local [hbm:s4], s20  }
0x9e: {  	_ =	swait.ge [sflag:s22], s20  }
0x9f: {  	s3 =	ssub.s32 $0x0, s20;
	[sflag:s22] =	ssyncset.done $0x0  }
0xa0: {  	[sflag:s22] =	ssyncadd.s32 s3;
	_ =	sdelay $0x1  }
0xa1: {  	s23 =	simm.s32 $0x1B8B  }
0xa2: {  	_ =	swait.ge [sflag:s23], $0x1  }
0xa3: {  	[sflag:s23] =	ssyncset.done $0x0  }
0xa4: {  	s25 =	simm.s32 $0x1B8E;
	s24 =	sld [smem:$0x3FFE];
	[sflag:s23] =	ssyncadd.s32 $0xFFFFFFFF  }
0xa5: {  	s26 =	simm.s32 $execute0_lowered;
	[smem:$0x3FD2] =	sst s25  }
0xa6: {  	s4 =	sshll.u32 s26, $0x1;
	_ =	strace $0x80000049;
	[dreg:$0x1] =	wrdreg $0xFFFFFFFF  }
0xa7: {  	s28 =	simm.s32 $_size_execute0_lowered;
	s2 =	sadd.s32 s2, s4;
	[dreg:$0x0] =	wrdreg $0x0  }
0xa8: {  	s4 =	sshll.u32 s28, $0x1;
	[dreg:$0x2] =	wrdreg s2  }
0xa9: {  	[dreg:$0x3] =	wrdreg s4  }
0xaa: {  	[dreg:$0x4] =	wrdreg $0xC0  }
0xab: {  	_ =	task [dreg:s6], $0x5FFFF  }
0xac: {  	[dreg:$0x1] =	wrdreg $0xFFFFFFFF  }
0xad: {  	[dreg:$0x0] =	wrdreg $0x60  }
0xae: {  	[dreg:$0x2] =	wrdreg s24  }
0xaf: {  	[dreg:$0x3] =	wrdreg $0xA8000  }
0xb0: {  	[dreg:$0x4] =	wrdreg $0x9  }
0xb1: {  	_ =	task.clear_ibuf [dreg:s6], $0x5FFFF;
	_ =	strace $0x90000049  }
0xb2: {  	s29 =	simm.s32 $0x9;
	_ =	strace $0x8000004B  }
0xb3: {  	_ =	swait.ge [sflag:s29], $0x1  }
0xb4: {  	[sflag:s29] =	ssyncadd.s32 $0xFFFFFFFF  }
0xb5: {  	_ =	strace $0x9000004B  }
0xb6: {  	_ =	sfence  }
0xb7: {  	s30 =	sld [smem:$0x0];
	_ =	sdelay $0x2  }
0xb8: {  	s31 =	sshll.u32 s1, $0xD;
	s1 =	sshrl.u32 s1, $0x2  }
0xb9: {  	s3 =	sand.u32 $0x4000, s31;
	s1 =	sadd.s32 s1, s30  }
0xba: {  	s0 =	sor.u32 s3, s0;
	s1 =	sshll.u32 s1, $0x11  }
0xbb: {  	s0 =	sor.u32 s1, s0  }
0xbc: {  	s0 =	sadd.s32 $0x8F2B, s0  }
0xbd: {  	[sflag:s0] =	ssyncadd.remote.s32 $0x1  }
0xbe: {  	_ =	sfence.sel $0xFFFF  }
0xbf: {  	[dreg:$0x0] =	wrdreg $0xFFFFFFFF;
	(pc) =	sbr.abs _section_cstart, $3  }
0xc0: {  	[dreg:$0x1] =	wrdreg $0xFFFFFFFF  }
0xc1: {  	_ =	task.clear_ibuf [dreg:s6], $0x2FFFF;
	_ =	strace $0x9FFFFFFF  }
0xc2: {  	(tm) =	ssettm $0x7FFFFFFF  }
0xc3: {  	_ =	shalt  }
tec
execute0_lowered:
.L_overlay_start_1:
0x0: {  	(tag) =	ssettag $0x1  }
0x1: {  	s5 =	rddreg [dreg:$0x0]  }
0x2: {  	s1 =	rddreg [dreg:$0x1]  }
0x3: {  	s0 =	rddreg [dreg:$0x2];
	s3 =	simm.s32 $0x0;
	s2 =	srdreg.scid  }
0x4: {  	s16 =	simm.s32 $0x80;
	s17 =	simm.s32 $0x2800;
	s18 =	simm.s32 $0x6800  }
0x5: {  	s19 =	simm.s32 $0x1;
	s20 =	simm.s32 $0x2;
	s21 =	simm.s32 $0x1380  }
0x6: {  	s22 =	simm.s32 $0x2700;
	s23 =	simm.s32 $0x2780;
	s24 =	simm.s32 $0x0  }
0x7: {  	[smem:$0x7FF] =	sst s3;
	s6 =	sand.u32 $0x1, s2;
	s2 =	stileid.u32  }
0x8: {  	s4 =	sadd.s32 $0x3EA00, s5;
	s11 =	sadd.s32 $0x17200, s5;
	s7 =	smul.u32 $0x13C000, s6  }
0x9: {  	s9 =	sadd.s32 $0x3200, s5;
	s10 =	sadd.s32 $0xD200, s5;
	s8 =	smul.u32 $0x13C00, s2  }
0xa: {  	_ =	strace $0x8000004A;
	s26 =	sshll.u32 s6, $0x4;
	s13 =	smul.u32 $0x4F000, s2  }
0xb: {  	s12 =	ssub.s32 $0x2, s6;
	p0 =	seq.s32 s6, $0x0;
	s30 =	smul.u32 $0x2780, s2  }
0xc: {  	s31 =	sshll.u32 s2, $0x6;
	s14 =	sshrl.u32 s12, $0x1;
	s11 =	smov.u32 @p0 s4  }
0xd: {  	s7 =	sadd.s32 s8, s7;
	s8 =	sor.u32 s2, s26;
	s12 =	ssub.s32 s12, s14  }
0xe: {  	s28 =	sshrl.u32 s13, $0x2;
	s11 =	sadd.s32 s11, s30;
	s8 =	smul.u32 $0x2800, s8  }
0xf: {  	s14 =	simm.s32 $0x3;
	s7 =	sshrl.u32 s7, $0x3;
	s13 =	sadd.s32 s28, s1  }
0x10: {  	s15 =	sadd.s32 s7, s5;
	s13 =	sshrl.u32 s13, $0x3;
	s29 =	sshrl.u32 s8, $0x3  }
0x11: {  	s5 =	sadd.s32 s9, s29;
	s8 =	sadd.s32 $0x280, s29;
	s6 =	sadd.s32 s10, s29  }
0x12: {  	s7 =	sadd.s32 s9, s8;
	s8 =	sadd.s32 s10, s8;
	s9 =	sadd.s32 $0x66200, s15  }
0x13: {  	s10 =	smax.u32 s12, $0x1;
	s12 =	sor.u32 $0x1C03, s31;
	s15 =	simm.s32 $0x1400  }
.LBB2_1:
0x14: {  	[spmem:s13], [sflag:s12] =	dma.local [hbm:s11], $0x2780  }
0x15: {  	_ =	swait.ge [sflag:s14], $0x2780  }
0x16: {  	[sflag:s14] =	ssyncset.done $0x0  }
0x17: {  	[sflag:s14] =	ssyncadd.s32 $0xFFFFD880  }
0x18: {  	[bflag:$0x0] =	sbarrier.arrive $0xFFFF  }
0x19: {  	[tilespmem:s3], [sflag:$0x3] =	stream.linear.gather [hbm4b:s5+s3], $0x1400, $0x38;
	[tilespmem:$0x1E400] =	vst v63  }
0x1a: {  	_ =	swait.ge [sflag:s14], $0x1400  }
0x1b: {  	[sflag:s14] =	ssyncset.done $0x0  }
0x1c: {  	[sflag:s14] =	ssyncadd.s32 $0xFFFFEC00  }
0x1d: {  	[tilespmem:s15], [sflag:$0x3] =	stream.linear.gather [hbm4b:s6+s3], $0x1400, $0x38;
	[tilespmem:$0x1E400] =	vst v63  }
0x1e: {  	_ =	swait.ge [sflag:s14], $0x1400  }
0x1f: {  	[sflag:s14] =	ssyncset.done $0x0  }
0x20: {  	[sflag:s14] =	ssyncadd.s32 $0xFFFFEC00  }
0x21: {  	[tilespmem:s17], [sflag:$0x1] =	stream.indirect.gather [hbm4b:s4+s16], $0x80, s3, s16, $0xb8;
	[tilespmem:$0x1E400] =	vst v63  }
0x22: {  	s25 =	simm.s32 $0x80  }
0x23: {  	[tilespmem:s18], [sflag:$0x2] =	stream.indirect.gather [hbm4b:s4+s16], $0x80, s25, s16, $0xb8;
	[tilespmem:$0x1E400] =	vst v63  }
0x24: {  	_ =	swait.ge [sflag:s19], $0x4000  }
0x25: {  	[sflag:s19] =	ssyncset.done $0x0  }
0x26: {  	s29 =	simm.s32 $0x1400;
	[sflag:s19] =	ssyncadd.s32 $0xFFFFC000  }
0x27: {  	[spmem:s1] =	stream.indirect.scatter.add.f32 [tilespmem:s17], [sflag:$0x3], $0x80, s29, s16, $0xb8;
	[tilespmem:$0x1E400] =	vst v63  }
0x28: {  	_ =	swait.ge [sflag:s14], $0x4000  }
0x29: {  	[sflag:s14] =	ssyncset.done $0x0  }
0x2a: {  	s30 =	simm.s32 $0x100;
	[sflag:s14] =	ssyncadd.s32 $0xFFFFC000  }
0x2b: {  	[tilespmem:s17], [sflag:$0x1] =	stream.indirect.gather [hbm4b:s4+s16], $0x80, s30, s16, $0xb8;
	[tilespmem:$0x1E400] =	vst v63  }
0x2c: {  	_ =	swait.ge [sflag:s20], $0x4000  }
0x2d: {  	[sflag:s20] =	ssyncset.done $0x0  }
0x2e: {  	s31 =	simm.s32 $0x1480;
	[sflag:s20] =	ssyncadd.s32 $0xFFFFC000  }
0x2f: {  	[spmem:s1] =	stream.indirect.scatter.add.f32 [tilespmem:s18], [sflag:$0x3], $0x80, s31, s16, $0xb8;
	[tilespmem:$0x1E400] =	vst v63  }
0x30: {  	_ =	swait.ge [sflag:s14], $0x4000  }
0x31: {  	s26 =	simm.s32 $0x800;
	s25 =	simm.s32 $0x100;
	[sflag:s14] =	ssyncset.done $0x0  }
.LBB2_2:
0x32: {  	s28 =	sadd.s32 $0x80, s25  }
0x33: {  	[sflag:s14] =	ssyncadd.s32 $0xFFFFC000;
	s29 =	smov.u32 s26;
	s30 =	sadd.s32 $0x400, s26  }
0x34: {  	[tilespmem:s18], [sflag:$0x2] =	stream.indirect.gather [hbm4b:s4+s16], $0x80, s28, s16, $0xb8;
	[tilespmem:$0x1E400] =	vst v63  }
0x35: {  	p0 =	sne.s32 s26, $0x4800;
	_ =	swait.ge [sflag:s19], $0x4000  }
0x36: {  	[sflag:s19] =	ssyncset.done $0x0  }
0x37: {  	s26 =	sadd.s32 $0x1400, s25;
	[sflag:s19] =	ssyncadd.s32 $0xFFFFC000  }
0x38: {  	[spmem:s1] =	stream.indirect.scatter.add.f32 [tilespmem:s17], [sflag:$0x3], $0x80, s26, s16, $0xb8;
	[tilespmem:$0x1E400] =	vst v63  }
0x39: {  	_ =	swait.ge [sflag:s14], $0x4000  }
0x3a: {  	[sflag:s14] =	ssyncset.done $0x0  }
0x3b: {  	s26 =	sadd.s32 $0x100, s25;
	[sflag:s14] =	ssyncadd.s32 $0xFFFFC000  }
0x3c: {  	[tilespmem:s17], [sflag:$0x1] =	stream.indirect.gather [hbm4b:s4+s16], $0x80, s26, s16, $0xb8;
	[tilespmem:$0x1E400] =	vst v63  }
0x3d: {  	_ =	swait.ge [sflag:s20], $0x4000  }
.Ltmp0:
0x3e: {  	[sflag:s20] =	ssyncset.done $0x0;
	(pc) =	sbr.rel @p0 .LBB2_2-.Ltmp0, $4  }
0x3f: {  	s25 =	sadd.s32 $0x1480, s25;
	[sflag:s20] =	ssyncadd.s32 $0xFFFFC000  }
0x40: {  	[spmem:s1] =	stream.indirect.scatter.add.f32 [tilespmem:s18], [sflag:$0x3], $0x80, s25, s16, $0xb8;
	[tilespmem:$0x1E400] =	vst v63  }
0x41: {  	_ =	swait.ge [sflag:s14], $0x4000  }
0x42: {  	s26 =	smov.u32 s30;
	s25 =	sshra.s32 s29, $0x2;
	[sflag:s14] =	ssyncset.done $0x0  }
0x43: {  	s26 =	sadd.s32 $0x80, s25;
	[sflag:s14] =	ssyncadd.s32 $0xFFFFC000  }
0x44: {  	[tilespmem:s18], [sflag:$0x2] =	stream.indirect.gather [hbm4b:s4+s16], $0x80, s26, s16, $0xb8;
	[tilespmem:$0x1E400] =	vst v63  }
0x45: {  	_ =	swait.ge [sflag:s19], $0x4000  }
0x46: {  	[sflag:s19] =	ssyncset.done $0x0  }
0x47: {  	s29 =	sadd.s32 $0x1400, s25;
	[sflag:s19] =	ssyncadd.s32 $0xFFFFC000  }
0x48: {  	[spmem:s1] =	stream.indirect.scatter.add.f32 [tilespmem:s17], [sflag:$0x3], $0x80, s29, s16, $0xb8;
	[tilespmem:$0x1E400] =	vst v63  }
0x49: {  	_ =	swait.ge [sflag:s14], $0x4000  }
0x4a: {  	[sflag:s14] =	ssyncset.done $0x0  }
0x4b: {  	s30 =	sadd.s32 $0x100, s25;
	[sflag:s14] =	ssyncadd.s32 $0xFFFFC000  }
0x4c: {  	[tilespmem:s17], [sflag:$0x1] =	stream.indirect.gather [hbm4b:s4+s16], $0x80, s30, s16, $0xb8;
	[tilespmem:$0x1E400] =	vst v63  }
0x4d: {  	_ =	swait.ge [sflag:s20], $0x4000  }
0x4e: {  	[sflag:s20] =	ssyncset.done $0x0  }
0x4f: {  	s31 =	sadd.s32 $0x1480, s25;
	[sflag:s20] =	ssyncadd.s32 $0xFFFFC000  }
0x50: {  	[spmem:s1] =	stream.indirect.scatter.add.f32 [tilespmem:s18], [sflag:$0x3], $0x80, s31, s16, $0xb8;
	[tilespmem:$0x1E400] =	vst v63  }
0x51: {  	_ =	swait.ge [sflag:s14], $0x4000  }
0x52: {  	[sflag:s14] =	ssyncset.done $0x0  }
0x53: {  	[sflag:s14] =	ssyncadd.s32 $0xFFFFC000  }
0x54: {  	[tilespmem:s18], [sflag:$0x2] =	stream.indirect.gather [hbm4b:s4+s16], $0x80, s21, s16, $0xb8;
	[tilespmem:$0x1E400] =	vst v63  }
0x55: {  	_ =	swait.ge [sflag:s19], $0x4000  }
0x56: {  	[sflag:s19] =	ssyncset.done $0x0  }
0x57: {  	[sflag:s19] =	ssyncadd.s32 $0xFFFFC000  }
0x58: {  	[spmem:s1] =	stream.indirect.scatter.add.f32 [tilespmem:s17], [sflag:$0x3], $0x80, s22, s16, $0xb8;
	[tilespmem:$0x1E400] =	vst v63  }
0x59: {  	_ =	swait.ge [sflag:s14], $0x4000  }
0x5a: {  	[sflag:s14] =	ssyncset.done $0x0  }
0x5b: {  	[sflag:s14] =	ssyncadd.s32 $0xFFFFC000  }
0x5c: {  	_ =	swait.ge [sflag:s20], $0x4000  }
0x5d: {  	[sflag:s20] =	ssyncset.done $0x0  }
0x5e: {  	[sflag:s20] =	ssyncadd.s32 $0xFFFFC000  }
0x5f: {  	[spmem:s1] =	stream.indirect.scatter.add.f32 [tilespmem:s18], [sflag:$0x3], $0x80, s23, s16, $0xb8;
	[tilespmem:$0x1E400] =	vst v63  }
0x60: {  	_ =	swait.ge [sflag:s14], $0x4000  }
0x61: {  	[sflag:s14] =	ssyncset.done $0x0  }
0x62: {  	s26 =	simm.s32 $0x0;
	[sflag:s14] =	ssyncadd.s32 $0xFFFFC000  }
0x63: {  	[tilespmem:s26], [sflag:$0x3] =	stream.linear.gather [hbm4b:s7+s26], $0x1400, $0x38;
	[tilespmem:$0x1E400] =	vst v63  }
0x64: {  	_ =	swait.ge [sflag:s14], $0x1400  }
0x65: {  	[sflag:s14] =	ssyncset.done $0x0  }
0x66: {  	[sflag:s14] =	ssyncadd.s32 $0xFFFFEC00  }
0x67: {  	[tilespmem:s15], [sflag:$0x3] =	stream.linear.gather [hbm4b:s8+s26], $0x1400, $0x38;
	[tilespmem:$0x1E400] =	vst v63  }
0x68: {  	_ =	swait.ge [sflag:s14], $0x1400  }
0x69: {  	[sflag:s14] =	ssyncset.done $0x0  }
0x6a: {  	[sflag:s14] =	ssyncadd.s32 $0xFFFFEC00  }
0x6b: {  	[tilespmem:s17], [sflag:$0x1] =	stream.indirect.gather [hbm4b:s4+s16], $0x80, s26, s16, $0xb8;
	[tilespmem:$0x1E400] =	vst v63  }
0x6c: {  	s28 =	simm.s32 $0x80  }
0x6d: {  	[tilespmem:s18], [sflag:$0x2] =	stream.indirect.gather [hbm4b:s4+s16], $0x80, s28, s16, $0xb8;
	[tilespmem:$0x1E400] =	vst v63  }
0x6e: {  	_ =	swait.ge [sflag:s19], $0x4000  }
0x6f: {  	[sflag:s19] =	ssyncset.done $0x0  }
0x70: {  	s29 =	simm.s32 $0x1400;
	[sflag:s19] =	ssyncadd.s32 $0xFFFFC000  }
0x71: {  	[spmem:s1] =	stream.indirect.scatter.add.f32 [tilespmem:s17], [sflag:$0x3], $0x80, s29, s16, $0xb8;
	[tilespmem:$0x1E400] =	vst v63  }
0x72: {  	_ =	swait.ge [sflag:s14], $0x4000  }
0x73: {  	[sflag:s14] =	ssyncset.done $0x0  }
0x74: {  	s30 =	simm.s32 $0x100;
	[sflag:s14] =	ssyncadd.s32 $0xFFFFC000  }
0x75: {  	[tilespmem:s17], [sflag:$0x1] =	stream.indirect.gather [hbm4b:s4+s16], $0x80, s30, s16, $0xb8;
	[tilespmem:$0x1E400] =	vst v63  }
0x76: {  	_ =	swait.ge [sflag:s20], $0x4000  }
0x77: {  	[sflag:s20] =	ssyncset.done $0x0  }
0x78: {  	s31 =	simm.s32 $0x1480;
	[sflag:s20] =	ssyncadd.s32 $0xFFFFC000  }
0x79: {  	[spmem:s1] =	stream.indirect.scatter.add.f32 [tilespmem:s18], [sflag:$0x3], $0x80, s31, s16, $0xb8;
	[tilespmem:$0x1E400] =	vst v63  }
0x7a: {  	_ =	swait.ge [sflag:s14], $0x4000  }
0x7b: {  	s25 =	simm.s32 $0x100;
	s26 =	simm.s32 $0x800;
	[sflag:s14] =	ssyncset.done $0x0  }
.LBB2_4:
0x7c: {  	s28 =	sadd.s32 $0x80, s25  }
0x7d: {  	[sflag:s14] =	ssyncadd.s32 $0xFFFFC000;
	s29 =	smov.u32 s26;
	s30 =	sadd.s32 $0x400, s26  }
0x7e: {  	[tilespmem:s18], [sflag:$0x2] =	stream.indirect.gather [hbm4b:s4+s16], $0x80, s28, s16, $0xb8;
	[tilespmem:$0x1E400] =	vst v63  }
0x7f: {  	p0 =	sne.s32 s26, $0x4800;
	_ =	swait.ge [sflag:s19], $0x4000  }
0x80: {  	[sflag:s19] =	ssyncset.done $0x0  }
0x81: {  	s26 =	sadd.s32 $0x1400, s25;
	[sflag:s19] =	ssyncadd.s32 $0xFFFFC000  }
0x82: {  	[spmem:s1] =	stream.indirect.scatter.add.f32 [tilespmem:s17], [sflag:$0x3], $0x80, s26, s16, $0xb8;
	[tilespmem:$0x1E400] =	vst v63  }
0x83: {  	_ =	swait.ge [sflag:s14], $0x4000  }
0x84: {  	[sflag:s14] =	ssyncset.done $0x0  }
0x85: {  	s26 =	sadd.s32 $0x100, s25;
	[sflag:s14] =	ssyncadd.s32 $0xFFFFC000  }
0x86: {  	[tilespmem:s17], [sflag:$0x1] =	stream.indirect.gather [hbm4b:s4+s16], $0x80, s26, s16, $0xb8;
	[tilespmem:$0x1E400] =	vst v63  }
0x87: {  	_ =	swait.ge [sflag:s20], $0x4000  }
.Ltmp1:
0x88: {  	[sflag:s20] =	ssyncset.done $0x0;
	(pc) =	sbr.rel @p0 .LBB2_4-.Ltmp1, $4  }
0x89: {  	s25 =	sadd.s32 $0x1480, s25;
	[sflag:s20] =	ssyncadd.s32 $0xFFFFC000  }
0x8a: {  	[spmem:s1] =	stream.indirect.scatter.add.f32 [tilespmem:s18], [sflag:$0x3], $0x80, s25, s16, $0xb8;
	[tilespmem:$0x1E400] =	vst v63  }
0x8b: {  	_ =	swait.ge [sflag:s14], $0x4000  }
0x8c: {  	s26 =	smov.u32 s30;
	s25 =	sshra.s32 s29, $0x2;
	[sflag:s14] =	ssyncset.done $0x0  }
0x8d: {  	s26 =	sadd.s32 $0x80, s25;
	[sflag:s14] =	ssyncadd.s32 $0xFFFFC000  }
0x8e: {  	[tilespmem:s18], [sflag:$0x2] =	stream.indirect.gather [hbm4b:s4+s16], $0x80, s26, s16, $0xb8;
	[tilespmem:$0x1E400] =	vst v63  }
0x8f: {  	_ =	swait.ge [sflag:s19], $0x4000  }
0x90: {  	[sflag:s19] =	ssyncset.done $0x0  }
0x91: {  	s29 =	sadd.s32 $0x1400, s25;
	[sflag:s19] =	ssyncadd.s32 $0xFFFFC000  }
0x92: {  	[spmem:s1] =	stream.indirect.scatter.add.f32 [tilespmem:s17], [sflag:$0x3], $0x80, s29, s16, $0xb8;
	[tilespmem:$0x1E400] =	vst v63  }
0x93: {  	_ =	swait.ge [sflag:s14], $0x4000  }
0x94: {  	[sflag:s14] =	ssyncset.done $0x0  }
0x95: {  	s30 =	sadd.s32 $0x100, s25;
	[sflag:s14] =	ssyncadd.s32 $0xFFFFC000  }
0x96: {  	[tilespmem:s17], [sflag:$0x1] =	stream.indirect.gather [hbm4b:s4+s16], $0x80, s30, s16, $0xb8;
	[tilespmem:$0x1E400] =	vst v63  }
0x97: {  	_ =	swait.ge [sflag:s20], $0x4000  }
0x98: {  	[sflag:s20] =	ssyncset.done $0x0  }
0x99: {  	s31 =	sadd.s32 $0x1480, s25;
	[sflag:s20] =	ssyncadd.s32 $0xFFFFC000  }
0x9a: {  	[spmem:s1] =	stream.indirect.scatter.add.f32 [tilespmem:s18], [sflag:$0x3], $0x80, s31, s16, $0xb8;
	[tilespmem:$0x1E400] =	vst v63  }
0x9b: {  	_ =	swait.ge [sflag:s14], $0x4000  }
0x9c: {  	[sflag:s14] =	ssyncset.done $0x0  }
0x9d: {  	[sflag:s14] =	ssyncadd.s32 $0xFFFFC000  }
0x9e: {  	[tilespmem:s18], [sflag:$0x2] =	stream.indirect.gather [hbm4b:s4+s16], $0x80, s21, s16, $0xb8;
	[tilespmem:$0x1E400] =	vst v63  }
0x9f: {  	_ =	swait.ge [sflag:s19], $0x4000  }
0xa0: {  	[sflag:s19] =	ssyncset.done $0x0  }
0xa1: {  	[sflag:s19] =	ssyncadd.s32 $0xFFFFC000  }
0xa2: {  	[spmem:s1] =	stream.indirect.scatter.add.f32 [tilespmem:s17], [sflag:$0x3], $0x80, s22, s16, $0xb8;
	[tilespmem:$0x1E400] =	vst v63  }
0xa3: {  	_ =	swait.ge [sflag:s14], $0x4000  }
0xa4: {  	[sflag:s14] =	ssyncset.done $0x0  }
0xa5: {  	[sflag:s14] =	ssyncadd.s32 $0xFFFFC000  }
0xa6: {  	_ =	swait.ge [sflag:s20], $0x4000  }
0xa7: {  	[sflag:s20] =	ssyncset.done $0x0  }
0xa8: {  	[sflag:s20] =	ssyncadd.s32 $0xFFFFC000  }
0xa9: {  	[spmem:s1] =	stream.indirect.scatter.add.f32 [tilespmem:s18], [sflag:$0x3], $0x80, s23, s16, $0xb8;
	[tilespmem:$0x1E400] =	vst v63  }
0xaa: {  	_ =	swait.ge [sflag:s14], $0x4000  }
0xab: {  	s24 =	sadd.s32 $0x1, s24;
	[sflag:s14] =	ssyncset.done $0x0  }
0xac: {  	p0 =	sne.s32 s24, s10;
	[sflag:s14] =	ssyncadd.s32 $0xFFFFC000  }
.Ltmp2:
0xad: {  	[bflag:$0x0] =	sbarrier.arrive $0xFFFF;
	(pc) =	sbr.rel @p0 .LBB2_1-.Ltmp2, $4  }
0xae: {  	[hbm:s9], [sflag:s12] =	dma.local [spmem:s13], $0x2780  }
0xaf: {  	_ =	swait.ge [sflag:s14], $0x2780  }
0xb0: {  	[sflag:s14] =	ssyncset.done $0x0  }
0xb1: {  	[sflag:s14] =	ssyncadd.s32 $0xFFFFD880  }
0xb2: {  	_ =	sfence.sel $0x180000  }
0xb3: {  	[bflag:$0x0] =	sbarrier.arrive $0xFFFF  }
0xb4: {  	p0 =	sne.s32 s2, $0x0;
	_ =	strace $0x9000004A  }
0xb5: {  	s0 =	sadd.s32 @!p0 $0x100000, s0;
	[bflag:$0x2] =	sbarrier.arrive $0xFFFF  }
0xb6: {  	[sflag:s0] =	ssyncadd.tile.s32 @!p0 $0x1;
	_ =	shalt  }
.Lfunc_end2:
_tile_overlayer_lowered:
.L_overlay_start_2:
0xb7: {  	(tag) =	ssettag $0x2  }
0xb8: {  	s0 =	rddreg [dreg:$0x0];
	s2 =	stileid.u32  }
0xb9: {  	s1 =	rddreg [dreg:$0x1];
	p0 =	sne.s32 s2, $0x0  }
0xba: {  	s3 =	rddreg [dreg:$0x2];
	[bflag:$0x3] =	sbarrier.arrive $0xFFFF;
	s2 =	simm.s32 @!p0 $0x1C03  }
0xbb: {  	[timem:s3], [sflag:s2] =	dma.local @!p0 [hbm:s0], s1  }
0xbc: {  	s0 =	simm.s32 @!p0 $0x3  }
0xbd: {  	_ =	swait.ge @!p0 [sflag:s0], s1  }
0xbe: {  	s1 =	ssub.s32 @!p0 $0x0, s1;
	[sflag:s0] =	ssyncset.done @!p0 $0x0  }
0xbf: {  	[sflag:s0] =	ssyncadd.s32 @!p0 s1  }
0xc0: {  	[bflag:$0x3] =	sbarrier.arrive $0xFFFF  }
0xc1: {  	_ =	shalt  }

// kernel: kernel.16.cloned.1.call-start
scs
__scs_entry_jumppad:
0x0: {  	(pc) =	sbr.rel $0x88, $3  }
0x1: {  	(tag) =	ssettag $0x0;
	lr =	simm.s32 $0x1  }
0x2: {  	[smem:$0x3F92] =	sst lr;
	_ =	strace $0xD0000000  }
0x3: {  	_ = 	snop  }
0x4: {  	_ = 	snop  }
0x5: {  	_ = 	snop  }
0x6: {  	_ = 	snop  }
0x7: {  	_ = 	snop  }
__scs_overlays_trampoline_lowered:
0x8: {  	[smem:$0x3FA1] =	sst s0  }
0x9: {  	[smem:$0x3FA2] =	sst s1  }
0xa: {  	[smem:$0x3FA3] =	sst s2  }
0xb: {  	[smem:$0x3FA4] =	sst s3  }
0xc: {  	[smem:$0x3FA5] =	sst s4  }
0xd: {  	[smem:$0x3FA6] =	sst s5  }
0xe: {  	[smem:$0x3FA7] =	sst s6  }
0xf: {  	[smem:$0x3FA8] =	sst s7  }
0x10: {  	[smem:$0x3FA9] =	sst s8  }
0x11: {  	[smem:$0x3FAA] =	sst s9;
	s0 =	simm.s32 @!p0 $0x0  }
0x12: {  	s1 =	sld [smem:$0x3F90];
	s0 =	simm.s32 @p0 $0x1  }
0x13: {  	[smem:$0x3FAB] =	sst s0;
	s0 =	simm.s32 @!p1 $0x0  }
0x14: {  	s2 =	sld [smem:$0x3F8F];
	s0 =	simm.s32 @p1 $0x1  }
0x15: {  	[smem:$0x3FAC] =	sst s0;
	s0 =	simm.s32 @!p2 $0x0  }
0x16: {  	s3 =	sld [smem:$0x3FDB];
	s0 =	simm.s32 @p2 $0x1  }
0x17: {  	s4 =	simm.s32 $0x1BF5;
	[smem:$0x3FAE] =	sst s0  }
0x18: {  	s0 =	sld [smem:$0x3F91];
	_ =	swait.ge [sflag:s4], $0x0  }
0x19: {  	s7 =	sld [smem:$0x3F92]  }
0x1a: {  	s8 =	sadd.s32 $0xFFFFE003, lr  }
0x1b: {  	s9 =	sadd.s32 $0xFFFFFEF7, lr;
	s5 =	simm.s32 $0xFFFFFFFF;
	p2 =	slt.u32 s8, $0xFFFFF086  }
0x1c: {  	p1 =	slt.u32 s9, $0xF7A;
	s5 =	simm.s32 @!p2 $0x0  }
0x1d: {  	s5 =	simm.s32 @p1 $0x1;
	p0 =	seq.s32 s7, s2  }
0x1e: {  	s7 =	smul.u32 @!p0 $0xF7A, s2;
	p2 =	seq.s32 @!p0 s5, $0x0  }
0x1f: {  	s9 =	smul.u32 $0xF7A, s1;
	s8 =	simm.s32 @!p0 $0x1BF5;
	p2 =	por !p2, p0  }
0x20: {  	[sflag:s8] =	ssyncset.s32 @!p0 $0xFFFFF086;
	s6 =	sadd.s32 @!p0 s3, s7;
	s7 =	simm.s32 @!p0 $0x108  }
0x21: {  	s3 =	sadd.s32 s3, s9;
	s6 =	sadd.s32 @!p0 $0x88, s6;
	s7 =	simm.s32 @p2 $0x1082  }
0x22: {  	[simem:s7], [sflag:s8] =	dma.local @!p0 [hbm:s6], $0xF7A  }
0x23: {  	s9 =	sor.u32 $0xD0000000, s2;
	s6 =	simm.s32 $0x108;
	_ =	swait.ge @!p0 [sflag:s8], $0x0  }
0x24: {  	s3 =	sadd.s32 $0x88, s3;
	s6 =	simm.s32 @!p1 $0x1082;
	[sflag:s4] =	ssyncset.s32 $0xFFFFF086  }
0x25: {  	[simem:s6], [sflag:s4] =	dma.local [hbm:s3], $0xF7A  }
0x26: {  	[smem:$0x3F92] =	sst s1;
	(tag) =	ssettag s2;
	_ =	strace s9  }
0x27: {  	s1 =	sld [smem:$0x3FA2]  }
0x28: {  	s2 =	sld [smem:$0x3FA3]  }
0x29: {  	s4 =	sld [smem:$0x3FA5]  }
0x2a: {  	p0 =	seq.s32 s5, $0x0;
	s5 =	sld [smem:$0x3FA6]  }
0x2b: {  	s6 =	sld [smem:$0x3FA7]  }
0x2c: {  	s7 =	sld [smem:$0x3FA8]  }
0x2d: {  	s3 =	simm.s32 $0x108;
	s8 =	sld [smem:$0x3FA9]  }
0x2e: {  	s3 =	simm.s32 @!p0 $0x1082;
	s9 =	sld [smem:$0x3FAA]  }
0x2f: {  	lr =	sadd.s32 s0, s3;
	s0 =	sld [smem:$0x3FA1]  }
0x30: {  	s3 =	sld [smem:$0x3FA4]  }
0x31: {  	[smem:$0x3FAD] =	sst s10  }
0x32: {  	s10 =	sld [smem:$0x3FAB];
	_ =	sdelay $0x3  }
0x33: {  	p0 =	seq.s32 s10, $0x1;
	s10 =	sld [smem:$0x3FAD];
	_ =	sdelay $0x3  }
0x34: {  	[smem:$0x3FAD] =	sst s10  }
0x35: {  	s10 =	sld [smem:$0x3FAC];
	_ =	sdelay $0x3  }
0x36: {  	p1 =	seq.s32 s10, $0x1;
	s10 =	sld [smem:$0x3FAD];
	_ =	sdelay $0x3  }
0x37: {  	[smem:$0x3FAD] =	sst s10  }
0x38: {  	s10 =	sld [smem:$0x3FAE]  }
0x39: {  	_ = 	snop;
	(pc) =	sbr.ind lr, $3  }
0x3a: {  	_ = 	snop  }
0x3b: {  	_ = 	snop  }
0x3c: {  	p2 =	seq.s32 s10, $0x1;
	s10 =	sld [smem:$0x3FAD]  }
0x3d: {  	_ =	shalt  }
0x3e: {  	_ =	shalt  }
0x3f: {  	_ =	shalt  }
0x40: {  	_ =	shalt  }
0x41: {  	_ =	shalt  }
0x42: {  	_ =	shalt  }
0x43: {  	_ =	shalt  }
0x44: {  	_ =	shalt  }
0x45: {  	_ =	shalt  }
0x46: {  	_ =	shalt  }
0x47: {  	_ =	shalt  }
0x48: {  	_ =	shalt  }
0x49: {  	_ =	shalt  }
0x4a: {  	_ =	shalt  }
0x4b: {  	_ =	shalt  }
0x4c: {  	_ =	shalt  }
0x4d: {  	_ =	shalt  }
0x4e: {  	_ =	shalt  }
0x4f: {  	_ =	shalt  }
0x50: {  	_ =	shalt  }
0x51: {  	_ =	shalt  }
0x52: {  	_ =	shalt  }
0x53: {  	_ =	shalt  }
0x54: {  	_ =	shalt  }
0x55: {  	_ =	shalt  }
0x56: {  	_ =	shalt  }
0x57: {  	_ =	shalt  }
0x58: {  	_ =	shalt  }
0x59: {  	_ =	shalt  }
0x5a: {  	_ =	shalt  }
0x5b: {  	_ =	shalt  }
0x5c: {  	_ =	shalt  }
0x5d: {  	_ =	shalt  }
0x5e: {  	_ =	shalt  }
0x5f: {  	_ =	shalt  }
0x60: {  	_ =	shalt  }
0x61: {  	_ =	shalt  }
0x62: {  	_ =	shalt  }
0x63: {  	_ =	shalt  }
0x64: {  	_ =	shalt  }
0x65: {  	_ =	shalt  }
0x66: {  	_ =	shalt  }
0x67: {  	_ =	shalt  }
0x68: {  	_ =	shalt  }
0x69: {  	_ =	shalt  }
0x6a: {  	_ =	shalt  }
0x6b: {  	_ =	shalt  }
0x6c: {  	_ =	shalt  }
0x6d: {  	_ =	shalt  }
0x6e: {  	_ =	shalt  }
0x6f: {  	_ =	shalt  }
0x70: {  	_ =	shalt  }
0x71: {  	_ =	shalt  }
0x72: {  	_ =	shalt  }
0x73: {  	_ =	shalt  }
0x74: {  	_ =	shalt  }
0x75: {  	_ =	shalt  }
0x76: {  	_ =	shalt  }
0x77: {  	_ =	shalt  }
0x78: {  	_ =	shalt  }
0x79: {  	_ =	shalt  }
0x7a: {  	_ =	shalt  }
0x7b: {  	_ =	shalt  }
0x7c: {  	_ =	shalt  }
0x7d: {  	_ =	shalt  }
0x7e: {  	_ =	shalt  }
0x7f: {  	_ =	shalt  }
0x80: {  	_ =	shalt  }
0x81: {  	_ =	shalt  }
0x82: {  	_ =	shalt  }
0x83: {  	_ =	shalt  }
0x84: {  	_ =	shalt  }
0x85: {  	_ =	shalt  }
0x86: {  	_ =	shalt  }
0x87: {  	_ =	shalt  }
.Lfunc_end0:
.L_simem_size_0:
called_computation.2_lowered:
.L_overlay_start_0:
0x88: {  	s2 =	sld [smem:$0x3FD9]  }
0x89: {  	s3 =	sld [smem:$0x3FFE];
	_ =	sdelay $0x1  }
0x8a: {  	s1 =	srdreg.scid  }
0x8b: {  	s0 =	sand.u32 $0x1, s1  }
0x8c: {  	s16 =	sshll.u32 s0, $0xA;
	s2 =	sadd.s32 s3, s2  }
0x8d: {  	s2 =	sadd.s32 s2, s16  }
0x8e: {  	[smem:$0x3FB9] =	sst s2  }
0x8f: {  	_ = 	snop  }
0x90: {  	(tm) =	ssettm $0x1  }
0x91: {  	s17 =	sld [smem:$0x3FFB];
	_ =	sdelay $0x3  }
0x92: {  	_ =	strace s17  }
0x93: {  	s2 =	sld [smem:$0x3FFC];
	_ =	sdelay $0x3  }
0x94: {  	_ =	strace s2  }
0x95: {  	s2 =	sld [smem:$0x3FFD];
	_ =	sdelay $0x3  }
0x96: {  	_ =	strace s2  }
0x97: {  	_ =	strace $0x8FFFFFFF  }
0x98: {  	s18 =	sld [smem:$0x3FDB];
	_ =	sdelay $0x1  }
0x99: {  	s19 =	simm.s32 $_scs_section_size  }
0x9a: {  	s4 =	simm.s32 $_size__tile_overlayer_lowered;
	s5 =	simm.s32 $_tile_overlayer_lowered  }
0x9b: {  	s22 =	simm.s32 $0x1BFF;
	s21 =	sshll.u32 s5, $0x1;
	s2 =	sadd.s32 s19, s18  }
0x9c: {  	s6 =	simm.s32 $0x0;
	s20 =	sshll.u32 s4, $0x1;
	s4 =	sadd.s32 s21, s2  }
0x9d: {  	[timem:s6], [sflag:s22] =	dma.local [hbm:s4], s20  }
0x9e: {  	_ =	swait.ge [sflag:s22], s20  }
0x9f: {  	s3 =	ssub.s32 $0x0, s20;
	[sflag:s22] =	ssyncset.done $0x0  }
0xa0: {  	[sflag:s22] =	ssyncadd.s32 s3;
	_ =	sdelay $0x1  }
0xa1: {  	s23 =	simm.s32 $0x1B8B  }
0xa2: {  	_ =	swait.ge [sflag:s23], $0x1  }
0xa3: {  	[sflag:s23] =	ssyncset.done $0x0  }
0xa4: {  	s25 =	simm.s32 $0x1B8E;
	s24 =	sld [smem:$0x3FFE];
	[sflag:s23] =	ssyncadd.s32 $0xFFFFFFFF  }
0xa5: {  	s26 =	simm.s32 $execute0_lowered;
	[smem:$0x3FD2] =	sst s25  }
0xa6: {  	s4 =	sshll.u32 s26, $0x1;
	_ =	strace $0x8000004C;
	[dreg:$0x1] =	wrdreg $0xFFFFFFFF  }
0xa7: {  	s28 =	simm.s32 $_size_execute0_lowered;
	s2 =	sadd.s32 s2, s4;
	[dreg:$0x0] =	wrdreg $0x0  }
0xa8: {  	s4 =	sshll.u32 s28, $0x1;
	[dreg:$0x2] =	wrdreg s2  }
0xa9: {  	[dreg:$0x3] =	wrdreg s4  }
0xaa: {  	[dreg:$0x4] =	wrdreg $0xC0  }
0xab: {  	_ =	task [dreg:s6], $0x5FFFF  }
0xac: {  	[dreg:$0x1] =	wrdreg $0xFFFFFFFF  }
0xad: {  	[dreg:$0x0] =	wrdreg $0x60  }
0xae: {  	[dreg:$0x2] =	wrdreg s24  }
0xaf: {  	[dreg:$0x3] =	wrdreg $0xA8000  }
0xb0: {  	[dreg:$0x4] =	wrdreg $0x9  }
0xb1: {  	_ =	task.clear_ibuf [dreg:s6], $0x5FFFF;
	_ =	strace $0x9000004C  }
0xb2: {  	s29 =	simm.s32 $0x9;
	_ =	strace $0x8000004E  }
0xb3: {  	_ =	swait.ge [sflag:s29], $0x1  }
0xb4: {  	[sflag:s29] =	ssyncadd.s32 $0xFFFFFFFF  }
0xb5: {  	_ =	strace $0x9000004E  }
0xb6: {  	_ =	sfence  }
0xb7: {  	s30 =	sld [smem:$0x0];
	_ =	sdelay $0x2  }
0xb8: {  	s31 =	sshll.u32 s1, $0xD;
	s1 =	sshrl.u32 s1, $0x2  }
0xb9: {  	s3 =	sand.u32 $0x4000, s31;
	s1 =	sadd.s32 s1, s30  }
0xba: {  	s0 =	sor.u32 s3, s0;
	s1 =	sshll.u32 s1, $0x11  }
0xbb: {  	s0 =	sor.u32 s1, s0  }
0xbc: {  	s0 =	sadd.s32 $0x8F2B, s0  }
0xbd: {  	[sflag:s0] =	ssyncadd.remote.s32 $0x1  }
0xbe: {  	_ =	sfence.sel $0xFFFF  }
0xbf: {  	[dreg:$0x0] =	wrdreg $0xFFFFFFFF;
	(pc) =	sbr.abs _section_cstart, $3  }
0xc0: {  	[dreg:$0x1] =	wrdreg $0xFFFFFFFF  }
0xc1: {  	_ =	task.clear_ibuf [dreg:s6], $0x2FFFF;
	_ =	strace $0x9FFFFFFF  }
0xc2: {  	(tm) =	ssettm $0x7FFFFFFF  }
0xc3: {  	_ =	shalt  }
tec
execute0_lowered:
.L_overlay_start_1:
0x0: {  	(tag) =	ssettag $0x1  }
0x1: {  	s5 =	rddreg [dreg:$0x0]  }
0x2: {  	s1 =	rddreg [dreg:$0x1]  }
0x3: {  	s0 =	rddreg [dreg:$0x2];
	s3 =	simm.s32 $0x0;
	s2 =	srdreg.scid  }
0x4: {  	s16 =	simm.s32 $0x80;
	s17 =	simm.s32 $0x2800;
	s18 =	simm.s32 $0x6800  }
0x5: {  	s19 =	simm.s32 $0x1;
	s20 =	simm.s32 $0x2;
	s21 =	simm.s32 $0x1380  }
0x6: {  	s22 =	simm.s32 $0x2700;
	s23 =	simm.s32 $0x2780;
	s24 =	simm.s32 $0x0  }
0x7: {  	[smem:$0x7FF] =	sst s3;
	s6 =	sand.u32 $0x1, s2;
	s2 =	stileid.u32  }
0x8: {  	s4 =	sadd.s32 $0x3EA00, s5;
	s11 =	sadd.s32 $0x17200, s5;
	s7 =	smul.u32 $0x13C000, s6  }
0x9: {  	s9 =	sadd.s32 $0x3200, s5;
	s10 =	sadd.s32 $0xD200, s5;
	s8 =	smul.u32 $0x13C00, s2  }
0xa: {  	_ =	strace $0x8000004D;
	s26 =	sshll.u32 s6, $0x4;
	s13 =	smul.u32 $0x4F000, s2  }
0xb: {  	s12 =	ssub.s32 $0x2, s6;
	p0 =	seq.s32 s6, $0x0;
	s30 =	smul.u32 $0x2780, s2  }
0xc: {  	s31 =	sshll.u32 s2, $0x6;
	s14 =	sshrl.u32 s12, $0x1;
	s11 =	smov.u32 @p0 s4  }
0xd: {  	s7 =	sadd.s32 s8, s7;
	s8 =	sor.u32 s2, s26;
	s12 =	ssub.s32 s12, s14  }
0xe: {  	s28 =	sshrl.u32 s13, $0x2;
	s11 =	sadd.s32 s11, s30;
	s8 =	smul.u32 $0x2800, s8  }
0xf: {  	s14 =	simm.s32 $0x3;
	s7 =	sshrl.u32 s7, $0x3;
	s13 =	sadd.s32 s28, s1  }
0x10: {  	s15 =	sadd.s32 s7, s5;
	s13 =	sshrl.u32 s13, $0x3;
	s29 =	sshrl.u32 s8, $0x3  }
0x11: {  	s5 =	sadd.s32 s9, s29;
	s8 =	sadd.s32 $0x280, s29;
	s6 =	sadd.s32 s10, s29  }
0x12: {  	s7 =	sadd.s32 s9, s8;
	s8 =	sadd.s32 s10, s8;
	s9 =	sadd.s32 $0x66200, s15  }
0x13: {  	s10 =	smax.u32 s12, $0x1;
	s12 =	sor.u32 $0x1C03, s31;
	s15 =	simm.s32 $0x1400  }
.LBB2_1:
0x14: {  	[spmem:s13], [sflag:s12] =	dma.local [hbm:s11], $0x2780  }
0x15: {  	_ =	swait.ge [sflag:s14], $0x2780  }
0x16: {  	[sflag:s14] =	ssyncset.done $0x0  }
0x17: {  	[sflag:s14] =	ssyncadd.s32 $0xFFFFD880  }
0x18: {  	[bflag:$0x0] =	sbarrier.arrive $0xFFFF  }
0x19: {  	[tilespmem:s3], [sflag:$0x3] =	stream.linear.gather [hbm4b:s5+s3], $0x1400, $0x38;
	[tilespmem:$0x1E400] =	vst v63  }
0x1a: {  	_ =	swait.ge [sflag:s14], $0x1400  }
0x1b: {  	[sflag:s14] =	ssyncset.done $0x0  }
0x1c: {  	[sflag:s14] =	ssyncadd.s32 $0xFFFFEC00  }
0x1d: {  	[tilespmem:s15], [sflag:$0x3] =	stream.linear.gather [hbm4b:s6+s3], $0x1400, $0x38;
	[tilespmem:$0x1E400] =	vst v63  }
0x1e: {  	_ =	swait.ge [sflag:s14], $0x1400  }
0x1f: {  	[sflag:s14] =	ssyncset.done $0x0  }
0x20: {  	[sflag:s14] =	ssyncadd.s32 $0xFFFFEC00  }
0x21: {  	[tilespmem:s17], [sflag:$0x1] =	stream.indirect.gather [hbm4b:s4+s16], $0x80, s3, s16, $0xb8;
	[tilespmem:$0x1E400] =	vst v63  }
0x22: {  	s25 =	simm.s32 $0x80  }
0x23: {  	[tilespmem:s18], [sflag:$0x2] =	stream.indirect.gather [hbm4b:s4+s16], $0x80, s25, s16, $0xb8;
	[tilespmem:$0x1E400] =	vst v63  }
0x24: {  	_ =	swait.ge [sflag:s19], $0x4000  }
0x25: {  	[sflag:s19] =	ssyncset.done $0x0  }
0x26: {  	s29 =	simm.s32 $0x1400;
	[sflag:s19] =	ssyncadd.s32 $0xFFFFC000  }
0x27: {  	[spmem:s1] =	stream.indirect.scatter.add.f32 [tilespmem:s17], [sflag:$0x3], $0x80, s29, s16, $0xb8;
	[tilespmem:$0x1E400] =	vst v63  }
0x28: {  	_ =	swait.ge [sflag:s14], $0x4000  }
0x29: {  	[sflag:s14] =	ssyncset.done $0x0  }
0x2a: {  	s30 =	simm.s32 $0x100;
	[sflag:s14] =	ssyncadd.s32 $0xFFFFC000  }
0x2b: {  	[tilespmem:s17], [sflag:$0x1] =	stream.indirect.gather [hbm4b:s4+s16], $0x80, s30, s16, $0xb8;
	[tilespmem:$0x1E400] =	vst v63  }
0x2c: {  	_ =	swait.ge [sflag:s20], $0x4000  }
0x2d: {  	[sflag:s20] =	ssyncset.done $0x0  }
0x2e: {  	s31 =	simm.s32 $0x1480;
	[sflag:s20] =	ssyncadd.s32 $0xFFFFC000  }
0x2f: {  	[spmem:s1] =	stream.indirect.scatter.add.f32 [tilespmem:s18], [sflag:$0x3], $0x80, s31, s16, $0xb8;
	[tilespmem:$0x1E400] =	vst v63  }
0x30: {  	_ =	swait.ge [sflag:s14], $0x4000  }
0x31: {  	s26 =	simm.s32 $0x800;
	s25 =	simm.s32 $0x100;
	[sflag:s14] =	ssyncset.done $0x0  }
.LBB2_2:
0x32: {  	s28 =	sadd.s32 $0x80, s25  }
0x33: {  	[sflag:s14] =	ssyncadd.s32 $0xFFFFC000;
	s29 =	smov.u32 s26;
	s30 =	sadd.s32 $0x400, s26  }
0x34: {  	[tilespmem:s18], [sflag:$0x2] =	stream.indirect.gather [hbm4b:s4+s16], $0x80, s28, s16, $0xb8;
	[tilespmem:$0x1E400] =	vst v63  }
0x35: {  	p0 =	sne.s32 s26, $0x4800;
	_ =	swait.ge [sflag:s19], $0x4000  }
0x36: {  	[sflag:s19] =	ssyncset.done $0x0  }
0x37: {  	s26 =	sadd.s32 $0x1400, s25;
	[sflag:s19] =	ssyncadd.s32 $0xFFFFC000  }
0x38: {  	[spmem:s1] =	stream.indirect.scatter.add.f32 [tilespmem:s17], [sflag:$0x3], $0x80, s26, s16, $0xb8;
	[tilespmem:$0x1E400] =	vst v63  }
0x39: {  	_ =	swait.ge [sflag:s14], $0x4000  }
0x3a: {  	[sflag:s14] =	ssyncset.done $0x0  }
0x3b: {  	s26 =	sadd.s32 $0x100, s25;
	[sflag:s14] =	ssyncadd.s32 $0xFFFFC000  }
0x3c: {  	[tilespmem:s17], [sflag:$0x1] =	stream.indirect.gather [hbm4b:s4+s16], $0x80, s26, s16, $0xb8;
	[tilespmem:$0x1E400] =	vst v63  }
0x3d: {  	_ =	swait.ge [sflag:s20], $0x4000  }
.Ltmp0:
0x3e: {  	[sflag:s20] =	ssyncset.done $0x0;
	(pc) =	sbr.rel @p0 .LBB2_2-.Ltmp0, $4  }
0x3f: {  	s25 =	sadd.s32 $0x1480, s25;
	[sflag:s20] =	ssyncadd.s32 $0xFFFFC000  }
0x40: {  	[spmem:s1] =	stream.indirect.scatter.add.f32 [tilespmem:s18], [sflag:$0x3], $0x80, s25, s16, $0xb8;
	[tilespmem:$0x1E400] =	vst v63  }
0x41: {  	_ =	swait.ge [sflag:s14], $0x4000  }
0x42: {  	s26 =	smov.u32 s30;
	s25 =	sshra.s32 s29, $0x2;
	[sflag:s14] =	ssyncset.done $0x0  }
0x43: {  	s26 =	sadd.s32 $0x80, s25;
	[sflag:s14] =	ssyncadd.s32 $0xFFFFC000  }
0x44: {  	[tilespmem:s18], [sflag:$0x2] =	stream.indirect.gather [hbm4b:s4+s16], $0x80, s26, s16, $0xb8;
	[tilespmem:$0x1E400] =	vst v63  }
0x45: {  	_ =	swait.ge [sflag:s19], $0x4000  }
0x46: {  	[sflag:s19] =	ssyncset.done $0x0  }
0x47: {  	s29 =	sadd.s32 $0x1400, s25;
	[sflag:s19] =	ssyncadd.s32 $0xFFFFC000  }
0x48: {  	[spmem:s1] =	stream.indirect.scatter.add.f32 [tilespmem:s17], [sflag:$0x3], $0x80, s29, s16, $0xb8;
	[tilespmem:$0x1E400] =	vst v63  }
0x49: {  	_ =	swait.ge [sflag:s14], $0x4000  }
0x4a: {  	[sflag:s14] =	ssyncset.done $0x0  }
0x4b: {  	s30 =	sadd.s32 $0x100, s25;
	[sflag:s14] =	ssyncadd.s32 $0xFFFFC000  }
0x4c: {  	[tilespmem:s17], [sflag:$0x1] =	stream.indirect.gather [hbm4b:s4+s16], $0x80, s30, s16, $0xb8;
	[tilespmem:$0x1E400] =	vst v63  }
0x4d: {  	_ =	swait.ge [sflag:s20], $0x4000  }
0x4e: {  	[sflag:s20] =	ssyncset.done $0x0  }
0x4f: {  	s31 =	sadd.s32 $0x1480, s25;
	[sflag:s20] =	ssyncadd.s32 $0xFFFFC000  }
0x50: {  	[spmem:s1] =	stream.indirect.scatter.add.f32 [tilespmem:s18], [sflag:$0x3], $0x80, s31, s16, $0xb8;
	[tilespmem:$0x1E400] =	vst v63  }
0x51: {  	_ =	swait.ge [sflag:s14], $0x4000  }
0x52: {  	[sflag:s14] =	ssyncset.done $0x0  }
0x53: {  	[sflag:s14] =	ssyncadd.s32 $0xFFFFC000  }
0x54: {  	[tilespmem:s18], [sflag:$0x2] =	stream.indirect.gather [hbm4b:s4+s16], $0x80, s21, s16, $0xb8;
	[tilespmem:$0x1E400] =	vst v63  }
0x55: {  	_ =	swait.ge [sflag:s19], $0x4000  }
0x56: {  	[sflag:s19] =	ssyncset.done $0x0  }
0x57: {  	[sflag:s19] =	ssyncadd.s32 $0xFFFFC000  }
0x58: {  	[spmem:s1] =	stream.indirect.scatter.add.f32 [tilespmem:s17], [sflag:$0x3], $0x80, s22, s16, $0xb8;
	[tilespmem:$0x1E400] =	vst v63  }
0x59: {  	_ =	swait.ge [sflag:s14], $0x4000  }
0x5a: {  	[sflag:s14] =	ssyncset.done $0x0  }
0x5b: {  	[sflag:s14] =	ssyncadd.s32 $0xFFFFC000  }
0x5c: {  	_ =	swait.ge [sflag:s20], $0x4000  }
0x5d: {  	[sflag:s20] =	ssyncset.done $0x0  }
0x5e: {  	[sflag:s20] =	ssyncadd.s32 $0xFFFFC000  }
0x5f: {  	[spmem:s1] =	stream.indirect.scatter.add.f32 [tilespmem:s18], [sflag:$0x3], $0x80, s23, s16, $0xb8;
	[tilespmem:$0x1E400] =	vst v63  }
0x60: {  	_ =	swait.ge [sflag:s14], $0x4000  }
0x61: {  	[sflag:s14] =	ssyncset.done $0x0  }
0x62: {  	s26 =	simm.s32 $0x0;
	[sflag:s14] =	ssyncadd.s32 $0xFFFFC000  }
0x63: {  	[tilespmem:s26], [sflag:$0x3] =	stream.linear.gather [hbm4b:s7+s26], $0x1400, $0x38;
	[tilespmem:$0x1E400] =	vst v63  }
0x64: {  	_ =	swait.ge [sflag:s14], $0x1400  }
0x65: {  	[sflag:s14] =	ssyncset.done $0x0  }
0x66: {  	[sflag:s14] =	ssyncadd.s32 $0xFFFFEC00  }
0x67: {  	[tilespmem:s15], [sflag:$0x3] =	stream.linear.gather [hbm4b:s8+s26], $0x1400, $0x38;
	[tilespmem:$0x1E400] =	vst v63  }
0x68: {  	_ =	swait.ge [sflag:s14], $0x1400  }
0x69: {  	[sflag:s14] =	ssyncset.done $0x0  }
0x6a: {  	[sflag:s14] =	ssyncadd.s32 $0xFFFFEC00  }
0x6b: {  	[tilespmem:s17], [sflag:$0x1] =	stream.indirect.gather [hbm4b:s4+s16], $0x80, s26, s16, $0xb8;
	[tilespmem:$0x1E400] =	vst v63  }
0x6c: {  	s28 =	simm.s32 $0x80  }
0x6d: {  	[tilespmem:s18], [sflag:$0x2] =	stream.indirect.gather [hbm4b:s4+s16], $0x80, s28, s16, $0xb8;
	[tilespmem:$0x1E400] =	vst v63  }
0x6e: {  	_ =	swait.ge [sflag:s19], $0x4000  }
0x6f: {  	[sflag:s19] =	ssyncset.done $0x0  }
0x70: {  	s29 =	simm.s32 $0x1400;
	[sflag:s19] =	ssyncadd.s32 $0xFFFFC000  }
0x71: {  	[spmem:s1] =	stream.indirect.scatter.add.f32 [tilespmem:s17], [sflag:$0x3], $0x80, s29, s16, $0xb8;
	[tilespmem:$0x1E400] =	vst v63  }
0x72: {  	_ =	swait.ge [sflag:s14], $0x4000  }
0x73: {  	[sflag:s14] =	ssyncset.done $0x0  }
0x74: {  	s30 =	simm.s32 $0x100;
	[sflag:s14] =	ssyncadd.s32 $0xFFFFC000  }
0x75: {  	[tilespmem:s17], [sflag:$0x1] =	stream.indirect.gather [hbm4b:s4+s16], $0x80, s30, s16, $0xb8;
	[tilespmem:$0x1E400] =	vst v63  }
0x76: {  	_ =	swait.ge [sflag:s20], $0x4000  }
0x77: {  	[sflag:s20] =	ssyncset.done $0x0  }
0x78: {  	s31 =	simm.s32 $0x1480;
	[sflag:s20] =	ssyncadd.s32 $0xFFFFC000  }
0x79: {  	[spmem:s1] =	stream.indirect.scatter.add.f32 [tilespmem:s18], [sflag:$0x3], $0x80, s31, s16, $0xb8;
	[tilespmem:$0x1E400] =	vst v63  }
0x7a: {  	_ =	swait.ge [sflag:s14], $0x4000  }
0x7b: {  	s25 =	simm.s32 $0x100;
	s26 =	simm.s32 $0x800;
	[sflag:s14] =	ssyncset.done $0x0  }
.LBB2_4:
0x7c: {  	s28 =	sadd.s32 $0x80, s25  }
0x7d: {  	[sflag:s14] =	ssyncadd.s32 $0xFFFFC000;
	s29 =	smov.u32 s26;
	s30 =	sadd.s32 $0x400, s26  }
0x7e: {  	[tilespmem:s18], [sflag:$0x2] =	stream.indirect.gather [hbm4b:s4+s16], $0x80, s28, s16, $0xb8;
	[tilespmem:$0x1E400] =	vst v63  }
0x7f: {  	p0 =	sne.s32 s26, $0x4800;
	_ =	swait.ge [sflag:s19], $0x4000  }
0x80: {  	[sflag:s19] =	ssyncset.done $0x0  }
0x81: {  	s26 =	sadd.s32 $0x1400, s25;
	[sflag:s19] =	ssyncadd.s32 $0xFFFFC000  }
0x82: {  	[spmem:s1] =	stream.indirect.scatter.add.f32 [tilespmem:s17], [sflag:$0x3], $0x80, s26, s16, $0xb8;
	[tilespmem:$0x1E400] =	vst v63  }
0x83: {  	_ =	swait.ge [sflag:s14], $0x4000  }
0x84: {  	[sflag:s14] =	ssyncset.done $0x0  }
0x85: {  	s26 =	sadd.s32 $0x100, s25;
	[sflag:s14] =	ssyncadd.s32 $0xFFFFC000  }
0x86: {  	[tilespmem:s17], [sflag:$0x1] =	stream.indirect.gather [hbm4b:s4+s16], $0x80, s26, s16, $0xb8;
	[tilespmem:$0x1E400] =	vst v63  }
0x87: {  	_ =	swait.ge [sflag:s20], $0x4000  }
.Ltmp1:
0x88: {  	[sflag:s20] =	ssyncset.done $0x0;
	(pc) =	sbr.rel @p0 .LBB2_4-.Ltmp1, $4  }
0x89: {  	s25 =	sadd.s32 $0x1480, s25;
	[sflag:s20] =	ssyncadd.s32 $0xFFFFC000  }
0x8a: {  	[spmem:s1] =	stream.indirect.scatter.add.f32 [tilespmem:s18], [sflag:$0x3], $0x80, s25, s16, $0xb8;
	[tilespmem:$0x1E400] =	vst v63  }
0x8b: {  	_ =	swait.ge [sflag:s14], $0x4000  }
0x8c: {  	s26 =	smov.u32 s30;
	s25 =	sshra.s32 s29, $0x2;
	[sflag:s14] =	ssyncset.done $0x0  }
0x8d: {  	s26 =	sadd.s32 $0x80, s25;
	[sflag:s14] =	ssyncadd.s32 $0xFFFFC000  }
0x8e: {  	[tilespmem:s18], [sflag:$0x2] =	stream.indirect.gather [hbm4b:s4+s16], $0x80, s26, s16, $0xb8;
	[tilespmem:$0x1E400] =	vst v63  }
0x8f: {  	_ =	swait.ge [sflag:s19], $0x4000  }
0x90: {  	[sflag:s19] =	ssyncset.done $0x0  }
0x91: {  	s29 =	sadd.s32 $0x1400, s25;
	[sflag:s19] =	ssyncadd.s32 $0xFFFFC000  }
0x92: {  	[spmem:s1] =	stream.indirect.scatter.add.f32 [tilespmem:s17], [sflag:$0x3], $0x80, s29, s16, $0xb8;
	[tilespmem:$0x1E400] =	vst v63  }
0x93: {  	_ =	swait.ge [sflag:s14], $0x4000  }
0x94: {  	[sflag:s14] =	ssyncset.done $0x0  }
0x95: {  	s30 =	sadd.s32 $0x100, s25;
	[sflag:s14] =	ssyncadd.s32 $0xFFFFC000  }
0x96: {  	[tilespmem:s17], [sflag:$0x1] =	stream.indirect.gather [hbm4b:s4+s16], $0x80, s30, s16, $0xb8;
	[tilespmem:$0x1E400] =	vst v63  }
0x97: {  	_ =	swait.ge [sflag:s20], $0x4000  }
0x98: {  	[sflag:s20] =	ssyncset.done $0x0  }
0x99: {  	s31 =	sadd.s32 $0x1480, s25;
	[sflag:s20] =	ssyncadd.s32 $0xFFFFC000  }
0x9a: {  	[spmem:s1] =	stream.indirect.scatter.add.f32 [tilespmem:s18], [sflag:$0x3], $0x80, s31, s16, $0xb8;
	[tilespmem:$0x1E400] =	vst v63  }
0x9b: {  	_ =	swait.ge [sflag:s14], $0x4000  }
0x9c: {  	[sflag:s14] =	ssyncset.done $0x0  }
0x9d: {  	[sflag:s14] =	ssyncadd.s32 $0xFFFFC000  }
0x9e: {  	[tilespmem:s18], [sflag:$0x2] =	stream.indirect.gather [hbm4b:s4+s16], $0x80, s21, s16, $0xb8;
	[tilespmem:$0x1E400] =	vst v63  }
0x9f: {  	_ =	swait.ge [sflag:s19], $0x4000  }
0xa0: {  	[sflag:s19] =	ssyncset.done $0x0  }
0xa1: {  	[sflag:s19] =	ssyncadd.s32 $0xFFFFC000  }
0xa2: {  	[spmem:s1] =	stream.indirect.scatter.add.f32 [tilespmem:s17], [sflag:$0x3], $0x80, s22, s16, $0xb8;
	[tilespmem:$0x1E400] =	vst v63  }
0xa3: {  	_ =	swait.ge [sflag:s14], $0x4000  }
0xa4: {  	[sflag:s14] =	ssyncset.done $0x0  }
0xa5: {  	[sflag:s14] =	ssyncadd.s32 $0xFFFFC000  }
0xa6: {  	_ =	swait.ge [sflag:s20], $0x4000  }
0xa7: {  	[sflag:s20] =	ssyncset.done $0x0  }
0xa8: {  	[sflag:s20] =	ssyncadd.s32 $0xFFFFC000  }
0xa9: {  	[spmem:s1] =	stream.indirect.scatter.add.f32 [tilespmem:s18], [sflag:$0x3], $0x80, s23, s16, $0xb8;
	[tilespmem:$0x1E400] =	vst v63  }
0xaa: {  	_ =	swait.ge [sflag:s14], $0x4000  }
0xab: {  	s24 =	sadd.s32 $0x1, s24;
	[sflag:s14] =	ssyncset.done $0x0  }
0xac: {  	p0 =	sne.s32 s24, s10;
	[sflag:s14] =	ssyncadd.s32 $0xFFFFC000  }
.Ltmp2:
0xad: {  	[bflag:$0x0] =	sbarrier.arrive $0xFFFF;
	(pc) =	sbr.rel @p0 .LBB2_1-.Ltmp2, $4  }
0xae: {  	[hbm:s9], [sflag:s12] =	dma.local [spmem:s13], $0x2780  }
0xaf: {  	_ =	swait.ge [sflag:s14], $0x2780  }
0xb0: {  	[sflag:s14] =	ssyncset.done $0x0  }
0xb1: {  	[sflag:s14] =	ssyncadd.s32 $0xFFFFD880  }
0xb2: {  	_ =	sfence.sel $0x180000  }
0xb3: {  	[bflag:$0x0] =	sbarrier.arrive $0xFFFF  }
0xb4: {  	p0 =	sne.s32 s2, $0x0;
	_ =	strace $0x9000004D  }
0xb5: {  	s0 =	sadd.s32 @!p0 $0x100000, s0;
	[bflag:$0x2] =	sbarrier.arrive $0xFFFF  }
0xb6: {  	[sflag:s0] =	ssyncadd.tile.s32 @!p0 $0x1;
	_ =	shalt  }
.Lfunc_end2:
_tile_overlayer_lowered:
.L_overlay_start_2:
0xb7: {  	(tag) =	ssettag $0x2  }
0xb8: {  	s0 =	rddreg [dreg:$0x0];
	s2 =	stileid.u32  }
0xb9: {  	s1 =	rddreg [dreg:$0x1];
	p0 =	sne.s32 s2, $0x0  }
0xba: {  	s3 =	rddreg [dreg:$0x2];
	[bflag:$0x3] =	sbarrier.arrive $0xFFFF;
	s2 =	simm.s32 @!p0 $0x1C03  }
0xbb: {  	[timem:s3], [sflag:s2] =	dma.local @!p0 [hbm:s0], s1  }
0xbc: {  	s0 =	simm.s32 @!p0 $0x3  }
0xbd: {  	_ =	swait.ge @!p0 [sflag:s0], s1  }
0xbe: {  	s1 =	ssub.s32 @!p0 $0x0, s1;
	[sflag:s0] =	ssyncset.done @!p0 $0x0  }
0xbf: {  	[sflag:s0] =	ssyncadd.s32 @!p0 s1  }
0xc0: {  	[bflag:$0x3] =	sbarrier.arrive $0xFFFF  }
0xc1: {  	_ =	shalt  }

// kernel: kernel.19.cloned.1.call-start
scs
__scs_entry_jumppad:
0x0: {  	(pc) =	sbr.rel $0x88, $3  }
0x1: {  	(tag) =	ssettag $0x0;
	lr =	simm.s32 $0x1  }
0x2: {  	[smem:$0x3F92] =	sst lr;
	_ =	strace $0xD0000000  }
0x3: {  	_ = 	snop  }
0x4: {  	_ = 	snop  }
0x5: {  	_ = 	snop  }
0x6: {  	_ = 	snop  }
0x7: {  	_ = 	snop  }
__scs_overlays_trampoline_lowered:
0x8: {  	[smem:$0x3FA1] =	sst s0  }
0x9: {  	[smem:$0x3FA2] =	sst s1  }
0xa: {  	[smem:$0x3FA3] =	sst s2  }
0xb: {  	[smem:$0x3FA4] =	sst s3  }
0xc: {  	[smem:$0x3FA5] =	sst s4  }
0xd: {  	[smem:$0x3FA6] =	sst s5  }
0xe: {  	[smem:$0x3FA7] =	sst s6  }
0xf: {  	[smem:$0x3FA8] =	sst s7  }
0x10: {  	[smem:$0x3FA9] =	sst s8  }
0x11: {  	[smem:$0x3FAA] =	sst s9;
	s0 =	simm.s32 @!p0 $0x0  }
0x12: {  	s1 =	sld [smem:$0x3F90];
	s0 =	simm.s32 @p0 $0x1  }
0x13: {  	[smem:$0x3FAB] =	sst s0;
	s0 =	simm.s32 @!p1 $0x0  }
0x14: {  	s2 =	sld [smem:$0x3F8F];
	s0 =	simm.s32 @p1 $0x1  }
0x15: {  	[smem:$0x3FAC] =	sst s0;
	s0 =	simm.s32 @!p2 $0x0  }
0x16: {  	s3 =	sld [smem:$0x3FDB];
	s0 =	simm.s32 @p2 $0x1  }
0x17: {  	s4 =	simm.s32 $0x1BF5;
	[smem:$0x3FAE] =	sst s0  }
0x18: {  	s0 =	sld [smem:$0x3F91];
	_ =	swait.ge [sflag:s4], $0x0  }
0x19: {  	s7 =	sld [smem:$0x3F92]  }
0x1a: {  	s8 =	sadd.s32 $0xFFFFE003, lr  }
0x1b: {  	s9 =	sadd.s32 $0xFFFFFEF7, lr;
	s5 =	simm.s32 $0xFFFFFFFF;
	p2 =	slt.u32 s8, $0xFFFFF086  }
0x1c: {  	p1 =	slt.u32 s9, $0xF7A;
	s5 =	simm.s32 @!p2 $0x0  }
0x1d: {  	s5 =	simm.s32 @p1 $0x1;
	p0 =	seq.s32 s7, s2  }
0x1e: {  	s7 =	smul.u32 @!p0 $0xF7A, s2;
	p2 =	seq.s32 @!p0 s5, $0x0  }
0x1f: {  	s9 =	smul.u32 $0xF7A, s1;
	s8 =	simm.s32 @!p0 $0x1BF5;
	p2 =	por !p2, p0  }
0x20: {  	[sflag:s8] =	ssyncset.s32 @!p0 $0xFFFFF086;
	s6 =	sadd.s32 @!p0 s3, s7;
	s7 =	simm.s32 @!p0 $0x108  }
0x21: {  	s3 =	sadd.s32 s3, s9;
	s6 =	sadd.s32 @!p0 $0x88, s6;
	s7 =	simm.s32 @p2 $0x1082  }
0x22: {  	[simem:s7], [sflag:s8] =	dma.local @!p0 [hbm:s6], $0xF7A  }
0x23: {  	s9 =	sor.u32 $0xD0000000, s2;
	s6 =	simm.s32 $0x108;
	_ =	swait.ge @!p0 [sflag:s8], $0x0  }
0x24: {  	s3 =	sadd.s32 $0x88, s3;
	s6 =	simm.s32 @!p1 $0x1082;
	[sflag:s4] =	ssyncset.s32 $0xFFFFF086  }
0x25: {  	[simem:s6], [sflag:s4] =	dma.local [hbm:s3], $0xF7A  }
0x26: {  	[smem:$0x3F92] =	sst s1;
	(tag) =	ssettag s2;
	_ =	strace s9  }
0x27: {  	s1 =	sld [smem:$0x3FA2]  }
0x28: {  	s2 =	sld [smem:$0x3FA3]  }
0x29: {  	s4 =	sld [smem:$0x3FA5]  }
0x2a: {  	p0 =	seq.s32 s5, $0x0;
	s5 =	sld [smem:$0x3FA6]  }
0x2b: {  	s6 =	sld [smem:$0x3FA7]  }
0x2c: {  	s7 =	sld [smem:$0x3FA8]  }
0x2d: {  	s3 =	simm.s32 $0x108;
	s8 =	sld [smem:$0x3FA9]  }
0x2e: {  	s3 =	simm.s32 @!p0 $0x1082;
	s9 =	sld [smem:$0x3FAA]  }
0x2f: {  	lr =	sadd.s32 s0, s3;
	s0 =	sld [smem:$0x3FA1]  }
0x30: {  	s3 =	sld [smem:$0x3FA4]  }
0x31: {  	[smem:$0x3FAD] =	sst s10  }
0x32: {  	s10 =	sld [smem:$0x3FAB];
	_ =	sdelay $0x3  }
0x33: {  	p0 =	seq.s32 s10, $0x1;
	s10 =	sld [smem:$0x3FAD];
	_ =	sdelay $0x3  }
0x34: {  	[smem:$0x3FAD] =	sst s10  }
0x35: {  	s10 =	sld [smem:$0x3FAC];
	_ =	sdelay $0x3  }
0x36: {  	p1 =	seq.s32 s10, $0x1;
	s10 =	sld [smem:$0x3FAD];
	_ =	sdelay $0x3  }
0x37: {  	[smem:$0x3FAD] =	sst s10  }
0x38: {  	s10 =	sld [smem:$0x3FAE]  }
0x39: {  	_ = 	snop;
	(pc) =	sbr.ind lr, $3  }
0x3a: {  	_ = 	snop  }
0x3b: {  	_ = 	snop  }
0x3c: {  	p2 =	seq.s32 s10, $0x1;
	s10 =	sld [smem:$0x3FAD]  }
0x3d: {  	_ =	shalt  }
0x3e: {  	_ =	shalt  }
0x3f: {  	_ =	shalt  }
0x40: {  	_ =	shalt  }
0x41: {  	_ =	shalt  }
0x42: {  	_ =	shalt  }
0x43: {  	_ =	shalt  }
0x44: {  	_ =	shalt  }
0x45: {  	_ =	shalt  }
0x46: {  	_ =	shalt  }
0x47: {  	_ =	shalt  }
0x48: {  	_ =	shalt  }
0x49: {  	_ =	shalt  }
0x4a: {  	_ =	shalt  }
0x4b: {  	_ =	shalt  }
0x4c: {  	_ =	shalt  }
0x4d: {  	_ =	shalt  }
0x4e: {  	_ =	shalt  }
0x4f: {  	_ =	shalt  }
0x50: {  	_ =	shalt  }
0x51: {  	_ =	shalt  }
0x52: {  	_ =	shalt  }
0x53: {  	_ =	shalt  }
0x54: {  	_ =	shalt  }
0x55: {  	_ =	shalt  }
0x56: {  	_ =	shalt  }
0x57: {  	_ =	shalt  }
0x58: {  	_ =	shalt  }
0x59: {  	_ =	shalt  }
0x5a: {  	_ =	shalt  }
0x5b: {  	_ =	shalt  }
0x5c: {  	_ =	shalt  }
0x5d: {  	_ =	shalt  }
0x5e: {  	_ =	shalt  }
0x5f: {  	_ =	shalt  }
0x60: {  	_ =	shalt  }
0x61: {  	_ =	shalt  }
0x62: {  	_ =	shalt  }
0x63: {  	_ =	shalt  }
0x64: {  	_ =	shalt  }
0x65: {  	_ =	shalt  }
0x66: {  	_ =	shalt  }
0x67: {  	_ =	shalt  }
0x68: {  	_ =	shalt  }
0x69: {  	_ =	shalt  }
0x6a: {  	_ =	shalt  }
0x6b: {  	_ =	shalt  }
0x6c: {  	_ =	shalt  }
0x6d: {  	_ =	shalt  }
0x6e: {  	_ =	shalt  }
0x6f: {  	_ =	shalt  }
0x70: {  	_ =	shalt  }
0x71: {  	_ =	shalt  }
0x72: {  	_ =	shalt  }
0x73: {  	_ =	shalt  }
0x74: {  	_ =	shalt  }
0x75: {  	_ =	shalt  }
0x76: {  	_ =	shalt  }
0x77: {  	_ =	shalt  }
0x78: {  	_ =	shalt  }
0x79: {  	_ =	shalt  }
0x7a: {  	_ =	shalt  }
0x7b: {  	_ =	shalt  }
0x7c: {  	_ =	shalt  }
0x7d: {  	_ =	shalt  }
0x7e: {  	_ =	shalt  }
0x7f: {  	_ =	shalt  }
0x80: {  	_ =	shalt  }
0x81: {  	_ =	shalt  }
0x82: {  	_ =	shalt  }
0x83: {  	_ =	shalt  }
0x84: {  	_ =	shalt  }
0x85: {  	_ =	shalt  }
0x86: {  	_ =	shalt  }
0x87: {  	_ =	shalt  }
.Lfunc_end0:
.L_simem_size_0:
called_computation.3_lowered:
.L_overlay_start_0:
0x88: {  	s2 =	sld [smem:$0x3FD9]  }
0x89: {  	s3 =	sld [smem:$0x3FFE];
	_ =	sdelay $0x1  }
0x8a: {  	s1 =	srdreg.scid  }
0x8b: {  	s0 =	sand.u32 $0x1, s1  }
0x8c: {  	s16 =	sshll.u32 s0, $0xA;
	s2 =	sadd.s32 s3, s2  }
0x8d: {  	s2 =	sadd.s32 s2, s16  }
0x8e: {  	[smem:$0x3FB9] =	sst s2  }
0x8f: {  	_ = 	snop  }
0x90: {  	(tm) =	ssettm $0x1  }
0x91: {  	s17 =	sld [smem:$0x3FFB];
	_ =	sdelay $0x3  }
0x92: {  	_ =	strace s17  }
0x93: {  	s2 =	sld [smem:$0x3FFC];
	_ =	sdelay $0x3  }
0x94: {  	_ =	strace s2  }
0x95: {  	s2 =	sld [smem:$0x3FFD];
	_ =	sdelay $0x3  }
0x96: {  	_ =	strace s2  }
0x97: {  	_ =	strace $0x8FFFFFFF  }
0x98: {  	s18 =	sld [smem:$0x3FDB];
	_ =	sdelay $0x1  }
0x99: {  	s19 =	simm.s32 $_scs_section_size  }
0x9a: {  	s4 =	simm.s32 $_size__tile_overlayer_lowered;
	s5 =	simm.s32 $_tile_overlayer_lowered  }
0x9b: {  	s22 =	simm.s32 $0x1BFF;
	s21 =	sshll.u32 s5, $0x1;
	s2 =	sadd.s32 s19, s18  }
0x9c: {  	s6 =	simm.s32 $0x0;
	s20 =	sshll.u32 s4, $0x1;
	s4 =	sadd.s32 s21, s2  }
0x9d: {  	[timem:s6], [sflag:s22] =	dma.local [hbm:s4], s20  }
0x9e: {  	_ =	swait.ge [sflag:s22], s20  }
0x9f: {  	s3 =	ssub.s32 $0x0, s20;
	[sflag:s22] =	ssyncset.done $0x0  }
0xa0: {  	[sflag:s22] =	ssyncadd.s32 s3;
	_ =	sdelay $0x1  }
0xa1: {  	s23 =	simm.s32 $0x1B8B  }
0xa2: {  	_ =	swait.ge [sflag:s23], $0x1  }
0xa3: {  	[sflag:s23] =	ssyncset.done $0x0  }
0xa4: {  	s25 =	simm.s32 $0x1B8E;
	s24 =	sld [smem:$0x3FFE];
	[sflag:s23] =	ssyncadd.s32 $0xFFFFFFFF  }
0xa5: {  	s26 =	simm.s32 $execute0_lowered;
	[smem:$0x3FD2] =	sst s25  }
0xa6: {  	s4 =	sshll.u32 s26, $0x1;
	_ =	strace $0x8000004F;
	[dreg:$0x1] =	wrdreg $0xFFFFFFFF  }
0xa7: {  	s28 =	simm.s32 $_size_execute0_lowered;
	s2 =	sadd.s32 s2, s4;
	[dreg:$0x0] =	wrdreg $0x0  }
0xa8: {  	s4 =	sshll.u32 s28, $0x1;
	[dreg:$0x2] =	wrdreg s2  }
0xa9: {  	[dreg:$0x3] =	wrdreg s4  }
0xaa: {  	[dreg:$0x4] =	wrdreg $0xC0  }
0xab: {  	_ =	task [dreg:s6], $0x5FFFF  }
0xac: {  	[dreg:$0x1] =	wrdreg $0xFFFFFFFF  }
0xad: {  	[dreg:$0x0] =	wrdreg $0x60  }
0xae: {  	[dreg:$0x2] =	wrdreg s24  }
0xaf: {  	[dreg:$0x3] =	wrdreg $0xA8000  }
0xb0: {  	[dreg:$0x4] =	wrdreg $0x9  }
0xb1: {  	_ =	task.clear_ibuf [dreg:s6], $0x5FFFF;
	_ =	strace $0x9000004F  }
0xb2: {  	s29 =	simm.s32 $0x9;
	_ =	strace $0x80000051  }
0xb3: {  	_ =	swait.ge [sflag:s29], $0x1  }
0xb4: {  	[sflag:s29] =	ssyncadd.s32 $0xFFFFFFFF  }
0xb5: {  	_ =	strace $0x90000051  }
0xb6: {  	_ =	sfence  }
0xb7: {  	s30 =	sld [smem:$0x0];
	_ =	sdelay $0x2  }
0xb8: {  	s31 =	sshll.u32 s1, $0xD;
	s1 =	sshrl.u32 s1, $0x2  }
0xb9: {  	s3 =	sand.u32 $0x4000, s31;
	s1 =	sadd.s32 s1, s30  }
0xba: {  	s0 =	sor.u32 s3, s0;
	s1 =	sshll.u32 s1, $0x11  }
0xbb: {  	s0 =	sor.u32 s1, s0  }
0xbc: {  	s0 =	sadd.s32 $0x8F2B, s0  }
0xbd: {  	[sflag:s0] =	ssyncadd.remote.s32 $0x1  }
0xbe: {  	_ =	sfence.sel $0xFFFF  }
0xbf: {  	[dreg:$0x0] =	wrdreg $0xFFFFFFFF;
	(pc) =	sbr.abs _section_cstart, $3  }
0xc0: {  	[dreg:$0x1] =	wrdreg $0xFFFFFFFF  }
0xc1: {  	_ =	task.clear_ibuf [dreg:s6], $0x2FFFF;
	_ =	strace $0x9FFFFFFF  }
0xc2: {  	(tm) =	ssettm $0x7FFFFFFF  }
0xc3: {  	_ =	shalt  }
tec
execute0_lowered:
.L_overlay_start_1:
0x0: {  	(tag) =	ssettag $0x1  }
0x1: {  	s5 =	rddreg [dreg:$0x0]  }
0x2: {  	s1 =	rddreg [dreg:$0x1]  }
0x3: {  	s0 =	rddreg [dreg:$0x2];
	s3 =	simm.s32 $0x0;
	s2 =	srdreg.scid  }
0x4: {  	s16 =	simm.s32 $0x80;
	s17 =	simm.s32 $0x2800;
	s18 =	simm.s32 $0x6800  }
0x5: {  	s19 =	simm.s32 $0x1;
	s20 =	simm.s32 $0x2;
	s21 =	simm.s32 $0x1380  }
0x6: {  	s22 =	simm.s32 $0x2700;
	s23 =	simm.s32 $0x2780;
	s24 =	simm.s32 $0x0  }
0x7: {  	[smem:$0x7FF] =	sst s3;
	s6 =	sand.u32 $0x1, s2;
	s2 =	stileid.u32  }
0x8: {  	s4 =	sadd.s32 $0x3EA00, s5;
	s11 =	sadd.s32 $0x17200, s5;
	s7 =	smul.u32 $0x13C000, s6  }
0x9: {  	s9 =	sadd.s32 $0x3200, s5;
	s10 =	sadd.s32 $0xD200, s5;
	s8 =	smul.u32 $0x13C00, s2  }
0xa: {  	_ =	strace $0x80000050;
	s26 =	sshll.u32 s6, $0x4;
	s13 =	smul.u32 $0x4F000, s2  }
0xb: {  	s12 =	ssub.s32 $0x2, s6;
	p0 =	seq.s32 s6, $0x0;
	s30 =	smul.u32 $0x2780, s2  }
0xc: {  	s31 =	sshll.u32 s2, $0x6;
	s14 =	sshrl.u32 s12, $0x1;
	s11 =	smov.u32 @p0 s4  }
0xd: {  	s7 =	sadd.s32 s8, s7;
	s8 =	sor.u32 s2, s26;
	s12 =	ssub.s32 s12, s14  }
0xe: {  	s28 =	sshrl.u32 s13, $0x2;
	s11 =	sadd.s32 s11, s30;
	s8 =	smul.u32 $0x2800, s8  }
0xf: {  	s14 =	simm.s32 $0x3;
	s7 =	sshrl.u32 s7, $0x3;
	s13 =	sadd.s32 s28, s1  }
0x10: {  	s15 =	sadd.s32 s7, s5;
	s13 =	sshrl.u32 s13, $0x3;
	s29 =	sshrl.u32 s8, $0x3  }
0x11: {  	s5 =	sadd.s32 s9, s29;
	s8 =	sadd.s32 $0x280, s29;
	s6 =	sadd.s32 s10, s29  }
0x12: {  	s7 =	sadd.s32 s9, s8;
	s8 =	sadd.s32 s10, s8;
	s9 =	sadd.s32 $0x66200, s15  }
0x13: {  	s10 =	smax.u32 s12, $0x1;
	s12 =	sor.u32 $0x1C03, s31;
	s15 =	simm.s32 $0x1400  }
.LBB2_1:
0x14: {  	[spmem:s13], [sflag:s12] =	dma.local [hbm:s11], $0x2780  }
0x15: {  	_ =	swait.ge [sflag:s14], $0x2780  }
0x16: {  	[sflag:s14] =	ssyncset.done $0x0  }
0x17: {  	[sflag:s14] =	ssyncadd.s32 $0xFFFFD880  }
0x18: {  	[bflag:$0x0] =	sbarrier.arrive $0xFFFF  }
0x19: {  	[tilespmem:s3], [sflag:$0x3] =	stream.linear.gather [hbm4b:s5+s3], $0x1400, $0x38;
	[tilespmem:$0x1E400] =	vst v63  }
0x1a: {  	_ =	swait.ge [sflag:s14], $0x1400  }
0x1b: {  	[sflag:s14] =	ssyncset.done $0x0  }
0x1c: {  	[sflag:s14] =	ssyncadd.s32 $0xFFFFEC00  }
0x1d: {  	[tilespmem:s15], [sflag:$0x3] =	stream.linear.gather [hbm4b:s6+s3], $0x1400, $0x38;
	[tilespmem:$0x1E400] =	vst v63  }
0x1e: {  	_ =	swait.ge [sflag:s14], $0x1400  }
0x1f: {  	[sflag:s14] =	ssyncset.done $0x0  }
0x20: {  	[sflag:s14] =	ssyncadd.s32 $0xFFFFEC00  }
0x21: {  	[tilespmem:s17], [sflag:$0x1] =	stream.indirect.gather [hbm4b:s4+s16], $0x80, s3, s16, $0xb8;
	[tilespmem:$0x1E400] =	vst v63  }
0x22: {  	s25 =	simm.s32 $0x80  }
0x23: {  	[tilespmem:s18], [sflag:$0x2] =	stream.indirect.gather [hbm4b:s4+s16], $0x80, s25, s16, $0xb8;
	[tilespmem:$0x1E400] =	vst v63  }
0x24: {  	_ =	swait.ge [sflag:s19], $0x4000  }
0x25: {  	[sflag:s19] =	ssyncset.done $0x0  }
0x26: {  	s29 =	simm.s32 $0x1400;
	[sflag:s19] =	ssyncadd.s32 $0xFFFFC000  }
0x27: {  	[spmem:s1] =	stream.indirect.scatter.add.f32 [tilespmem:s17], [sflag:$0x3], $0x80, s29, s16, $0xb8;
	[tilespmem:$0x1E400] =	vst v63  }
0x28: {  	_ =	swait.ge [sflag:s14], $0x4000  }
0x29: {  	[sflag:s14] =	ssyncset.done $0x0  }
0x2a: {  	s30 =	simm.s32 $0x100;
	[sflag:s14] =	ssyncadd.s32 $0xFFFFC000  }
0x2b: {  	[tilespmem:s17], [sflag:$0x1] =	stream.indirect.gather [hbm4b:s4+s16], $0x80, s30, s16, $0xb8;
	[tilespmem:$0x1E400] =	vst v63  }
0x2c: {  	_ =	swait.ge [sflag:s20], $0x4000  }
0x2d: {  	[sflag:s20] =	ssyncset.done $0x0  }
0x2e: {  	s31 =	simm.s32 $0x1480;
	[sflag:s20] =	ssyncadd.s32 $0xFFFFC000  }
0x2f: {  	[spmem:s1] =	stream.indirect.scatter.add.f32 [tilespmem:s18], [sflag:$0x3], $0x80, s31, s16, $0xb8;
	[tilespmem:$0x1E400] =	vst v63  }
0x30: {  	_ =	swait.ge [sflag:s14], $0x4000  }
0x31: {  	s26 =	simm.s32 $0x800;
	s25 =	simm.s32 $0x100;
	[sflag:s14] =	ssyncset.done $0x0  }
.LBB2_2:
0x32: {  	s28 =	sadd.s32 $0x80, s25  }
0x33: {  	[sflag:s14] =	ssyncadd.s32 $0xFFFFC000;
	s29 =	smov.u32 s26;
	s30 =	sadd.s32 $0x400, s26  }
0x34: {  	[tilespmem:s18], [sflag:$0x2] =	stream.indirect.gather [hbm4b:s4+s16], $0x80, s28, s16, $0xb8;
	[tilespmem:$0x1E400] =	vst v63  }
0x35: {  	p0 =	sne.s32 s26, $0x4800;
	_ =	swait.ge [sflag:s19], $0x4000  }
0x36: {  	[sflag:s19] =	ssyncset.done $0x0  }
0x37: {  	s26 =	sadd.s32 $0x1400, s25;
	[sflag:s19] =	ssyncadd.s32 $0xFFFFC000  }
0x38: {  	[spmem:s1] =	stream.indirect.scatter.add.f32 [tilespmem:s17], [sflag:$0x3], $0x80, s26, s16, $0xb8;
	[tilespmem:$0x1E400] =	vst v63  }
0x39: {  	_ =	swait.ge [sflag:s14], $0x4000  }
0x3a: {  	[sflag:s14] =	ssyncset.done $0x0  }
0x3b: {  	s26 =	sadd.s32 $0x100, s25;
	[sflag:s14] =	ssyncadd.s32 $0xFFFFC000  }
0x3c: {  	[tilespmem:s17], [sflag:$0x1] =	stream.indirect.gather [hbm4b:s4+s16], $0x80, s26, s16, $0xb8;
	[tilespmem:$0x1E400] =	vst v63  }
0x3d: {  	_ =	swait.ge [sflag:s20], $0x4000  }
.Ltmp0:
0x3e: {  	[sflag:s20] =	ssyncset.done $0x0;
	(pc) =	sbr.rel @p0 .LBB2_2-.Ltmp0, $4  }
0x3f: {  	s25 =	sadd.s32 $0x1480, s25;
	[sflag:s20] =	ssyncadd.s32 $0xFFFFC000  }
0x40: {  	[spmem:s1] =	stream.indirect.scatter.add.f32 [tilespmem:s18], [sflag:$0x3], $0x80, s25, s16, $0xb8;
	[tilespmem:$0x1E400] =	vst v63  }
0x41: {  	_ =	swait.ge [sflag:s14], $0x4000  }
0x42: {  	s26 =	smov.u32 s30;
	s25 =	sshra.s32 s29, $0x2;
	[sflag:s14] =	ssyncset.done $0x0  }
0x43: {  	s26 =	sadd.s32 $0x80, s25;
	[sflag:s14] =	ssyncadd.s32 $0xFFFFC000  }
0x44: {  	[tilespmem:s18], [sflag:$0x2] =	stream.indirect.gather [hbm4b:s4+s16], $0x80, s26, s16, $0xb8;
	[tilespmem:$0x1E400] =	vst v63  }
0x45: {  	_ =	swait.ge [sflag:s19], $0x4000  }
0x46: {  	[sflag:s19] =	ssyncset.done $0x0  }
0x47: {  	s29 =	sadd.s32 $0x1400, s25;
	[sflag:s19] =	ssyncadd.s32 $0xFFFFC000  }
0x48: {  	[spmem:s1] =	stream.indirect.scatter.add.f32 [tilespmem:s17], [sflag:$0x3], $0x80, s29, s16, $0xb8;
	[tilespmem:$0x1E400] =	vst v63  }
0x49: {  	_ =	swait.ge [sflag:s14], $0x4000  }
0x4a: {  	[sflag:s14] =	ssyncset.done $0x0  }
0x4b: {  	s30 =	sadd.s32 $0x100, s25;
	[sflag:s14] =	ssyncadd.s32 $0xFFFFC000  }
0x4c: {  	[tilespmem:s17], [sflag:$0x1] =	stream.indirect.gather [hbm4b:s4+s16], $0x80, s30, s16, $0xb8;
	[tilespmem:$0x1E400] =	vst v63  }
0x4d: {  	_ =	swait.ge [sflag:s20], $0x4000  }
0x4e: {  	[sflag:s20] =	ssyncset.done $0x0  }
0x4f: {  	s31 =	sadd.s32 $0x1480, s25;
	[sflag:s20] =	ssyncadd.s32 $0xFFFFC000  }
0x50: {  	[spmem:s1] =	stream.indirect.scatter.add.f32 [tilespmem:s18], [sflag:$0x3], $0x80, s31, s16, $0xb8;
	[tilespmem:$0x1E400] =	vst v63  }
0x51: {  	_ =	swait.ge [sflag:s14], $0x4000  }
0x52: {  	[sflag:s14] =	ssyncset.done $0x0  }
0x53: {  	[sflag:s14] =	ssyncadd.s32 $0xFFFFC000  }
0x54: {  	[tilespmem:s18], [sflag:$0x2] =	stream.indirect.gather [hbm4b:s4+s16], $0x80, s21, s16, $0xb8;
	[tilespmem:$0x1E400] =	vst v63  }
0x55: {  	_ =	swait.ge [sflag:s19], $0x4000  }
0x56: {  	[sflag:s19] =	ssyncset.done $0x0  }
0x57: {  	[sflag:s19] =	ssyncadd.s32 $0xFFFFC000  }
0x58: {  	[spmem:s1] =	stream.indirect.scatter.add.f32 [tilespmem:s17], [sflag:$0x3], $0x80, s22, s16, $0xb8;
	[tilespmem:$0x1E400] =	vst v63  }
0x59: {  	_ =	swait.ge [sflag:s14], $0x4000  }
0x5a: {  	[sflag:s14] =	ssyncset.done $0x0  }
0x5b: {  	[sflag:s14] =	ssyncadd.s32 $0xFFFFC000  }
0x5c: {  	_ =	swait.ge [sflag:s20], $0x4000  }
0x5d: {  	[sflag:s20] =	ssyncset.done $0x0  }
0x5e: {  	[sflag:s20] =	ssyncadd.s32 $0xFFFFC000  }
0x5f: {  	[spmem:s1] =	stream.indirect.scatter.add.f32 [tilespmem:s18], [sflag:$0x3], $0x80, s23, s16, $0xb8;
	[tilespmem:$0x1E400] =	vst v63  }
0x60: {  	_ =	swait.ge [sflag:s14], $0x4000  }
0x61: {  	[sflag:s14] =	ssyncset.done $0x0  }
0x62: {  	s26 =	simm.s32 $0x0;
	[sflag:s14] =	ssyncadd.s32 $0xFFFFC000  }
0x63: {  	[tilespmem:s26], [sflag:$0x3] =	stream.linear.gather [hbm4b:s7+s26], $0x1400, $0x38;
	[tilespmem:$0x1E400] =	vst v63  }
0x64: {  	_ =	swait.ge [sflag:s14], $0x1400  }
0x65: {  	[sflag:s14] =	ssyncset.done $0x0  }
0x66: {  	[sflag:s14] =	ssyncadd.s32 $0xFFFFEC00  }
0x67: {  	[tilespmem:s15], [sflag:$0x3] =	stream.linear.gather [hbm4b:s8+s26], $0x1400, $0x38;
	[tilespmem:$0x1E400] =	vst v63  }
0x68: {  	_ =	swait.ge [sflag:s14], $0x1400  }
0x69: {  	[sflag:s14] =	ssyncset.done $0x0  }
0x6a: {  	[sflag:s14] =	ssyncadd.s32 $0xFFFFEC00  }
0x6b: {  	[tilespmem:s17], [sflag:$0x1] =	stream.indirect.gather [hbm4b:s4+s16], $0x80, s26, s16, $0xb8;
	[tilespmem:$0x1E400] =	vst v63  }
0x6c: {  	s28 =	simm.s32 $0x80  }
0x6d: {  	[tilespmem:s18], [sflag:$0x2] =	stream.indirect.gather [hbm4b:s4+s16], $0x80, s28, s16, $0xb8;
	[tilespmem:$0x1E400] =	vst v63  }
0x6e: {  	_ =	swait.ge [sflag:s19], $0x4000  }
0x6f: {  	[sflag:s19] =	ssyncset.done $0x0  }
0x70: {  	s29 =	simm.s32 $0x1400;
	[sflag:s19] =	ssyncadd.s32 $0xFFFFC000  }
0x71: {  	[spmem:s1] =	stream.indirect.scatter.add.f32 [tilespmem:s17], [sflag:$0x3], $0x80, s29, s16, $0xb8;
	[tilespmem:$0x1E400] =	vst v63  }
0x72: {  	_ =	swait.ge [sflag:s14], $0x4000  }
0x73: {  	[sflag:s14] =	ssyncset.done $0x0  }
0x74: {  	s30 =	simm.s32 $0x100;
	[sflag:s14] =	ssyncadd.s32 $0xFFFFC000  }
0x75: {  	[tilespmem:s17], [sflag:$0x1] =	stream.indirect.gather [hbm4b:s4+s16], $0x80, s30, s16, $0xb8;
	[tilespmem:$0x1E400] =	vst v63  }
0x76: {  	_ =	swait.ge [sflag:s20], $0x4000  }
0x77: {  	[sflag:s20] =	ssyncset.done $0x0  }
0x78: {  	s31 =	simm.s32 $0x1480;
	[sflag:s20] =	ssyncadd.s32 $0xFFFFC000  }
0x79: {  	[spmem:s1] =	stream.indirect.scatter.add.f32 [tilespmem:s18], [sflag:$0x3], $0x80, s31, s16, $0xb8;
	[tilespmem:$0x1E400] =	vst v63  }
0x7a: {  	_ =	swait.ge [sflag:s14], $0x4000  }
0x7b: {  	s25 =	simm.s32 $0x100;
	s26 =	simm.s32 $0x800;
	[sflag:s14] =	ssyncset.done $0x0  }
.LBB2_4:
0x7c: {  	s28 =	sadd.s32 $0x80, s25  }
0x7d: {  	[sflag:s14] =	ssyncadd.s32 $0xFFFFC000;
	s29 =	smov.u32 s26;
	s30 =	sadd.s32 $0x400, s26  }
0x7e: {  	[tilespmem:s18], [sflag:$0x2] =	stream.indirect.gather [hbm4b:s4+s16], $0x80, s28, s16, $0xb8;
	[tilespmem:$0x1E400] =	vst v63  }
0x7f: {  	p0 =	sne.s32 s26, $0x4800;
	_ =	swait.ge [sflag:s19], $0x4000  }
0x80: {  	[sflag:s19] =	ssyncset.done $0x0  }
0x81: {  	s26 =	sadd.s32 $0x1400, s25;
	[sflag:s19] =	ssyncadd.s32 $0xFFFFC000  }
0x82: {  	[spmem:s1] =	stream.indirect.scatter.add.f32 [tilespmem:s17], [sflag:$0x3], $0x80, s26, s16, $0xb8;
	[tilespmem:$0x1E400] =	vst v63  }
0x83: {  	_ =	swait.ge [sflag:s14], $0x4000  }
0x84: {  	[sflag:s14] =	ssyncset.done $0x0  }
0x85: {  	s26 =	sadd.s32 $0x100, s25;
	[sflag:s14] =	ssyncadd.s32 $0xFFFFC000  }
0x86: {  	[tilespmem:s17], [sflag:$0x1] =	stream.indirect.gather [hbm4b:s4+s16], $0x80, s26, s16, $0xb8;
	[tilespmem:$0x1E400] =	vst v63  }
0x87: {  	_ =	swait.ge [sflag:s20], $0x4000  }
.Ltmp1:
0x88: {  	[sflag:s20] =	ssyncset.done $0x0;
	(pc) =	sbr.rel @p0 .LBB2_4-.Ltmp1, $4  }
0x89: {  	s25 =	sadd.s32 $0x1480, s25;
	[sflag:s20] =	ssyncadd.s32 $0xFFFFC000  }
0x8a: {  	[spmem:s1] =	stream.indirect.scatter.add.f32 [tilespmem:s18], [sflag:$0x3], $0x80, s25, s16, $0xb8;
	[tilespmem:$0x1E400] =	vst v63  }
0x8b: {  	_ =	swait.ge [sflag:s14], $0x4000  }
0x8c: {  	s26 =	smov.u32 s30;
	s25 =	sshra.s32 s29, $0x2;
	[sflag:s14] =	ssyncset.done $0x0  }
0x8d: {  	s26 =	sadd.s32 $0x80, s25;
	[sflag:s14] =	ssyncadd.s32 $0xFFFFC000  }
0x8e: {  	[tilespmem:s18], [sflag:$0x2] =	stream.indirect.gather [hbm4b:s4+s16], $0x80, s26, s16, $0xb8;
	[tilespmem:$0x1E400] =	vst v63  }
0x8f: {  	_ =	swait.ge [sflag:s19], $0x4000  }
0x90: {  	[sflag:s19] =	ssyncset.done $0x0  }
0x91: {  	s29 =	sadd.s32 $0x1400, s25;
	[sflag:s19] =	ssyncadd.s32 $0xFFFFC000  }
0x92: {  	[spmem:s1] =	stream.indirect.scatter.add.f32 [tilespmem:s17], [sflag:$0x3], $0x80, s29, s16, $0xb8;
	[tilespmem:$0x1E400] =	vst v63  }
0x93: {  	_ =	swait.ge [sflag:s14], $0x4000  }
0x94: {  	[sflag:s14] =	ssyncset.done $0x0  }
0x95: {  	s30 =	sadd.s32 $0x100, s25;
	[sflag:s14] =	ssyncadd.s32 $0xFFFFC000  }
0x96: {  	[tilespmem:s17], [sflag:$0x1] =	stream.indirect.gather [hbm4b:s4+s16], $0x80, s30, s16, $0xb8;
	[tilespmem:$0x1E400] =	vst v63  }
0x97: {  	_ =	swait.ge [sflag:s20], $0x4000  }
0x98: {  	[sflag:s20] =	ssyncset.done $0x0  }
0x99: {  	s31 =	sadd.s32 $0x1480, s25;
	[sflag:s20] =	ssyncadd.s32 $0xFFFFC000  }
0x9a: {  	[spmem:s1] =	stream.indirect.scatter.add.f32 [tilespmem:s18], [sflag:$0x3], $0x80, s31, s16, $0xb8;
	[tilespmem:$0x1E400] =	vst v63  }
0x9b: {  	_ =	swait.ge [sflag:s14], $0x4000  }
0x9c: {  	[sflag:s14] =	ssyncset.done $0x0  }
0x9d: {  	[sflag:s14] =	ssyncadd.s32 $0xFFFFC000  }
0x9e: {  	[tilespmem:s18], [sflag:$0x2] =	stream.indirect.gather [hbm4b:s4+s16], $0x80, s21, s16, $0xb8;
	[tilespmem:$0x1E400] =	vst v63  }
0x9f: {  	_ =	swait.ge [sflag:s19], $0x4000  }
0xa0: {  	[sflag:s19] =	ssyncset.done $0x0  }
0xa1: {  	[sflag:s19] =	ssyncadd.s32 $0xFFFFC000  }
0xa2: {  	[spmem:s1] =	stream.indirect.scatter.add.f32 [tilespmem:s17], [sflag:$0x3], $0x80, s22, s16, $0xb8;
	[tilespmem:$0x1E400] =	vst v63  }
0xa3: {  	_ =	swait.ge [sflag:s14], $0x4000  }
0xa4: {  	[sflag:s14] =	ssyncset.done $0x0  }
0xa5: {  	[sflag:s14] =	ssyncadd.s32 $0xFFFFC000  }
0xa6: {  	_ =	swait.ge [sflag:s20], $0x4000  }
0xa7: {  	[sflag:s20] =	ssyncset.done $0x0  }
0xa8: {  	[sflag:s20] =	ssyncadd.s32 $0xFFFFC000  }
0xa9: {  	[spmem:s1] =	stream.indirect.scatter.add.f32 [tilespmem:s18], [sflag:$0x3], $0x80, s23, s16, $0xb8;
	[tilespmem:$0x1E400] =	vst v63  }
0xaa: {  	_ =	swait.ge [sflag:s14], $0x4000  }
0xab: {  	s24 =	sadd.s32 $0x1, s24;
	[sflag:s14] =	ssyncset.done $0x0  }
0xac: {  	p0 =	sne.s32 s24, s10;
	[sflag:s14] =	ssyncadd.s32 $0xFFFFC000  }
.Ltmp2:
0xad: {  	[bflag:$0x0] =	sbarrier.arrive $0xFFFF;
	(pc) =	sbr.rel @p0 .LBB2_1-.Ltmp2, $4  }
0xae: {  	[hbm:s9], [sflag:s12] =	dma.local [spmem:s13], $0x2780  }
0xaf: {  	_ =	swait.ge [sflag:s14], $0x2780  }
0xb0: {  	[sflag:s14] =	ssyncset.done $0x0  }
0xb1: {  	[sflag:s14] =	ssyncadd.s32 $0xFFFFD880  }
0xb2: {  	_ =	sfence.sel $0x180000  }
0xb3: {  	[bflag:$0x0] =	sbarrier.arrive $0xFFFF  }
0xb4: {  	p0 =	sne.s32 s2, $0x0;
	_ =	strace $0x90000050  }
0xb5: {  	s0 =	sadd.s32 @!p0 $0x100000, s0;
	[bflag:$0x2] =	sbarrier.arrive $0xFFFF  }
0xb6: {  	[sflag:s0] =	ssyncadd.tile.s32 @!p0 $0x1;
	_ =	shalt  }
.Lfunc_end2:
_tile_overlayer_lowered:
.L_overlay_start_2:
0xb7: {  	(tag) =	ssettag $0x2  }
0xb8: {  	s0 =	rddreg [dreg:$0x0];
	s2 =	stileid.u32  }
0xb9: {  	s1 =	rddreg [dreg:$0x1];
	p0 =	sne.s32 s2, $0x0  }
0xba: {  	s3 =	rddreg [dreg:$0x2];
	[bflag:$0x3] =	sbarrier.arrive $0xFFFF;
	s2 =	simm.s32 @!p0 $0x1C03  }
0xbb: {  	[timem:s3], [sflag:s2] =	dma.local @!p0 [hbm:s0], s1  }
0xbc: {  	s0 =	simm.s32 @!p0 $0x3  }
0xbd: {  	_ =	swait.ge @!p0 [sflag:s0], s1  }
0xbe: {  	s1 =	ssub.s32 @!p0 $0x0, s1;
	[sflag:s0] =	ssyncset.done @!p0 $0x0  }
0xbf: {  	[sflag:s0] =	ssyncadd.s32 @!p0 s1  }
0xc0: {  	[bflag:$0x3] =	sbarrier.arrive $0xFFFF  }
0xc1: {  	_ =	shalt  }

</sc_bundles>
